<compile_context>
chip_gen: v7x
topology: tpu7x:2x2x1
jax: 0.10.2.dev20260603
libtpu: 0.0.44.dev20260713+nightly
codegen_flags: <defaults>
</compile_context>

<pallas_src>
import jax
import jax.numpy as jnp
from jax import lax
from jax.experimental import pallas as pl
from jax.experimental.pallas import tpu as pltpu
from jax.experimental.pallas import tpu_sc as plsc

N = 10000
E = 320000
D = 128
D_EA = 128
NC = 2
NS = 16
CH = 128
NW = NC * NS
CHUNKS = -(-E // (CH * NW))
EP = CHUNKS * CH * NW
CHUNKS_A = 129
CHUNKS_B = 2 * CHUNKS - CHUNKS_A
ACC_ROWS = 10112
ZROWS = ACC_ROWS // NS
WROWS = 624
WTAIL = N - NS * WROWS

import functools


@functools.cache
def _mesh():
    return plsc.VectorSubcoreMesh(core_axis_name="c", subcore_axis_name="s")


def _writeback(acc, out_hbm, c, s):
    r0 = s * WROWS
    pltpu.sync_copy(acc.at[pl.ds(r0, WROWS)],
                    out_hbm.at[pl.ds(c * N + r0, WROWS)])

    @pl.when(s == 0)
    def _():
        t0 = NS * WROWS
        pltpu.sync_copy(acc.at[pl.ds(t0, WTAIL)],
                        out_hbm.at[pl.ds(c * N + t0, WTAIL)])


def _gather_seg_sum_body(x_hbm, sd_hbm, z_hbm, px_hbm,
                         acc, sda, sdb, rows0, rows1, sem0, sem1, isa, isb):
    c = lax.axis_index("c")
    s = lax.axis_index("s")

    pltpu.sync_copy(z_hbm, acc.at[pl.ds(s * ZROWS, ZROWS)])
    plsc.subcore_barrier()

    cnt = jnp.where(c == 0, CHUNKS_A, CHUNKS_B)
    base = jnp.where(c == 0, s * CHUNKS_A,
                     NS * CHUNKS_A + s * CHUNKS_B)

    pltpu.sync_copy(sd_hbm.at[pl.ds(base, 1)], sdb.at[pl.ds(0, 1)])
    pltpu.async_copy(x_hbm.at[sdb.at[0, 0]], rows0, sem0).wait()
    pltpu.sync_copy(rows0, acc.at[sdb.at[0, 1]], add=True)
    pltpu.async_copy(sd_hbm.at[pl.ds(base + 1, 2)], sda, isa)

    @pl.loop(1, cnt, step=4)
    def _(i):
        pltpu.make_async_copy(sd_hbm.at[pl.ds(0, 2)], sda, isa).wait()
        d0 = pltpu.async_copy(x_hbm.at[sda.at[0, 0]], rows0, sem0)
        d1 = pltpu.async_copy(x_hbm.at[sda.at[1, 0]], rows1, sem1)
        pltpu.async_copy(sd_hbm.at[pl.ds(i + base + 2, 2)], sdb, isb)
        d0.wait()
        pltpu.sync_copy(rows0, acc.at[sda.at[0, 1]], add=True)
        d1.wait()
        pltpu.sync_copy(rows1, acc.at[sda.at[1, 1]], add=True)
        pltpu.make_async_copy(sd_hbm.at[pl.ds(0, 2)], sdb, isb).wait()
        e0 = pltpu.async_copy(x_hbm.at[sdb.at[0, 0]], rows0, sem0)
        e1 = pltpu.async_copy(x_hbm.at[sdb.at[1, 0]], rows1, sem1)
        pltpu.async_copy(sd_hbm.at[pl.ds(i + base + 4, 2)], sda, isa)
        e0.wait()
        pltpu.sync_copy(rows0, acc.at[sdb.at[0, 1]], add=True)
        e1.wait()
        pltpu.sync_copy(rows1, acc.at[sdb.at[1, 1]], add=True)

    pltpu.make_async_copy(sd_hbm.at[pl.ds(0, 2)], sda, isa).wait()

    plsc.subcore_barrier()
    _writeback(acc, px_hbm, c, s)


@functools.cache
def _gather_seg_sum():
    return pl.kernel(
        _gather_seg_sum_body,
        out_type=jax.ShapeDtypeStruct((NC * N, D), jnp.float32),
        mesh=_mesh(),
        scratch_types=[
            pltpu.VMEM_SHARED((ACC_ROWS, D), jnp.float32),
            pltpu.VMEM((2, 2, CH), jnp.int32),
            pltpu.VMEM((2, 2, CH), jnp.int32),
            pltpu.VMEM((CH, D), jnp.float32),
            pltpu.VMEM((CH, D), jnp.float32),
            pltpu.SemaphoreType.DMA,
            pltpu.SemaphoreType.DMA,
            pltpu.SemaphoreType.DMA,
            pltpu.SemaphoreType.DMA,
        ],
    )


def _ea_seg_sum_body(ea_hbm, sd_hbm, z_hbm, pe_hbm,
                     acc, sdp, ea0, ea1, sem0, sem1):
    c = lax.axis_index("c")
    s = lax.axis_index("s")
    wid = s * NC + c

    pltpu.sync_copy(z_hbm, acc.at[pl.ds(s * ZROWS, ZROWS)])
    plsc.subcore_barrier()

    base = wid * CHUNKS

    e00 = pl.multiple_of(base * CH, CH)
    pltpu.sync_copy(sd_hbm.at[pl.ds(base, 1)], sdp.at[pl.ds(0, 1)])
    pltpu.async_copy(ea_hbm.at[pl.ds(e00, CH)], ea0, sem0).wait()
    pltpu.sync_copy(ea0, acc.at[sdp.at[0, 1]], add=True)

    @pl.loop(1, CHUNKS, step=2)
    def _(i):
        e0 = pl.multiple_of((base + i) * CH, CH)
        pltpu.sync_copy(sd_hbm.at[pl.ds(i + base, 2)], sdp)
        d0 = pltpu.async_copy(ea_hbm.at[pl.ds(e0, CH)], ea0, sem0)
        d1 = pltpu.async_copy(ea_hbm.at[pl.ds(e0 + CH, CH)], ea1, sem1)
        d0.wait()
        pltpu.sync_copy(ea0, acc.at[sdp.at[0, 1]], add=True)
        d1.wait()
        pltpu.sync_copy(ea1, acc.at[sdp.at[1, 1]], add=True)

    plsc.subcore_barrier()
    _writeback(acc, pe_hbm, c, s)


@functools.cache
def _ea_seg_sum():
    return pl.kernel(
        _ea_seg_sum_body,
        out_type=jax.ShapeDtypeStruct((NC * N, D_EA), jnp.float32),
        mesh=_mesh(),
        scratch_types=[
            pltpu.VMEM_SHARED((ACC_ROWS, D_EA), jnp.float32),
            pltpu.VMEM((2, 2, CH), jnp.int32),
            pltpu.VMEM((CH, D_EA), jnp.float32),
            pltpu.VMEM((CH, D_EA), jnp.float32),
            pltpu.SemaphoreType.DMA,
            pltpu.SemaphoreType.DMA,
        ],
    )


BLK = 1000


def _dense_body(xin, p0, p1, q0, q1, wn, we, bnbe, wua, wub, bu, g, beta,
                out):
    sx = p0[...] + p1[...]
    se = q0[...] + q1[...]
    cnt = se[:, 16:17]
    rinv = 1.0 / jnp.maximum(cnt, 1.0)
    aggr = (jnp.dot(sx, wn[...], preferred_element_type=jnp.float32)
            + jnp.dot(se[:, :16], we[...], preferred_element_type=jnp.float32)
            + cnt * bnbe[...]) * rinv
    h = (jnp.dot(xin[...], wua[...], preferred_element_type=jnp.float32)
         + jnp.dot(aggr, wub[...], preferred_element_type=jnp.float32)
         + bu[...])
    h = jnp.maximum(h, 0.0)
    mu = jnp.mean(h, axis=-1, keepdims=True)
    var = jnp.mean((h - mu) ** 2, axis=-1, keepdims=True)
    out[...] = (h - mu) * jax.lax.rsqrt(var + 1e-5) * g[...] + beta[...]


def _dense_layer(xin, px, pe, Wn, We, bnbe, Wua, Wub, bu, g, beta):
    nb = N // BLK
    full = lambda i: (0, 0)
    return pl.pallas_call(
        _dense_body,
        grid=(nb,),
        in_specs=[
            pl.BlockSpec((BLK, D), lambda i: (i, 0)),
            pl.BlockSpec((BLK, D), lambda i: (i, 0)),
            pl.BlockSpec((BLK, D), lambda i, _n=nb: (i + _n, 0)),
            pl.BlockSpec((BLK, D_EA), lambda i: (i, 0)),
            pl.BlockSpec((BLK, D_EA), lambda i, _n=nb: (i + _n, 0)),
            pl.BlockSpec((D, D), full),
            pl.BlockSpec((16, D), full),
            pl.BlockSpec((1, D), full),
            pl.BlockSpec((D, D), full),
            pl.BlockSpec((D, D), full),
            pl.BlockSpec((1, D), full),
            pl.BlockSpec((1, D), full),
            pl.BlockSpec((1, D), full),
        ],
        out_specs=pl.BlockSpec((BLK, D), lambda i: (i, 0)),
        out_shape=jax.ShapeDtypeStruct((N, D), jnp.float32),
    )(xin, px, px, pe, pe, Wn, We, bnbe, Wua, Wub, bu, g, beta)


def kernel(x, edge_index, edge_attr, Wn1, bn1, We1, be1, Wu1, bu1, g1, beta1,
           Wn2, bn2, We2, be2, Wu2, bu2, g2, beta2):
    src = edge_index[0]
    dst = edge_index[1]
    pad = EP - E
    src_p = jnp.concatenate([src, jnp.zeros((pad,), jnp.int32)])
    dst_p = jnp.concatenate([dst, jnp.full((pad,), N, jnp.int32)])
    sd = jnp.stack([src_p.reshape(-1, CH), dst_p.reshape(-1, CH)], axis=1)
    sd = jnp.concatenate([sd, jnp.zeros((2, 2, CH), jnp.int32)], axis=0)
    ea = jnp.concatenate(
        [edge_attr,
         jnp.ones((E, 1), jnp.float32),
         jnp.zeros((E, D_EA - 17), jnp.float32)], axis=1)
    ea = jnp.concatenate([ea, jnp.zeros((pad, D_EA), jnp.float32)], axis=0)
    zx = jnp.zeros((ZROWS, D), jnp.float32)

    pe = _ea_seg_sum()(ea, sd, zx)
    px = _gather_seg_sum()(x, sd, zx)
    h1 = _dense_layer(x, px, pe, Wn1, We1, (bn1 + be1).reshape(1, D),
                      Wu1[:D], Wu1[D:], bu1.reshape(1, D),
                      g1.reshape(1, D), beta1.reshape(1, D))
    ph = _gather_seg_sum()(h1, sd, zx)
    out = _dense_layer(h1, ph, pe, Wn2, We2, (bn2 + be2).reshape(1, D),
                       Wu2[:D], Wu2[D:], bu2.reshape(1, D),
                       g2.reshape(1, D), beta2.reshape(1, D))
    return out

# --- scband reference (transcript-rebuilt; emitter-appended) ---
"""Pipeline reference for scband-graph-sage-20925080666658 (READ-ONLY COPY).

The authoritative reference and input builder live on the scoring server;
editing this copy changes nothing except your own understanding.
"""

import jax, jax.numpy as jnp
import numpy as np

N = 10000
E = 320000
D_IN = 128
D_EDGE = 16
D_HID = 128
D_OUT = 128


def setup_inputs(seed: int = 0) -> dict:
    key = jax.random.key(seed)
    ks = jax.random.split(key, 24)
    inp = {}
    inp["x"] = jax.random.normal(ks[0], (N, D_IN), dtype=jnp.float32)
    inp["edge_index"] = jax.random.randint(ks[1], (2, E), 0, N, dtype=jnp.int32)
    inp["edge_attr"] = jax.random.normal(ks[2], (E, D_EDGE), dtype=jnp.float32)
    # conv1 params
    inp["Wn1"] = jax.random.normal(ks[3], (D_IN, D_HID), dtype=jnp.float32) * 0.05
    inp["bn1"] = jnp.zeros((D_HID,), dtype=jnp.float32)
    inp["We1"] = jax.random.normal(ks[4], (D_EDGE, D_HID), dtype=jnp.float32) * 0.05
    inp["be1"] = jnp.zeros((D_HID,), dtype=jnp.float32)
    inp["Wu1"] = jax.random.normal(ks[5], (D_IN + D_HID, D_HID), dtype=jnp.float32) * 0.05
    inp["bu1"] = jnp.zeros((D_HID,), dtype=jnp.float32)
    # norm1 params
    inp["g1"] = jnp.ones((D_HID,), dtype=jnp.float32)
    inp["beta1"] = jnp.zeros((D_HID,), dtype=jnp.float32)
    # conv2 params
    inp["Wn2"] = jax.random.normal(ks[6], (D_HID, D_OUT), dtype=jnp.float32) * 0.05
    inp["bn2"] = jnp.zeros((D_OUT,), dtype=jnp.float32)
    inp["We2"] = jax.random.normal(ks[7], (D_EDGE, D_OUT), dtype=jnp.float32) * 0.05
    inp["be2"] = jnp.zeros((D_OUT,), dtype=jnp.float32)
    inp["Wu2"] = jax.random.normal(ks[8], (D_HID + D_OUT, D_OUT), dtype=jnp.float32) * 0.05
    inp["bu2"] = jnp.zeros((D_OUT,), dtype=jnp.float32)
    # norm2 params
    inp["g2"] = jnp.ones((D_OUT,), dtype=jnp.float32)
    inp["beta2"] = jnp.zeros((D_OUT,), dtype=jnp.float32)
    return inp


def _sage_conv(x, edge_attr, src, dst, Wn, bn, We, be, Wu, bu):
    # message: lin_node(x_j) + lin_edge(edge_attr)
    msg = x[src] @ Wn + bn + edge_attr @ We + be
    # mean aggregation at destination nodes
    summed = jax.ops.segment_sum(msg, dst, num_segments=N)
    cnt = jax.ops.segment_sum(jnp.ones((msg.shape[0], 1), dtype=msg.dtype), dst, num_segments=N)
    aggr = summed / jnp.maximum(cnt, 1.0)
    # update: relu(lin_update(cat([x, aggr])))
    h = jnp.concatenate([x, aggr], axis=1)
    return jax.nn.relu(h @ Wu + bu)


def _layer_norm(h, g, b, eps=1e-5):
    mu = jnp.mean(h, axis=-1, keepdims=True)
    var = jnp.mean((h - mu) ** 2, axis=-1, keepdims=True)
    return (h - mu) / jnp.sqrt(var + eps) * g + b


def reference(x, edge_index, edge_attr, Wn1, bn1, We1, be1, Wu1, bu1, g1, beta1,
              Wn2, bn2, We2, be2, Wu2, bu2, g2, beta2):
    src = edge_index[0]
    dst = edge_index[1]
    h = _sage_conv(x, edge_attr, src, dst, Wn1, bn1, We1, be1, Wu1, bu1)
    h = _layer_norm(h, g1, beta1)
    # dropout is identity in eval mode
    h = _sage_conv(h, edge_attr, src, dst, Wn2, bn2, We2, be2, Wu2, bu2)
    h = _layer_norm(h, g2, beta2)
    return h

if __name__ == "__main__":
    import jax
    _d = setup_inputs()
    print(jax.jit(kernel)(*tuple(_d.values())))

</pallas_src>

<mosaic_0001>
#map = affine_map<(d0, d1) -> (0, 0)>
#map1 = affine_map<(d0, d1) -> (0, 0, 0)>
module attributes {stable_mosaic.version = 14 : i64} {
  func.func @_gather_seg_sum_body(%arg0: i32, %arg1: i32, %arg2: memref<10000x128xf32, #tpu.memory_space<hbm>>, %arg3: memref<2530x2x128xi32, #tpu.memory_space<hbm>>, %arg4: memref<632x128xf32, #tpu.memory_space<hbm>>, %arg5: memref<20000x128xf32, #tpu.memory_space<hbm>>, %arg6: memref<10112x128xf32, #tpu.memory_space<vmem_shared>>, %arg7: memref<2x2x128xi32, #tpu.memory_space<vmem>>, %arg8: memref<2x2x128xi32, #tpu.memory_space<vmem>>, %arg9: memref<128x128xf32, #tpu.memory_space<vmem>>, %arg10: memref<128x128xf32, #tpu.memory_space<vmem>>, %arg11: memref<!tpu.dma_semaphore, #tpu.memory_space<semaphore_mem>>, %arg12: memref<!tpu.dma_semaphore, #tpu.memory_space<semaphore_mem>>, %arg13: memref<!tpu.dma_semaphore, #tpu.memory_space<semaphore_mem>>, %arg14: memref<!tpu.dma_semaphore, #tpu.memory_space<semaphore_mem>>) attributes {dimension_semantics = [#tpu.dimension_semantics<core_parallel>, #tpu.dimension_semantics<subcore_parallel>], iteration_bounds = array<i64: 2, 16>, scalar_prefetch = 0 : i64, scratch_operands = 9 : i64, tpu.core_type = #tpu.core_type<sc_vector_subcore>, window_params = [{transform_indices = #map}, {transform_indices = #map1}, {transform_indices = #map}, {transform_indices = #map}]} {
    %mul3A = arith.constant 632 : i32
    %mul3A_0 = arith.muli %arg1, %mul3A : i32
    "tpu.region"() ({
      %run_scoped3A_67 = tpu.sem_alloc : memref<!tpu.dma_semaphore, #tpu.memory_space<semaphore_mem>>
      %dma_start3A_68 = arith.constant 0 : i32
      %dma_start3A_69 = tpu.memref_slice %arg6[%mul3A_0, %dma_start3A_68] : memref<10112x128xf32, #tpu.memory_space<vmem_shared>> -> memref<632x128xf32, #tpu.memory_space<vmem_shared>>
      tpu.enqueue_dma source(%arg4 : memref<632x128xf32, #tpu.memory_space<hbm>>) target(%dma_start3A_69 : memref<632x128xf32, #tpu.memory_space<vmem_shared>>) target_semaphore(%run_scoped3A_67 : memref<!tpu.dma_semaphore, #tpu.memory_space<semaphore_mem>>)
      %dma_wait3A_70 = arith.constant 0 : i32
      %dma_wait3A_71 = tpu.memref_slice %arg6[%mul3A_0, %dma_wait3A_70] : memref<10112x128xf32, #tpu.memory_space<vmem_shared>> -> memref<632x128xf32, #tpu.memory_space<vmem_shared>>
      tpu.wait_dma2 semaphore(%run_scoped3A_67 : memref<!tpu.dma_semaphore, #tpu.memory_space<semaphore_mem>>) src(%arg4 : memref<632x128xf32, #tpu.memory_space<hbm>>) dst(%dma_wait3A_71 : memref<632x128xf32, #tpu.memory_space<vmem_shared>>)
      tpu.yield
    }) : () -> ()
    %barrier3A = arith.constant 0 : index
    tpu.barrier barrier_id(%barrier3A)
    %eq3A = arith.constant 0 : i32
    %eq3A_1 = arith.cmpi eq, %arg0, %eq3A : i32
    %jit3A = arith.constant 129 : i32
    %jit3A_2 = arith.constant 29 : i32
    %select_n3A = arith.select %eq3A_1, %jit3A, %jit3A_2 : i32
    %eq3A_3 = arith.constant 0 : i32
    %eq3A_4 = arith.cmpi eq, %arg0, %eq3A_3 : i32
    %mul3A_5 = arith.constant 129 : i32
    %mul3A_6 = arith.muli %arg1, %mul3A_5 : i32
    %mul3A_7 = arith.constant 29 : i32
    %mul3A_8 = arith.muli %arg1, %mul3A_7 : i32
    %add3A = arith.constant 2064 : i32
    %add3A_9 = arith.addi %add3A, %mul3A_8 : i32
    %select_n3A_10 = arith.select %eq3A_4, %mul3A_6, %add3A_9 : i32
    "tpu.region"() ({
      %run_scoped3A_67 = tpu.sem_alloc : memref<!tpu.dma_semaphore, #tpu.memory_space<semaphore_mem>>
      %dma_start3A_68 = arith.constant 0 : i32
      %dma_start3A_69 = arith.constant 0 : i32
      %dma_start3A_70 = arith.constant 0 : i32
      %dma_start3A_71 = tpu.memref_slice %arg8[%dma_start3A_68, %dma_start3A_69, %dma_start3A_70] : memref<2x2x128xi32, #tpu.memory_space<vmem>> -> memref<1x2x128xi32, #tpu.memory_space<vmem>>
      %dma_start3A_72 = arith.constant 0 : i32
      %dma_start3A_73 = arith.constant 0 : i32
      %dma_start3A_74 = tpu.memref_slice %arg3[%select_n3A_10, %dma_start3A_72, %dma_start3A_73] : memref<2530x2x128xi32, #tpu.memory_space<hbm>> -> memref<1x2x128xi32, #tpu.memory_space<hbm>>
      %dma_start3A_75 = arith.constant 0 : i32
      %dma_start3A_76 = arith.constant 0 : i32
      %dma_start3A_77 = arith.constant 0 : i32
      %dma_start3A_78 = tpu.memref_slice %arg8[%dma_start3A_75, %dma_start3A_76, %dma_start3A_77] : memref<2x2x128xi32, #tpu.memory_space<vmem>> -> memref<1x2x128xi32, #tpu.memory_space<vmem>>
      %dma_start3A_79 = arith.constant 0 : i32
      %dma_start3A_80 = arith.constant 0 : i32
      %dma_start3A_81 = tpu.memref_slice %arg3[%select_n3A_10, %dma_start3A_79, %dma_start3A_80] : memref<2530x2x128xi32, #tpu.memory_space<hbm>> -> memref<1x2x128xi32, #tpu.memory_space<hbm>>
      tpu.enqueue_dma source(%dma_start3A_81 : memref<1x2x128xi32, #tpu.memory_space<hbm>>) target(%dma_start3A_78 : memref<1x2x128xi32, #tpu.memory_space<vmem>>) target_semaphore(%run_scoped3A_67 : memref<!tpu.dma_semaphore, #tpu.memory_space<semaphore_mem>>)
      %dma_wait3A_82 = arith.constant 0 : i32
      %dma_wait3A_83 = arith.constant 0 : i32
      %dma_wait3A_84 = arith.constant 0 : i32
      %dma_wait3A_85 = tpu.memref_slice %arg8[%dma_wait3A_82, %dma_wait3A_83, %dma_wait3A_84] : memref<2x2x128xi32, #tpu.memory_space<vmem>> -> memref<1x2x128xi32, #tpu.memory_space<vmem>>
      %dma_wait3A_86 = arith.constant 0 : i32
      %dma_wait3A_87 = arith.constant 0 : i32
      %dma_wait3A_88 = tpu.memref_slice %arg3[%select_n3A_10, %dma_wait3A_86, %dma_wait3A_87] : memref<2530x2x128xi32, #tpu.memory_space<hbm>> -> memref<1x2x128xi32, #tpu.memory_space<hbm>>
      %dma_wait3A_89 = arith.constant 0 : i32
      %dma_wait3A_90 = arith.constant 0 : i32
      %dma_wait3A_91 = arith.constant 0 : i32
      %dma_wait3A_92 = tpu.memref_slice %arg8[%dma_wait3A_89, %dma_wait3A_90, %dma_wait3A_91] : memref<2x2x128xi32, #tpu.memory_space<vmem>> -> memref<1x2x128xi32, #tpu.memory_space<vmem>>
      %dma_wait3A_93 = arith.constant 0 : i32
      %dma_wait3A_94 = arith.constant 0 : i32
      %dma_wait3A_95 = tpu.memref_slice %arg3[%select_n3A_10, %dma_wait3A_93, %dma_wait3A_94] : memref<2530x2x128xi32, #tpu.memory_space<hbm>> -> memref<1x2x128xi32, #tpu.memory_space<hbm>>
      tpu.wait_dma2 semaphore(%run_scoped3A_67 : memref<!tpu.dma_semaphore, #tpu.memory_space<semaphore_mem>>) src(%dma_wait3A_95 : memref<1x2x128xi32, #tpu.memory_space<hbm>>) dst(%dma_wait3A_92 : memref<1x2x128xi32, #tpu.memory_space<vmem>>)
      tpu.yield
    }) : () -> ()
    %dma_start3A = arith.constant 0 : i32
    %dma_start3A_11 = arith.constant 0 : i32
    %dma_start3A_12 = arith.constant 0 : i32
    %dma_start3A_13 = tpu.memref_slice %arg8[%dma_start3A, %dma_start3A_11, %dma_start3A_12] : memref<2x2x128xi32, #tpu.memory_space<vmem>> -> memref<1x1x128xi32, #tpu.memory_space<vmem>>
    %dma_start3A_14 = tpu.memref_squeeze %dma_start3A_13 : memref<1x1x128xi32, #tpu.memory_space<vmem>> -> memref<128xi32, #tpu.memory_space<vmem>>
    %dma_start3A_15 = arith.constant 0 : i32
    %dma_start3A_16 = arith.constant 0 : i32
    %dma_start3A_17 = tpu.memref_slice %arg2[%dma_start3A_15, %dma_start3A_16] : memref<10000x128xf32, #tpu.memory_space<hbm>> -> memref<10000x128xf32, #tpu.memory_space<hbm>>
    tpu.enqueue_indirect_dma source(%dma_start3A_17 : memref<10000x128xf32, #tpu.memory_space<hbm>>) target(%arg9 : memref<128x128xf32, #tpu.memory_space<vmem>>) offsets(%dma_start3A_14 : memref<128xi32, #tpu.memory_space<vmem>>) semaphore(%arg11 : memref<!tpu.dma_semaphore, #tpu.memory_space<semaphore_mem>>)
    %dma_wait3A = arith.constant 0 : i32
    %dma_wait3A_18 = arith.constant 0 : i32
    %dma_wait3A_19 = arith.constant 0 : i32
    %dma_wait3A_20 = tpu.memref_slice %arg8[%dma_wait3A, %dma_wait3A_18, %dma_wait3A_19] : memref<2x2x128xi32, #tpu.memory_space<vmem>> -> memref<1x1x128xi32, #tpu.memory_space<vmem>>
    %dma_wait3A_21 = tpu.memref_squeeze %dma_wait3A_20 : memref<1x1x128xi32, #tpu.memory_space<vmem>> -> memref<128xi32, #tpu.memory_space<vmem>>
    %dma_wait3A_22 = arith.constant 0 : i32
    %dma_wait3A_23 = arith.constant 0 : i32
    %dma_wait3A_24 = tpu.memref_slice %arg2[%dma_wait3A_22, %dma_wait3A_23] : memref<10000x128xf32, #tpu.memory_space<hbm>> -> memref<10000x128xf32, #tpu.memory_space<hbm>>
    tpu.wait_indirect_dma semaphore(%arg11 : memref<!tpu.dma_semaphore, #tpu.memory_space<semaphore_mem>>) src(%dma_wait3A_24 : memref<10000x128xf32, #tpu.memory_space<hbm>>) dst(%arg9 : memref<128x128xf32, #tpu.memory_space<vmem>>)
    %run_scoped3A = arith.constant 0 : i32
    %run_scoped3A_25 = arith.constant 1 : i32
    "tpu.region"() ({
      %run_scoped3A_67 = tpu.sem_alloc : memref<!tpu.dma_semaphore, #tpu.memory_space<semaphore_mem>>
      %dma_start3A_68 = arith.constant 0 : i32
      %dma_start3A_69 = tpu.memref_slice %arg8[%run_scoped3A, %run_scoped3A_25, %dma_start3A_68] : memref<2x2x128xi32, #tpu.memory_space<vmem>> -> memref<1x1x128xi32, #tpu.memory_space<vmem>>
      %dma_start3A_70 = tpu.memref_squeeze %dma_start3A_69 : memref<1x1x128xi32, #tpu.memory_space<vmem>> -> memref<128xi32, #tpu.memory_space<vmem>>
      %dma_start3A_71 = arith.constant 0 : i32
      %dma_start3A_72 = arith.constant 0 : i32
      %dma_start3A_73 = tpu.memref_slice %arg6[%dma_start3A_71, %dma_start3A_72] : memref<10112x128xf32, #tpu.memory_space<vmem_shared>> -> memref<10112x128xf32, #tpu.memory_space<vmem_shared>>
      tpu.enqueue_indirect_dma source(%arg9 : memref<128x128xf32, #tpu.memory_space<vmem>>) target(%dma_start3A_73 : memref<10112x128xf32, #tpu.memory_space<vmem_shared>>) offsets(%dma_start3A_70 : memref<128xi32, #tpu.memory_space<vmem>>) semaphore(%run_scoped3A_67 : memref<!tpu.dma_semaphore, #tpu.memory_space<semaphore_mem>>) {add = true}
      %dma_wait3A_74 = arith.constant 0 : i32
      %dma_wait3A_75 = tpu.memref_slice %arg8[%run_scoped3A, %run_scoped3A_25, %dma_wait3A_74] : memref<2x2x128xi32, #tpu.memory_space<vmem>> -> memref<1x1x128xi32, #tpu.memory_space<vmem>>
      %dma_wait3A_76 = tpu.memref_squeeze %dma_wait3A_75 : memref<1x1x128xi32, #tpu.memory_space<vmem>> -> memref<128xi32, #tpu.memory_space<vmem>>
      %dma_wait3A_77 = arith.constant 0 : i32
      %dma_wait3A_78 = arith.constant 0 : i32
      %dma_wait3A_79 = tpu.memref_slice %arg6[%dma_wait3A_77, %dma_wait3A_78] : memref<10112x128xf32, #tpu.memory_space<vmem_shared>> -> memref<10112x128xf32, #tpu.memory_space<vmem_shared>>
      tpu.wait_indirect_dma semaphore(%run_scoped3A_67 : memref<!tpu.dma_semaphore, #tpu.memory_space<semaphore_mem>>) src(%arg9 : memref<128x128xf32, #tpu.memory_space<vmem>>) dst(%dma_wait3A_79 : memref<10112x128xf32, #tpu.memory_space<vmem_shared>>)
      tpu.yield
    }) : () -> ()
    %add3A_26 = arith.constant 1 : i32
    %add3A_27 = arith.addi %select_n3A_10, %add3A_26 : i32
    %dma_start3A_28 = arith.constant 0 : i32
    %dma_start3A_29 = arith.constant 0 : i32
    %dma_start3A_30 = tpu.memref_slice %arg3[%add3A_27, %dma_start3A_28, %dma_start3A_29] : memref<2530x2x128xi32, #tpu.memory_space<hbm>> -> memref<2x2x128xi32, #tpu.memory_space<hbm>>
    %dma_start3A_31 = arith.constant 0 : i32
    %dma_start3A_32 = arith.constant 0 : i32
    %dma_start3A_33 = tpu.memref_slice %arg3[%add3A_27, %dma_start3A_31, %dma_start3A_32] : memref<2530x2x128xi32, #tpu.memory_space<hbm>> -> memref<2x2x128xi32, #tpu.memory_space<hbm>>
    tpu.enqueue_dma source(%dma_start3A_33 : memref<2x2x128xi32, #tpu.memory_space<hbm>>) target(%arg7 : memref<2x2x128xi32, #tpu.memory_space<vmem>>) target_semaphore(%arg13 : memref<!tpu.dma_semaphore, #tpu.memory_space<semaphore_mem>>)
    %sub3A = arith.constant 1 : i32
    %sub3A_34 = arith.subi %select_n3A, %sub3A : i32
    %sub3A_35 = arith.constant 4 : i32
    %sub3A_36 = arith.constant 1 : i32
    %sub3A_37 = arith.subi %sub3A_35, %sub3A_36 : i32
    %add3A_38 = arith.addi %sub3A_34, %sub3A_37 : i32
    %div3A = arith.constant 4 : i32
    %div3A_39 = arith.divsi %add3A_38, %div3A : i32
    %while3A = arith.constant 4 : i32
    %while3A_40 = arith.constant 1 : i32
    %while3A_41 = arith.constant 0 : i32
    %while3A_42 = arith.subi %div3A_39, %while3A_41 : i32
    %while3A_43 = arith.addi %while3A_41, %while3A_42 : i32
    %while3A_44 = arith.constant 1 : i32
    %while3A_45 = arith.divsi %while3A_42, %while3A_44 : i32
    %while3A_46 = arith.muli %while3A_45, %while3A_44 : i32
    %while3A_47 = arith.addi %while3A_41, %while3A_46 : i32
    %while3A_48 = arith.constant 1 : i32
    scf.for %while3A_67 = %while3A_41 to %while3A_47 step %while3A_48  : i32 {
      %mul3A_68 = arith.muli %while3A_67, %while3A : i32
      %add3A_69 = arith.addi %while3A_40, %mul3A_68 : i32
      %dma_wait3A_70 = arith.constant 0 : i32
      %dma_wait3A_71 = arith.constant 0 : i32
      %dma_wait3A_72 = arith.constant 0 : i32
      %dma_wait3A_73 = tpu.memref_slice %arg3[%dma_wait3A_70, %dma_wait3A_71, %dma_wait3A_72] : memref<2530x2x128xi32, #tpu.memory_space<hbm>> -> memref<2x2x128xi32, #tpu.memory_space<hbm>>
      %dma_wait3A_74 = arith.constant 0 : i32
      %dma_wait3A_75 = arith.constant 0 : i32
      %dma_wait3A_76 = arith.constant 0 : i32
      %dma_wait3A_77 = tpu.memref_slice %arg3[%dma_wait3A_74, %dma_wait3A_75, %dma_wait3A_76] : memref<2530x2x128xi32, #tpu.memory_space<hbm>> -> memref<2x2x128xi32, #tpu.memory_space<hbm>>
      tpu.wait_dma2 semaphore(%arg13 : memref<!tpu.dma_semaphore, #tpu.memory_space<semaphore_mem>>) src(%dma_wait3A_77 : memref<2x2x128xi32, #tpu.memory_space<hbm>>) dst(%arg7 : memref<2x2x128xi32, #tpu.memory_space<vmem>>)
      %dma_start3A_78 = arith.constant 0 : i32
      %dma_start3A_79 = arith.constant 0 : i32
      %dma_start3A_80 = arith.constant 0 : i32
      %dma_start3A_81 = tpu.memref_slice %arg7[%dma_start3A_78, %dma_start3A_79, %dma_start3A_80] : memref<2x2x128xi32, #tpu.memory_space<vmem>> -> memref<1x1x128xi32, #tpu.memory_space<vmem>>
      %dma_start3A_82 = tpu.memref_squeeze %dma_start3A_81 : memref<1x1x128xi32, #tpu.memory_space<vmem>> -> memref<128xi32, #tpu.memory_space<vmem>>
      %dma_start3A_83 = arith.constant 0 : i32
      %dma_start3A_84 = arith.constant 0 : i32
      %dma_start3A_85 = tpu.memref_slice %arg2[%dma_start3A_83, %dma_start3A_84] : memref<10000x128xf32, #tpu.memory_space<hbm>> -> memref<10000x128xf32, #tpu.memory_space<hbm>>
      tpu.enqueue_indirect_dma source(%dma_start3A_85 : memref<10000x128xf32, #tpu.memory_space<hbm>>) target(%arg9 : memref<128x128xf32, #tpu.memory_space<vmem>>) offsets(%dma_start3A_82 : memref<128xi32, #tpu.memory_space<vmem>>) semaphore(%arg11 : memref<!tpu.dma_semaphore, #tpu.memory_space<semaphore_mem>>)
      %dma_start3A_86 = arith.constant 1 : i32
      %dma_start3A_87 = arith.constant 0 : i32
      %dma_start3A_88 = arith.constant 0 : i32
      %dma_start3A_89 = tpu.memref_slice %arg7[%dma_start3A_86, %dma_start3A_87, %dma_start3A_88] : memref<2x2x128xi32, #tpu.memory_space<vmem>> -> memref<1x1x128xi32, #tpu.memory_space<vmem>>
      %dma_start3A_90 = tpu.memref_squeeze %dma_start3A_89 : memref<1x1x128xi32, #tpu.memory_space<vmem>> -> memref<128xi32, #tpu.memory_space<vmem>>
      %dma_start3A_91 = arith.constant 0 : i32
      %dma_start3A_92 = arith.constant 0 : i32
      %dma_start3A_93 = tpu.memref_slice %arg2[%dma_start3A_91, %dma_start3A_92] : memref<10000x128xf32, #tpu.memory_space<hbm>> -> memref<10000x128xf32, #tpu.memory_space<hbm>>
      tpu.enqueue_indirect_dma source(%dma_start3A_93 : memref<10000x128xf32, #tpu.memory_space<hbm>>) target(%arg10 : memref<128x128xf32, #tpu.memory_space<vmem>>) offsets(%dma_start3A_90 : memref<128xi32, #tpu.memory_space<vmem>>) semaphore(%arg12 : memref<!tpu.dma_semaphore, #tpu.memory_space<semaphore_mem>>)
      %add3A_94 = arith.addi %add3A_69, %select_n3A_10 : i32
      %add3A_95 = arith.constant 2 : i32
      %add3A_96 = arith.addi %add3A_94, %add3A_95 : i32
      %dma_start3A_97 = arith.constant 0 : i32
      %dma_start3A_98 = arith.constant 0 : i32
      %dma_start3A_99 = tpu.memref_slice %arg3[%add3A_96, %dma_start3A_97, %dma_start3A_98] : memref<2530x2x128xi32, #tpu.memory_space<hbm>> -> memref<2x2x128xi32, #tpu.memory_space<hbm>>
      %dma_start3A_100 = arith.constant 0 : i32
      %dma_start3A_101 = arith.constant 0 : i32
      %dma_start3A_102 = tpu.memref_slice %arg3[%add3A_96, %dma_start3A_100, %dma_start3A_101] : memref<2530x2x128xi32, #tpu.memory_space<hbm>> -> memref<2x2x128xi32, #tpu.memory_space<hbm>>
      tpu.enqueue_dma source(%dma_start3A_102 : memref<2x2x128xi32, #tpu.memory_space<hbm>>) target(%arg8 : memref<2x2x128xi32, #tpu.memory_space<vmem>>) target_semaphore(%arg14 : memref<!tpu.dma_semaphore, #tpu.memory_space<semaphore_mem>>)
      %dma_wait3A_103 = arith.constant 0 : i32
      %dma_wait3A_104 = arith.constant 0 : i32
      %dma_wait3A_105 = arith.constant 0 : i32
      %dma_wait3A_106 = tpu.memref_slice %arg7[%dma_wait3A_103, %dma_wait3A_104, %dma_wait3A_105] : memref<2x2x128xi32, #tpu.memory_space<vmem>> -> memref<1x1x128xi32, #tpu.memory_space<vmem>>
      %dma_wait3A_107 = tpu.memref_squeeze %dma_wait3A_106 : memref<1x1x128xi32, #tpu.memory_space<vmem>> -> memref<128xi32, #tpu.memory_space<vmem>>
      %dma_wait3A_108 = arith.constant 0 : i32
      %dma_wait3A_109 = arith.constant 0 : i32
      %dma_wait3A_110 = tpu.memref_slice %arg2[%dma_wait3A_108, %dma_wait3A_109] : memref<10000x128xf32, #tpu.memory_space<hbm>> -> memref<10000x128xf32, #tpu.memory_space<hbm>>
      tpu.wait_indirect_dma semaphore(%arg11 : memref<!tpu.dma_semaphore, #tpu.memory_space<semaphore_mem>>) src(%dma_wait3A_110 : memref<10000x128xf32, #tpu.memory_space<hbm>>) dst(%arg9 : memref<128x128xf32, #tpu.memory_space<vmem>>)
      %run_scoped3A_111 = arith.constant 0 : i32
      %run_scoped3A_112 = arith.constant 1 : i32
      "tpu.region"() ({
        %run_scoped3A_176 = tpu.sem_alloc : memref<!tpu.dma_semaphore, #tpu.memory_space<semaphore_mem>>
        %dma_start3A_177 = arith.constant 0 : i32
        %dma_start3A_178 = tpu.memref_slice %arg7[%run_scoped3A_111, %run_scoped3A_112, %dma_start3A_177] : memref<2x2x128xi32, #tpu.memory_space<vmem>> -> memref<1x1x128xi32, #tpu.memory_space<vmem>>
        %dma_start3A_179 = tpu.memref_squeeze %dma_start3A_178 : memref<1x1x128xi32, #tpu.memory_space<vmem>> -> memref<128xi32, #tpu.memory_space<vmem>>
        %dma_start3A_180 = arith.constant 0 : i32
        %dma_start3A_181 = arith.constant 0 : i32
        %dma_start3A_182 = tpu.memref_slice %arg6[%dma_start3A_180, %dma_start3A_181] : memref<10112x128xf32, #tpu.memory_space<vmem_shared>> -> memref<10112x128xf32, #tpu.memory_space<vmem_shared>>
        tpu.enqueue_indirect_dma source(%arg9 : memref<128x128xf32, #tpu.memory_space<vmem>>) target(%dma_start3A_182 : memref<10112x128xf32, #tpu.memory_space<vmem_shared>>) offsets(%dma_start3A_179 : memref<128xi32, #tpu.memory_space<vmem>>) semaphore(%run_scoped3A_176 : memref<!tpu.dma_semaphore, #tpu.memory_space<semaphore_mem>>) {add = true}
        %dma_wait3A_183 = arith.constant 0 : i32
        %dma_wait3A_184 = tpu.memref_slice %arg7[%run_scoped3A_111, %run_scoped3A_112, %dma_wait3A_183] : memref<2x2x128xi32, #tpu.memory_space<vmem>> -> memref<1x1x128xi32, #tpu.memory_space<vmem>>
        %dma_wait3A_185 = tpu.memref_squeeze %dma_wait3A_184 : memref<1x1x128xi32, #tpu.memory_space<vmem>> -> memref<128xi32, #tpu.memory_space<vmem>>
        %dma_wait3A_186 = arith.constant 0 : i32
        %dma_wait3A_187 = arith.constant 0 : i32
        %dma_wait3A_188 = tpu.memref_slice %arg6[%dma_wait3A_186, %dma_wait3A_187] : memref<10112x128xf32, #tpu.memory_space<vmem_shared>> -> memref<10112x128xf32, #tpu.memory_space<vmem_shared>>
        tpu.wait_indirect_dma semaphore(%run_scoped3A_176 : memref<!tpu.dma_semaphore, #tpu.memory_space<semaphore_mem>>) src(%arg9 : memref<128x128xf32, #tpu.memory_space<vmem>>) dst(%dma_wait3A_188 : memref<10112x128xf32, #tpu.memory_space<vmem_shared>>)
        tpu.yield
      }) : () -> ()
      %dma_wait3A_113 = arith.constant 1 : i32
      %dma_wait3A_114 = arith.constant 0 : i32
      %dma_wait3A_115 = arith.constant 0 : i32
      %dma_wait3A_116 = tpu.memref_slice %arg7[%dma_wait3A_113, %dma_wait3A_114, %dma_wait3A_115] : memref<2x2x128xi32, #tpu.memory_space<vmem>> -> memref<1x1x128xi32, #tpu.memory_space<vmem>>
      %dma_wait3A_117 = tpu.memref_squeeze %dma_wait3A_116 : memref<1x1x128xi32, #tpu.memory_space<vmem>> -> memref<128xi32, #tpu.memory_space<vmem>>
      %dma_wait3A_118 = arith.constant 0 : i32
      %dma_wait3A_119 = arith.constant 0 : i32
      %dma_wait3A_120 = tpu.memref_slice %arg2[%dma_wait3A_118, %dma_wait3A_119] : memref<10000x128xf32, #tpu.memory_space<hbm>> -> memref<10000x128xf32, #tpu.memory_space<hbm>>
      tpu.wait_indirect_dma semaphore(%arg12 : memref<!tpu.dma_semaphore, #tpu.memory_space<semaphore_mem>>) src(%dma_wait3A_120 : memref<10000x128xf32, #tpu.memory_space<hbm>>) dst(%arg10 : memref<128x128xf32, #tpu.memory_space<vmem>>)
      %run_scoped3A_121 = arith.constant 1 : i32
      %run_scoped3A_122 = arith.constant 1 : i32
      "tpu.region"() ({
        %run_scoped3A_176 = tpu.sem_alloc : memref<!tpu.dma_semaphore, #tpu.memory_space<semaphore_mem>>
        %dma_start3A_177 = arith.constant 0 : i32
        %dma_start3A_178 = tpu.memref_slice %arg7[%run_scoped3A_121, %run_scoped3A_122, %dma_start3A_177] : memref<2x2x128xi32, #tpu.memory_space<vmem>> -> memref<1x1x128xi32, #tpu.memory_space<vmem>>
        %dma_start3A_179 = tpu.memref_squeeze %dma_start3A_178 : memref<1x1x128xi32, #tpu.memory_space<vmem>> -> memref<128xi32, #tpu.memory_space<vmem>>
        %dma_start3A_180 = arith.constant 0 : i32
        %dma_start3A_181 = arith.constant 0 : i32
        %dma_start3A_182 = tpu.memref_slice %arg6[%dma_start3A_180, %dma_start3A_181] : memref<10112x128xf32, #tpu.memory_space<vmem_shared>> -> memref<10112x128xf32, #tpu.memory_space<vmem_shared>>
        tpu.enqueue_indirect_dma source(%arg10 : memref<128x128xf32, #tpu.memory_space<vmem>>) target(%dma_start3A_182 : memref<10112x128xf32, #tpu.memory_space<vmem_shared>>) offsets(%dma_start3A_179 : memref<128xi32, #tpu.memory_space<vmem>>) semaphore(%run_scoped3A_176 : memref<!tpu.dma_semaphore, #tpu.memory_space<semaphore_mem>>) {add = true}
        %dma_wait3A_183 = arith.constant 0 : i32
        %dma_wait3A_184 = tpu.memref_slice %arg7[%run_scoped3A_121, %run_scoped3A_122, %dma_wait3A_183] : memref<2x2x128xi32, #tpu.memory_space<vmem>> -> memref<1x1x128xi32, #tpu.memory_space<vmem>>
        %dma_wait3A_185 = tpu.memref_squeeze %dma_wait3A_184 : memref<1x1x128xi32, #tpu.memory_space<vmem>> -> memref<128xi32, #tpu.memory_space<vmem>>
        %dma_wait3A_186 = arith.constant 0 : i32
        %dma_wait3A_187 = arith.constant 0 : i32
        %dma_wait3A_188 = tpu.memref_slice %arg6[%dma_wait3A_186, %dma_wait3A_187] : memref<10112x128xf32, #tpu.memory_space<vmem_shared>> -> memref<10112x128xf32, #tpu.memory_space<vmem_shared>>
        tpu.wait_indirect_dma semaphore(%run_scoped3A_176 : memref<!tpu.dma_semaphore, #tpu.memory_space<semaphore_mem>>) src(%arg10 : memref<128x128xf32, #tpu.memory_space<vmem>>) dst(%dma_wait3A_188 : memref<10112x128xf32, #tpu.memory_space<vmem_shared>>)
        tpu.yield
      }) : () -> ()
      %dma_wait3A_123 = arith.constant 0 : i32
      %dma_wait3A_124 = arith.constant 0 : i32
      %dma_wait3A_125 = arith.constant 0 : i32
      %dma_wait3A_126 = tpu.memref_slice %arg3[%dma_wait3A_123, %dma_wait3A_124, %dma_wait3A_125] : memref<2530x2x128xi32, #tpu.memory_space<hbm>> -> memref<2x2x128xi32, #tpu.memory_space<hbm>>
      %dma_wait3A_127 = arith.constant 0 : i32
      %dma_wait3A_128 = arith.constant 0 : i32
      %dma_wait3A_129 = arith.constant 0 : i32
      %dma_wait3A_130 = tpu.memref_slice %arg3[%dma_wait3A_127, %dma_wait3A_128, %dma_wait3A_129] : memref<2530x2x128xi32, #tpu.memory_space<hbm>> -> memref<2x2x128xi32, #tpu.memory_space<hbm>>
      tpu.wait_dma2 semaphore(%arg14 : memref<!tpu.dma_semaphore, #tpu.memory_space<semaphore_mem>>) src(%dma_wait3A_130 : memref<2x2x128xi32, #tpu.memory_space<hbm>>) dst(%arg8 : memref<2x2x128xi32, #tpu.memory_space<vmem>>)
      %dma_start3A_131 = arith.constant 0 : i32
      %dma_start3A_132 = arith.constant 0 : i32
      %dma_start3A_133 = arith.constant 0 : i32
      %dma_start3A_134 = tpu.memref_slice %arg8[%dma_start3A_131, %dma_start3A_132, %dma_start3A_133] : memref<2x2x128xi32, #tpu.memory_space<vmem>> -> memref<1x1x128xi32, #tpu.memory_space<vmem>>
      %dma_start3A_135 = tpu.memref_squeeze %dma_start3A_134 : memref<1x1x128xi32, #tpu.memory_space<vmem>> -> memref<128xi32, #tpu.memory_space<vmem>>
      %dma_start3A_136 = arith.constant 0 : i32
      %dma_start3A_137 = arith.constant 0 : i32
      %dma_start3A_138 = tpu.memref_slice %arg2[%dma_start3A_136, %dma_start3A_137] : memref<10000x128xf32, #tpu.memory_space<hbm>> -> memref<10000x128xf32, #tpu.memory_space<hbm>>
      tpu.enqueue_indirect_dma source(%dma_start3A_138 : memref<10000x128xf32, #tpu.memory_space<hbm>>) target(%arg9 : memref<128x128xf32, #tpu.memory_space<vmem>>) offsets(%dma_start3A_135 : memref<128xi32, #tpu.memory_space<vmem>>) semaphore(%arg11 : memref<!tpu.dma_semaphore, #tpu.memory_space<semaphore_mem>>)
      %dma_start3A_139 = arith.constant 1 : i32
      %dma_start3A_140 = arith.constant 0 : i32
      %dma_start3A_141 = arith.constant 0 : i32
      %dma_start3A_142 = tpu.memref_slice %arg8[%dma_start3A_139, %dma_start3A_140, %dma_start3A_141] : memref<2x2x128xi32, #tpu.memory_space<vmem>> -> memref<1x1x128xi32, #tpu.memory_space<vmem>>
      %dma_start3A_143 = tpu.memref_squeeze %dma_start3A_142 : memref<1x1x128xi32, #tpu.memory_space<vmem>> -> memref<128xi32, #tpu.memory_space<vmem>>
      %dma_start3A_144 = arith.constant 0 : i32
      %dma_start3A_145 = arith.constant 0 : i32
      %dma_start3A_146 = tpu.memref_slice %arg2[%dma_start3A_144, %dma_start3A_145] : memref<10000x128xf32, #tpu.memory_space<hbm>> -> memref<10000x128xf32, #tpu.memory_space<hbm>>
      tpu.enqueue_indirect_dma source(%dma_start3A_146 : memref<10000x128xf32, #tpu.memory_space<hbm>>) target(%arg10 : memref<128x128xf32, #tpu.memory_space<vmem>>) offsets(%dma_start3A_143 : memref<128xi32, #tpu.memory_space<vmem>>) semaphore(%arg12 : memref<!tpu.dma_semaphore, #tpu.memory_space<semaphore_mem>>)
      %add3A_147 = arith.addi %add3A_69, %select_n3A_10 : i32
      %add3A_148 = arith.constant 4 : i32
      %add3A_149 = arith.addi %add3A_147, %add3A_148 : i32
      %dma_start3A_150 = arith.constant 0 : i32
      %dma_start3A_151 = arith.constant 0 : i32
      %dma_start3A_152 = tpu.memref_slice %arg3[%add3A_149, %dma_start3A_150, %dma_start3A_151] : memref<2530x2x128xi32, #tpu.memory_space<hbm>> -> memref<2x2x128xi32, #tpu.memory_space<hbm>>
      %dma_start3A_153 = arith.constant 0 : i32
      %dma_start3A_154 = arith.constant 0 : i32
      %dma_start3A_155 = tpu.memref_slice %arg3[%add3A_149, %dma_start3A_153, %dma_start3A_154] : memref<2530x2x128xi32, #tpu.memory_space<hbm>> -> memref<2x2x128xi32, #tpu.memory_space<hbm>>
      tpu.enqueue_dma source(%dma_start3A_155 : memref<2x2x128xi32, #tpu.memory_space<hbm>>) target(%arg7 : memref<2x2x128xi32, #tpu.memory_space<vmem>>) target_semaphore(%arg13 : memref<!tpu.dma_semaphore, #tpu.memory_space<semaphore_mem>>)
      %dma_wait3A_156 = arith.constant 0 : i32
      %dma_wait3A_157 = arith.constant 0 : i32
      %dma_wait3A_158 = arith.constant 0 : i32
      %dma_wait3A_159 = tpu.memref_slice %arg8[%dma_wait3A_156, %dma_wait3A_157, %dma_wait3A_158] : memref<2x2x128xi32, #tpu.memory_space<vmem>> -> memref<1x1x128xi32, #tpu.memory_space<vmem>>
      %dma_wait3A_160 = tpu.memref_squeeze %dma_wait3A_159 : memref<1x1x128xi32, #tpu.memory_space<vmem>> -> memref<128xi32, #tpu.memory_space<vmem>>
      %dma_wait3A_161 = arith.constant 0 : i32
      %dma_wait3A_162 = arith.constant 0 : i32
      %dma_wait3A_163 = tpu.memref_slice %arg2[%dma_wait3A_161, %dma_wait3A_162] : memref<10000x128xf32, #tpu.memory_space<hbm>> -> memref<10000x128xf32, #tpu.memory_space<hbm>>
      tpu.wait_indirect_dma semaphore(%arg11 : memref<!tpu.dma_semaphore, #tpu.memory_space<semaphore_mem>>) src(%dma_wait3A_163 : memref<10000x128xf32, #tpu.memory_space<hbm>>) dst(%arg9 : memref<128x128xf32, #tpu.memory_space<vmem>>)
      %run_scoped3A_164 = arith.constant 0 : i32
      %run_scoped3A_165 = arith.constant 1 : i32
      "tpu.region"() ({
        %run_scoped3A_176 = tpu.sem_alloc : memref<!tpu.dma_semaphore, #tpu.memory_space<semaphore_mem>>
        %dma_start3A_177 = arith.constant 0 : i32
        %dma_start3A_178 = tpu.memref_slice %arg8[%run_scoped3A_164, %run_scoped3A_165, %dma_start3A_177] : memref<2x2x128xi32, #tpu.memory_space<vmem>> -> memref<1x1x128xi32, #tpu.memory_space<vmem>>
        %dma_start3A_179 = tpu.memref_squeeze %dma_start3A_178 : memref<1x1x128xi32, #tpu.memory_space<vmem>> -> memref<128xi32, #tpu.memory_space<vmem>>
        %dma_start3A_180 = arith.constant 0 : i32
        %dma_start3A_181 = arith.constant 0 : i32
        %dma_start3A_182 = tpu.memref_slice %arg6[%dma_start3A_180, %dma_start3A_181] : memref<10112x128xf32, #tpu.memory_space<vmem_shared>> -> memref<10112x128xf32, #tpu.memory_space<vmem_shared>>
        tpu.enqueue_indirect_dma source(%arg9 : memref<128x128xf32, #tpu.memory_space<vmem>>) target(%dma_start3A_182 : memref<10112x128xf32, #tpu.memory_space<vmem_shared>>) offsets(%dma_start3A_179 : memref<128xi32, #tpu.memory_space<vmem>>) semaphore(%run_scoped3A_176 : memref<!tpu.dma_semaphore, #tpu.memory_space<semaphore_mem>>) {add = true}
        %dma_wait3A_183 = arith.constant 0 : i32
        %dma_wait3A_184 = tpu.memref_slice %arg8[%run_scoped3A_164, %run_scoped3A_165, %dma_wait3A_183] : memref<2x2x128xi32, #tpu.memory_space<vmem>> -> memref<1x1x128xi32, #tpu.memory_space<vmem>>
        %dma_wait3A_185 = tpu.memref_squeeze %dma_wait3A_184 : memref<1x1x128xi32, #tpu.memory_space<vmem>> -> memref<128xi32, #tpu.memory_space<vmem>>
        %dma_wait3A_186 = arith.constant 0 : i32
        %dma_wait3A_187 = arith.constant 0 : i32
        %dma_wait3A_188 = tpu.memref_slice %arg6[%dma_wait3A_186, %dma_wait3A_187] : memref<10112x128xf32, #tpu.memory_space<vmem_shared>> -> memref<10112x128xf32, #tpu.memory_space<vmem_shared>>
        tpu.wait_indirect_dma semaphore(%run_scoped3A_176 : memref<!tpu.dma_semaphore, #tpu.memory_space<semaphore_mem>>) src(%arg9 : memref<128x128xf32, #tpu.memory_space<vmem>>) dst(%dma_wait3A_188 : memref<10112x128xf32, #tpu.memory_space<vmem_shared>>)
        tpu.yield
      }) : () -> ()
      %dma_wait3A_166 = arith.constant 1 : i32
      %dma_wait3A_167 = arith.constant 0 : i32
      %dma_wait3A_168 = arith.constant 0 : i32
      %dma_wait3A_169 = tpu.memref_slice %arg8[%dma_wait3A_166, %dma_wait3A_167, %dma_wait3A_168] : memref<2x2x128xi32, #tpu.memory_space<vmem>> -> memref<1x1x128xi32, #tpu.memory_space<vmem>>
      %dma_wait3A_170 = tpu.memref_squeeze %dma_wait3A_169 : memref<1x1x128xi32, #tpu.memory_space<vmem>> -> memref<128xi32, #tpu.memory_space<vmem>>
      %dma_wait3A_171 = arith.constant 0 : i32
      %dma_wait3A_172 = arith.constant 0 : i32
      %dma_wait3A_173 = tpu.memref_slice %arg2[%dma_wait3A_171, %dma_wait3A_172] : memref<10000x128xf32, #tpu.memory_space<hbm>> -> memref<10000x128xf32, #tpu.memory_space<hbm>>
      tpu.wait_indirect_dma semaphore(%arg12 : memref<!tpu.dma_semaphore, #tpu.memory_space<semaphore_mem>>) src(%dma_wait3A_173 : memref<10000x128xf32, #tpu.memory_space<hbm>>) dst(%arg10 : memref<128x128xf32, #tpu.memory_space<vmem>>)
      %run_scoped3A_174 = arith.constant 1 : i32
      %run_scoped3A_175 = arith.constant 1 : i32
      "tpu.region"() ({
        %run_scoped3A_176 = tpu.sem_alloc : memref<!tpu.dma_semaphore, #tpu.memory_space<semaphore_mem>>
        %dma_start3A_177 = arith.constant 0 : i32
        %dma_start3A_178 = tpu.memref_slice %arg8[%run_scoped3A_174, %run_scoped3A_175, %dma_start3A_177] : memref<2x2x128xi32, #tpu.memory_space<vmem>> -> memref<1x1x128xi32, #tpu.memory_space<vmem>>
        %dma_start3A_179 = tpu.memref_squeeze %dma_start3A_178 : memref<1x1x128xi32, #tpu.memory_space<vmem>> -> memref<128xi32, #tpu.memory_space<vmem>>
        %dma_start3A_180 = arith.constant 0 : i32
        %dma_start3A_181 = arith.constant 0 : i32
        %dma_start3A_182 = tpu.memref_slice %arg6[%dma_start3A_180, %dma_start3A_181] : memref<10112x128xf32, #tpu.memory_space<vmem_shared>> -> memref<10112x128xf32, #tpu.memory_space<vmem_shared>>
        tpu.enqueue_indirect_dma source(%arg10 : memref<128x128xf32, #tpu.memory_space<vmem>>) target(%dma_start3A_182 : memref<10112x128xf32, #tpu.memory_space<vmem_shared>>) offsets(%dma_start3A_179 : memref<128xi32, #tpu.memory_space<vmem>>) semaphore(%run_scoped3A_176 : memref<!tpu.dma_semaphore, #tpu.memory_space<semaphore_mem>>) {add = true}
        %dma_wait3A_183 = arith.constant 0 : i32
        %dma_wait3A_184 = tpu.memref_slice %arg8[%run_scoped3A_174, %run_scoped3A_175, %dma_wait3A_183] : memref<2x2x128xi32, #tpu.memory_space<vmem>> -> memref<1x1x128xi32, #tpu.memory_space<vmem>>
        %dma_wait3A_185 = tpu.memref_squeeze %dma_wait3A_184 : memref<1x1x128xi32, #tpu.memory_space<vmem>> -> memref<128xi32, #tpu.memory_space<vmem>>
        %dma_wait3A_186 = arith.constant 0 : i32
        %dma_wait3A_187 = arith.constant 0 : i32
        %dma_wait3A_188 = tpu.memref_slice %arg6[%dma_wait3A_186, %dma_wait3A_187] : memref<10112x128xf32, #tpu.memory_space<vmem_shared>> -> memref<10112x128xf32, #tpu.memory_space<vmem_shared>>
        tpu.wait_indirect_dma semaphore(%run_scoped3A_176 : memref<!tpu.dma_semaphore, #tpu.memory_space<semaphore_mem>>) src(%arg10 : memref<128x128xf32, #tpu.memory_space<vmem>>) dst(%dma_wait3A_188 : memref<10112x128xf32, #tpu.memory_space<vmem_shared>>)
        tpu.yield
      }) : () -> ()
    }
    %while3A_49 = arith.constant 1 : i32
    scf.for %while3A_67 = %while3A_47 to %while3A_43 step %while3A_49  : i32 {
      %mul3A_68 = arith.muli %while3A_67, %while3A : i32
      %add3A_69 = arith.addi %while3A_40, %mul3A_68 : i32
      %dma_wait3A_70 = arith.constant 0 : i32
      %dma_wait3A_71 = arith.constant 0 : i32
      %dma_wait3A_72 = arith.constant 0 : i32
      %dma_wait3A_73 = tpu.memref_slice %arg3[%dma_wait3A_70, %dma_wait3A_71, %dma_wait3A_72] : memref<2530x2x128xi32, #tpu.memory_space<hbm>> -> memref<2x2x128xi32, #tpu.memory_space<hbm>>
      %dma_wait3A_74 = arith.constant 0 : i32
      %dma_wait3A_75 = arith.constant 0 : i32
      %dma_wait3A_76 = arith.constant 0 : i32
      %dma_wait3A_77 = tpu.memref_slice %arg3[%dma_wait3A_74, %dma_wait3A_75, %dma_wait3A_76] : memref<2530x2x128xi32, #tpu.memory_space<hbm>> -> memref<2x2x128xi32, #tpu.memory_space<hbm>>
      tpu.wait_dma2 semaphore(%arg13 : memref<!tpu.dma_semaphore, #tpu.memory_space<semaphore_mem>>) src(%dma_wait3A_77 : memref<2x2x128xi32, #tpu.memory_space<hbm>>) dst(%arg7 : memref<2x2x128xi32, #tpu.memory_space<vmem>>)
      %dma_start3A_78 = arith.constant 0 : i32
      %dma_start3A_79 = arith.constant 0 : i32
      %dma_start3A_80 = arith.constant 0 : i32
      %dma_start3A_81 = tpu.memref_slice %arg7[%dma_start3A_78, %dma_start3A_79, %dma_start3A_80] : memref<2x2x128xi32, #tpu.memory_space<vmem>> -> memref<1x1x128xi32, #tpu.memory_space<vmem>>
      %dma_start3A_82 = tpu.memref_squeeze %dma_start3A_81 : memref<1x1x128xi32, #tpu.memory_space<vmem>> -> memref<128xi32, #tpu.memory_space<vmem>>
      %dma_start3A_83 = arith.constant 0 : i32
      %dma_start3A_84 = arith.constant 0 : i32
      %dma_start3A_85 = tpu.memref_slice %arg2[%dma_start3A_83, %dma_start3A_84] : memref<10000x128xf32, #tpu.memory_space<hbm>> -> memref<10000x128xf32, #tpu.memory_space<hbm>>
      tpu.enqueue_indirect_dma source(%dma_start3A_85 : memref<10000x128xf32, #tpu.memory_space<hbm>>) target(%arg9 : memref<128x128xf32, #tpu.memory_space<vmem>>) offsets(%dma_start3A_82 : memref<128xi32, #tpu.memory_space<vmem>>) semaphore(%arg11 : memref<!tpu.dma_semaphore, #tpu.memory_space<semaphore_mem>>)
      %dma_start3A_86 = arith.constant 1 : i32
      %dma_start3A_87 = arith.constant 0 : i32
      %dma_start3A_88 = arith.constant 0 : i32
      %dma_start3A_89 = tpu.memref_slice %arg7[%dma_start3A_86, %dma_start3A_87, %dma_start3A_88] : memref<2x2x128xi32, #tpu.memory_space<vmem>> -> memref<1x1x128xi32, #tpu.memory_space<vmem>>
      %dma_start3A_90 = tpu.memref_squeeze %dma_start3A_89 : memref<1x1x128xi32, #tpu.memory_space<vmem>> -> memref<128xi32, #tpu.memory_space<vmem>>
      %dma_start3A_91 = arith.constant 0 : i32
      %dma_start3A_92 = arith.constant 0 : i32
      %dma_start3A_93 = tpu.memref_slice %arg2[%dma_start3A_91, %dma_start3A_92] : memref<10000x128xf32, #tpu.memory_space<hbm>> -> memref<10000x128xf32, #tpu.memory_space<hbm>>
      tpu.enqueue_indirect_dma source(%dma_start3A_93 : memref<10000x128xf32, #tpu.memory_space<hbm>>) target(%arg10 : memref<128x128xf32, #tpu.memory_space<vmem>>) offsets(%dma_start3A_90 : memref<128xi32, #tpu.memory_space<vmem>>) semaphore(%arg12 : memref<!tpu.dma_semaphore, #tpu.memory_space<semaphore_mem>>)
      %add3A_94 = arith.addi %add3A_69, %select_n3A_10 : i32
      %add3A_95 = arith.constant 2 : i32
      %add3A_96 = arith.addi %add3A_94, %add3A_95 : i32
      %dma_start3A_97 = arith.constant 0 : i32
      %dma_start3A_98 = arith.constant 0 : i32
      %dma_start3A_99 = tpu.memref_slice %arg3[%add3A_96, %dma_start3A_97, %dma_start3A_98] : memref<2530x2x128xi32, #tpu.memory_space<hbm>> -> memref<2x2x128xi32, #tpu.memory_space<hbm>>
      %dma_start3A_100 = arith.constant 0 : i32
      %dma_start3A_101 = arith.constant 0 : i32
      %dma_start3A_102 = tpu.memref_slice %arg3[%add3A_96, %dma_start3A_100, %dma_start3A_101] : memref<2530x2x128xi32, #tpu.memory_space<hbm>> -> memref<2x2x128xi32, #tpu.memory_space<hbm>>
      tpu.enqueue_dma source(%dma_start3A_102 : memref<2x2x128xi32, #tpu.memory_space<hbm>>) target(%arg8 : memref<2x2x128xi32, #tpu.memory_space<vmem>>) target_semaphore(%arg14 : memref<!tpu.dma_semaphore, #tpu.memory_space<semaphore_mem>>)
      %dma_wait3A_103 = arith.constant 0 : i32
      %dma_wait3A_104 = arith.constant 0 : i32
      %dma_wait3A_105 = arith.constant 0 : i32
      %dma_wait3A_106 = tpu.memref_slice %arg7[%dma_wait3A_103, %dma_wait3A_104, %dma_wait3A_105] : memref<2x2x128xi32, #tpu.memory_space<vmem>> -> memref<1x1x128xi32, #tpu.memory_space<vmem>>
      %dma_wait3A_107 = tpu.memref_squeeze %dma_wait3A_106 : memref<1x1x128xi32, #tpu.memory_space<vmem>> -> memref<128xi32, #tpu.memory_space<vmem>>
      %dma_wait3A_108 = arith.constant 0 : i32
      %dma_wait3A_109 = arith.constant 0 : i32
      %dma_wait3A_110 = tpu.memref_slice %arg2[%dma_wait3A_108, %dma_wait3A_109] : memref<10000x128xf32, #tpu.memory_space<hbm>> -> memref<10000x128xf32, #tpu.memory_space<hbm>>
      tpu.wait_indirect_dma semaphore(%arg11 : memref<!tpu.dma_semaphore, #tpu.memory_space<semaphore_mem>>) src(%dma_wait3A_110 : memref<10000x128xf32, #tpu.memory_space<hbm>>) dst(%arg9 : memref<128x128xf32, #tpu.memory_space<vmem>>)
      %run_scoped3A_111 = arith.constant 0 : i32
      %run_scoped3A_112 = arith.constant 1 : i32
      "tpu.region"() ({
        %run_scoped3A_176 = tpu.sem_alloc : memref<!tpu.dma_semaphore, #tpu.memory_space<semaphore_mem>>
        %dma_start3A_177 = arith.constant 0 : i32
        %dma_start3A_178 = tpu.memref_slice %arg7[%run_scoped3A_111, %run_scoped3A_112, %dma_start3A_177] : memref<2x2x128xi32, #tpu.memory_space<vmem>> -> memref<1x1x128xi32, #tpu.memory_space<vmem>>
        %dma_start3A_179 = tpu.memref_squeeze %dma_start3A_178 : memref<1x1x128xi32, #tpu.memory_space<vmem>> -> memref<128xi32, #tpu.memory_space<vmem>>
        %dma_start3A_180 = arith.constant 0 : i32
        %dma_start3A_181 = arith.constant 0 : i32
        %dma_start3A_182 = tpu.memref_slice %arg6[%dma_start3A_180, %dma_start3A_181] : memref<10112x128xf32, #tpu.memory_space<vmem_shared>> -> memref<10112x128xf32, #tpu.memory_space<vmem_shared>>
        tpu.enqueue_indirect_dma source(%arg9 : memref<128x128xf32, #tpu.memory_space<vmem>>) target(%dma_start3A_182 : memref<10112x128xf32, #tpu.memory_space<vmem_shared>>) offsets(%dma_start3A_179 : memref<128xi32, #tpu.memory_space<vmem>>) semaphore(%run_scoped3A_176 : memref<!tpu.dma_semaphore, #tpu.memory_space<semaphore_mem>>) {add = true}
        %dma_wait3A_183 = arith.constant 0 : i32
        %dma_wait3A_184 = tpu.memref_slice %arg7[%run_scoped3A_111, %run_scoped3A_112, %dma_wait3A_183] : memref<2x2x128xi32, #tpu.memory_space<vmem>> -> memref<1x1x128xi32, #tpu.memory_space<vmem>>
        %dma_wait3A_185 = tpu.memref_squeeze %dma_wait3A_184 : memref<1x1x128xi32, #tpu.memory_space<vmem>> -> memref<128xi32, #tpu.memory_space<vmem>>
        %dma_wait3A_186 = arith.constant 0 : i32
        %dma_wait3A_187 = arith.constant 0 : i32
        %dma_wait3A_188 = tpu.memref_slice %arg6[%dma_wait3A_186, %dma_wait3A_187] : memref<10112x128xf32, #tpu.memory_space<vmem_shared>> -> memref<10112x128xf32, #tpu.memory_space<vmem_shared>>
        tpu.wait_indirect_dma semaphore(%run_scoped3A_176 : memref<!tpu.dma_semaphore, #tpu.memory_space<semaphore_mem>>) src(%arg9 : memref<128x128xf32, #tpu.memory_space<vmem>>) dst(%dma_wait3A_188 : memref<10112x128xf32, #tpu.memory_space<vmem_shared>>)
        tpu.yield
      }) : () -> ()
      %dma_wait3A_113 = arith.constant 1 : i32
      %dma_wait3A_114 = arith.constant 0 : i32
      %dma_wait3A_115 = arith.constant 0 : i32
      %dma_wait3A_116 = tpu.memref_slice %arg7[%dma_wait3A_113, %dma_wait3A_114, %dma_wait3A_115] : memref<2x2x128xi32, #tpu.memory_space<vmem>> -> memref<1x1x128xi32, #tpu.memory_space<vmem>>
      %dma_wait3A_117 = tpu.memref_squeeze %dma_wait3A_116 : memref<1x1x128xi32, #tpu.memory_space<vmem>> -> memref<128xi32, #tpu.memory_space<vmem>>
      %dma_wait3A_118 = arith.constant 0 : i32
      %dma_wait3A_119 = arith.constant 0 : i32
      %dma_wait3A_120 = tpu.memref_slice %arg2[%dma_wait3A_118, %dma_wait3A_119] : memref<10000x128xf32, #tpu.memory_space<hbm>> -> memref<10000x128xf32, #tpu.memory_space<hbm>>
      tpu.wait_indirect_dma semaphore(%arg12 : memref<!tpu.dma_semaphore, #tpu.memory_space<semaphore_mem>>) src(%dma_wait3A_120 : memref<10000x128xf32, #tpu.memory_space<hbm>>) dst(%arg10 : memref<128x128xf32, #tpu.memory_space<vmem>>)
      %run_scoped3A_121 = arith.constant 1 : i32
      %run_scoped3A_122 = arith.constant 1 : i32
      "tpu.region"() ({
        %run_scoped3A_176 = tpu.sem_alloc : memref<!tpu.dma_semaphore, #tpu.memory_space<semaphore_mem>>
        %dma_start3A_177 = arith.constant 0 : i32
        %dma_start3A_178 = tpu.memref_slice %arg7[%run_scoped3A_121, %run_scoped3A_122, %dma_start3A_177] : memref<2x2x128xi32, #tpu.memory_space<vmem>> -> memref<1x1x128xi32, #tpu.memory_space<vmem>>
        %dma_start3A_179 = tpu.memref_squeeze %dma_start3A_178 : memref<1x1x128xi32, #tpu.memory_space<vmem>> -> memref<128xi32, #tpu.memory_space<vmem>>
        %dma_start3A_180 = arith.constant 0 : i32
        %dma_start3A_181 = arith.constant 0 : i32
        %dma_start3A_182 = tpu.memref_slice %arg6[%dma_start3A_180, %dma_start3A_181] : memref<10112x128xf32, #tpu.memory_space<vmem_shared>> -> memref<10112x128xf32, #tpu.memory_space<vmem_shared>>
        tpu.enqueue_indirect_dma source(%arg10 : memref<128x128xf32, #tpu.memory_space<vmem>>) target(%dma_start3A_182 : memref<10112x128xf32, #tpu.memory_space<vmem_shared>>) offsets(%dma_start3A_179 : memref<128xi32, #tpu.memory_space<vmem>>) semaphore(%run_scoped3A_176 : memref<!tpu.dma_semaphore, #tpu.memory_space<semaphore_mem>>) {add = true}
        %dma_wait3A_183 = arith.constant 0 : i32
        %dma_wait3A_184 = tpu.memref_slice %arg7[%run_scoped3A_121, %run_scoped3A_122, %dma_wait3A_183] : memref<2x2x128xi32, #tpu.memory_space<vmem>> -> memref<1x1x128xi32, #tpu.memory_space<vmem>>
        %dma_wait3A_185 = tpu.memref_squeeze %dma_wait3A_184 : memref<1x1x128xi32, #tpu.memory_space<vmem>> -> memref<128xi32, #tpu.memory_space<vmem>>
        %dma_wait3A_186 = arith.constant 0 : i32
        %dma_wait3A_187 = arith.constant 0 : i32
        %dma_wait3A_188 = tpu.memref_slice %arg6[%dma_wait3A_186, %dma_wait3A_187] : memref<10112x128xf32, #tpu.memory_space<vmem_shared>> -> memref<10112x128xf32, #tpu.memory_space<vmem_shared>>
        tpu.wait_indirect_dma semaphore(%run_scoped3A_176 : memref<!tpu.dma_semaphore, #tpu.memory_space<semaphore_mem>>) src(%arg10 : memref<128x128xf32, #tpu.memory_space<vmem>>) dst(%dma_wait3A_188 : memref<10112x128xf32, #tpu.memory_space<vmem_shared>>)
        tpu.yield
      }) : () -> ()
      %dma_wait3A_123 = arith.constant 0 : i32
      %dma_wait3A_124 = arith.constant 0 : i32
      %dma_wait3A_125 = arith.constant 0 : i32
      %dma_wait3A_126 = tpu.memref_slice %arg3[%dma_wait3A_123, %dma_wait3A_124, %dma_wait3A_125] : memref<2530x2x128xi32, #tpu.memory_space<hbm>> -> memref<2x2x128xi32, #tpu.memory_space<hbm>>
      %dma_wait3A_127 = arith.constant 0 : i32
      %dma_wait3A_128 = arith.constant 0 : i32
      %dma_wait3A_129 = arith.constant 0 : i32
      %dma_wait3A_130 = tpu.memref_slice %arg3[%dma_wait3A_127, %dma_wait3A_128, %dma_wait3A_129] : memref<2530x2x128xi32, #tpu.memory_space<hbm>> -> memref<2x2x128xi32, #tpu.memory_space<hbm>>
      tpu.wait_dma2 semaphore(%arg14 : memref<!tpu.dma_semaphore, #tpu.memory_space<semaphore_mem>>) src(%dma_wait3A_130 : memref<2x2x128xi32, #tpu.memory_space<hbm>>) dst(%arg8 : memref<2x2x128xi32, #tpu.memory_space<vmem>>)
      %dma_start3A_131 = arith.constant 0 : i32
      %dma_start3A_132 = arith.constant 0 : i32
      %dma_start3A_133 = arith.constant 0 : i32
      %dma_start3A_134 = tpu.memref_slice %arg8[%dma_start3A_131, %dma_start3A_132, %dma_start3A_133] : memref<2x2x128xi32, #tpu.memory_space<vmem>> -> memref<1x1x128xi32, #tpu.memory_space<vmem>>
      %dma_start3A_135 = tpu.memref_squeeze %dma_start3A_134 : memref<1x1x128xi32, #tpu.memory_space<vmem>> -> memref<128xi32, #tpu.memory_space<vmem>>
      %dma_start3A_136 = arith.constant 0 : i32
      %dma_start3A_137 = arith.constant 0 : i32
      %dma_start3A_138 = tpu.memref_slice %arg2[%dma_start3A_136, %dma_start3A_137] : memref<10000x128xf32, #tpu.memory_space<hbm>> -> memref<10000x128xf32, #tpu.memory_space<hbm>>
      tpu.enqueue_indirect_dma source(%dma_start3A_138 : memref<10000x128xf32, #tpu.memory_space<hbm>>) target(%arg9 : memref<128x128xf32, #tpu.memory_space<vmem>>) offsets(%dma_start3A_135 : memref<128xi32, #tpu.memory_space<vmem>>) semaphore(%arg11 : memref<!tpu.dma_semaphore, #tpu.memory_space<semaphore_mem>>)
      %dma_start3A_139 = arith.constant 1 : i32
      %dma_start3A_140 = arith.constant 0 : i32
      %dma_start3A_141 = arith.constant 0 : i32
      %dma_start3A_142 = tpu.memref_slice %arg8[%dma_start3A_139, %dma_start3A_140, %dma_start3A_141] : memref<2x2x128xi32, #tpu.memory_space<vmem>> -> memref<1x1x128xi32, #tpu.memory_space<vmem>>
      %dma_start3A_143 = tpu.memref_squeeze %dma_start3A_142 : memref<1x1x128xi32, #tpu.memory_space<vmem>> -> memref<128xi32, #tpu.memory_space<vmem>>
      %dma_start3A_144 = arith.constant 0 : i32
      %dma_start3A_145 = arith.constant 0 : i32
      %dma_start3A_146 = tpu.memref_slice %arg2[%dma_start3A_144, %dma_start3A_145] : memref<10000x128xf32, #tpu.memory_space<hbm>> -> memref<10000x128xf32, #tpu.memory_space<hbm>>
      tpu.enqueue_indirect_dma source(%dma_start3A_146 : memref<10000x128xf32, #tpu.memory_space<hbm>>) target(%arg10 : memref<128x128xf32, #tpu.memory_space<vmem>>) offsets(%dma_start3A_143 : memref<128xi32, #tpu.memory_space<vmem>>) semaphore(%arg12 : memref<!tpu.dma_semaphore, #tpu.memory_space<semaphore_mem>>)
      %add3A_147 = arith.addi %add3A_69, %select_n3A_10 : i32
      %add3A_148 = arith.constant 4 : i32
      %add3A_149 = arith.addi %add3A_147, %add3A_148 : i32
      %dma_start3A_150 = arith.constant 0 : i32
      %dma_start3A_151 = arith.constant 0 : i32
      %dma_start3A_152 = tpu.memref_slice %arg3[%add3A_149, %dma_start3A_150, %dma_start3A_151] : memref<2530x2x128xi32, #tpu.memory_space<hbm>> -> memref<2x2x128xi32, #tpu.memory_space<hbm>>
      %dma_start3A_153 = arith.constant 0 : i32
      %dma_start3A_154 = arith.constant 0 : i32
      %dma_start3A_155 = tpu.memref_slice %arg3[%add3A_149, %dma_start3A_153, %dma_start3A_154] : memref<2530x2x128xi32, #tpu.memory_space<hbm>> -> memref<2x2x128xi32, #tpu.memory_space<hbm>>
      tpu.enqueue_dma source(%dma_start3A_155 : memref<2x2x128xi32, #tpu.memory_space<hbm>>) target(%arg7 : memref<2x2x128xi32, #tpu.memory_space<vmem>>) target_semaphore(%arg13 : memref<!tpu.dma_semaphore, #tpu.memory_space<semaphore_mem>>)
      %dma_wait3A_156 = arith.constant 0 : i32
      %dma_wait3A_157 = arith.constant 0 : i32
      %dma_wait3A_158 = arith.constant 0 : i32
      %dma_wait3A_159 = tpu.memref_slice %arg8[%dma_wait3A_156, %dma_wait3A_157, %dma_wait3A_158] : memref<2x2x128xi32, #tpu.memory_space<vmem>> -> memref<1x1x128xi32, #tpu.memory_space<vmem>>
      %dma_wait3A_160 = tpu.memref_squeeze %dma_wait3A_159 : memref<1x1x128xi32, #tpu.memory_space<vmem>> -> memref<128xi32, #tpu.memory_space<vmem>>
      %dma_wait3A_161 = arith.constant 0 : i32
      %dma_wait3A_162 = arith.constant 0 : i32
      %dma_wait3A_163 = tpu.memref_slice %arg2[%dma_wait3A_161, %dma_wait3A_162] : memref<10000x128xf32, #tpu.memory_space<hbm>> -> memref<10000x128xf32, #tpu.memory_space<hbm>>
      tpu.wait_indirect_dma semaphore(%arg11 : memref<!tpu.dma_semaphore, #tpu.memory_space<semaphore_mem>>) src(%dma_wait3A_163 : memref<10000x128xf32, #tpu.memory_space<hbm>>) dst(%arg9 : memref<128x128xf32, #tpu.memory_space<vmem>>)
      %run_scoped3A_164 = arith.constant 0 : i32
      %run_scoped3A_165 = arith.constant 1 : i32
      "tpu.region"() ({
        %run_scoped3A_176 = tpu.sem_alloc : memref<!tpu.dma_semaphore, #tpu.memory_space<semaphore_mem>>
        %dma_start3A_177 = arith.constant 0 : i32
        %dma_start3A_178 = tpu.memref_slice %arg8[%run_scoped3A_164, %run_scoped3A_165, %dma_start3A_177] : memref<2x2x128xi32, #tpu.memory_space<vmem>> -> memref<1x1x128xi32, #tpu.memory_space<vmem>>
        %dma_start3A_179 = tpu.memref_squeeze %dma_start3A_178 : memref<1x1x128xi32, #tpu.memory_space<vmem>> -> memref<128xi32, #tpu.memory_space<vmem>>
        %dma_start3A_180 = arith.constant 0 : i32
        %dma_start3A_181 = arith.constant 0 : i32
        %dma_start3A_182 = tpu.memref_slice %arg6[%dma_start3A_180, %dma_start3A_181] : memref<10112x128xf32, #tpu.memory_space<vmem_shared>> -> memref<10112x128xf32, #tpu.memory_space<vmem_shared>>
        tpu.enqueue_indirect_dma source(%arg9 : memref<128x128xf32, #tpu.memory_space<vmem>>) target(%dma_start3A_182 : memref<10112x128xf32, #tpu.memory_space<vmem_shared>>) offsets(%dma_start3A_179 : memref<128xi32, #tpu.memory_space<vmem>>) semaphore(%run_scoped3A_176 : memref<!tpu.dma_semaphore, #tpu.memory_space<semaphore_mem>>) {add = true}
        %dma_wait3A_183 = arith.constant 0 : i32
        %dma_wait3A_184 = tpu.memref_slice %arg8[%run_scoped3A_164, %run_scoped3A_165, %dma_wait3A_183] : memref<2x2x128xi32, #tpu.memory_space<vmem>> -> memref<1x1x128xi32, #tpu.memory_space<vmem>>
        %dma_wait3A_185 = tpu.memref_squeeze %dma_wait3A_184 : memref<1x1x128xi32, #tpu.memory_space<vmem>> -> memref<128xi32, #tpu.memory_space<vmem>>
        %dma_wait3A_186 = arith.constant 0 : i32
        %dma_wait3A_187 = arith.constant 0 : i32
        %dma_wait3A_188 = tpu.memref_slice %arg6[%dma_wait3A_186, %dma_wait3A_187] : memref<10112x128xf32, #tpu.memory_space<vmem_shared>> -> memref<10112x128xf32, #tpu.memory_space<vmem_shared>>
        tpu.wait_indirect_dma semaphore(%run_scoped3A_176 : memref<!tpu.dma_semaphore, #tpu.memory_space<semaphore_mem>>) src(%arg9 : memref<128x128xf32, #tpu.memory_space<vmem>>) dst(%dma_wait3A_188 : memref<10112x128xf32, #tpu.memory_space<vmem_shared>>)
        tpu.yield
      }) : () -> ()
      %dma_wait3A_166 = arith.constant 1 : i32
      %dma_wait3A_167 = arith.constant 0 : i32
      %dma_wait3A_168 = arith.constant 0 : i32
      %dma_wait3A_169 = tpu.memref_slice %arg8[%dma_wait3A_166, %dma_wait3A_167, %dma_wait3A_168] : memref<2x2x128xi32, #tpu.memory_space<vmem>> -> memref<1x1x128xi32, #tpu.memory_space<vmem>>
      %dma_wait3A_170 = tpu.memref_squeeze %dma_wait3A_169 : memref<1x1x128xi32, #tpu.memory_space<vmem>> -> memref<128xi32, #tpu.memory_space<vmem>>
      %dma_wait3A_171 = arith.constant 0 : i32
      %dma_wait3A_172 = arith.constant 0 : i32
      %dma_wait3A_173 = tpu.memref_slice %arg2[%dma_wait3A_171, %dma_wait3A_172] : memref<10000x128xf32, #tpu.memory_space<hbm>> -> memref<10000x128xf32, #tpu.memory_space<hbm>>
      tpu.wait_indirect_dma semaphore(%arg12 : memref<!tpu.dma_semaphore, #tpu.memory_space<semaphore_mem>>) src(%dma_wait3A_173 : memref<10000x128xf32, #tpu.memory_space<hbm>>) dst(%arg10 : memref<128x128xf32, #tpu.memory_space<vmem>>)
      %run_scoped3A_174 = arith.constant 1 : i32
      %run_scoped3A_175 = arith.constant 1 : i32
      "tpu.region"() ({
        %run_scoped3A_176 = tpu.sem_alloc : memref<!tpu.dma_semaphore, #tpu.memory_space<semaphore_mem>>
        %dma_start3A_177 = arith.constant 0 : i32
        %dma_start3A_178 = tpu.memref_slice %arg8[%run_scoped3A_174, %run_scoped3A_175, %dma_start3A_177] : memref<2x2x128xi32, #tpu.memory_space<vmem>> -> memref<1x1x128xi32, #tpu.memory_space<vmem>>
        %dma_start3A_179 = tpu.memref_squeeze %dma_start3A_178 : memref<1x1x128xi32, #tpu.memory_space<vmem>> -> memref<128xi32, #tpu.memory_space<vmem>>
        %dma_start3A_180 = arith.constant 0 : i32
        %dma_start3A_181 = arith.constant 0 : i32
        %dma_start3A_182 = tpu.memref_slice %arg6[%dma_start3A_180, %dma_start3A_181] : memref<10112x128xf32, #tpu.memory_space<vmem_shared>> -> memref<10112x128xf32, #tpu.memory_space<vmem_shared>>
        tpu.enqueue_indirect_dma source(%arg10 : memref<128x128xf32, #tpu.memory_space<vmem>>) target(%dma_start3A_182 : memref<10112x128xf32, #tpu.memory_space<vmem_shared>>) offsets(%dma_start3A_179 : memref<128xi32, #tpu.memory_space<vmem>>) semaphore(%run_scoped3A_176 : memref<!tpu.dma_semaphore, #tpu.memory_space<semaphore_mem>>) {add = true}
        %dma_wait3A_183 = arith.constant 0 : i32
        %dma_wait3A_184 = tpu.memref_slice %arg8[%run_scoped3A_174, %run_scoped3A_175, %dma_wait3A_183] : memref<2x2x128xi32, #tpu.memory_space<vmem>> -> memref<1x1x128xi32, #tpu.memory_space<vmem>>
        %dma_wait3A_185 = tpu.memref_squeeze %dma_wait3A_184 : memref<1x1x128xi32, #tpu.memory_space<vmem>> -> memref<128xi32, #tpu.memory_space<vmem>>
        %dma_wait3A_186 = arith.constant 0 : i32
        %dma_wait3A_187 = arith.constant 0 : i32
        %dma_wait3A_188 = tpu.memref_slice %arg6[%dma_wait3A_186, %dma_wait3A_187] : memref<10112x128xf32, #tpu.memory_space<vmem_shared>> -> memref<10112x128xf32, #tpu.memory_space<vmem_shared>>
        tpu.wait_indirect_dma semaphore(%run_scoped3A_176 : memref<!tpu.dma_semaphore, #tpu.memory_space<semaphore_mem>>) src(%arg10 : memref<128x128xf32, #tpu.memory_space<vmem>>) dst(%dma_wait3A_188 : memref<10112x128xf32, #tpu.memory_space<vmem_shared>>)
        tpu.yield
      }) : () -> ()
    }
    %dma_wait3A_50 = arith.constant 0 : i32
    %dma_wait3A_51 = arith.constant 0 : i32
    %dma_wait3A_52 = arith.constant 0 : i32
    %dma_wait3A_53 = tpu.memref_slice %arg3[%dma_wait3A_50, %dma_wait3A_51, %dma_wait3A_52] : memref<2530x2x128xi32, #tpu.memory_space<hbm>> -> memref<2x2x128xi32, #tpu.memory_space<hbm>>
    %dma_wait3A_54 = arith.constant 0 : i32
    %dma_wait3A_55 = arith.constant 0 : i32
    %dma_wait3A_56 = arith.constant 0 : i32
    %dma_wait3A_57 = tpu.memref_slice %arg3[%dma_wait3A_54, %dma_wait3A_55, %dma_wait3A_56] : memref<2530x2x128xi32, #tpu.memory_space<hbm>> -> memref<2x2x128xi32, #tpu.memory_space<hbm>>
    tpu.wait_dma2 semaphore(%arg13 : memref<!tpu.dma_semaphore, #tpu.memory_space<semaphore_mem>>) src(%dma_wait3A_57 : memref<2x2x128xi32, #tpu.memory_space<hbm>>) dst(%arg7 : memref<2x2x128xi32, #tpu.memory_space<vmem>>)
    %barrier3A_58 = arith.constant 0 : index
    tpu.barrier barrier_id(%barrier3A_58)
    %mul3A_59 = arith.constant 624 : i32
    %mul3A_60 = arith.muli %arg1, %mul3A_59 : i32
    %mul3A_61 = arith.constant 10000 : i32
    %mul3A_62 = arith.muli %arg0, %mul3A_61 : i32
    %add3A_63 = arith.addi %mul3A_62, %mul3A_60 : i32
    "tpu.region"() ({
      %run_scoped3A_67 = tpu.sem_alloc : memref<!tpu.dma_semaphore, #tpu.memory_space<semaphore_mem>>
      %dma_start3A_68 = arith.constant 0 : i32
      %dma_start3A_69 = tpu.memref_slice %arg5[%add3A_63, %dma_start3A_68] : memref<20000x128xf32, #tpu.memory_space<hbm>> -> memref<624x128xf32, #tpu.memory_space<hbm>>
      %dma_start3A_70 = arith.constant 0 : i32
      %dma_start3A_71 = tpu.memref_slice %arg6[%mul3A_60, %dma_start3A_70] : memref<10112x128xf32, #tpu.memory_space<vmem_shared>> -> memref<624x128xf32, #tpu.memory_space<vmem_shared>>
      tpu.enqueue_dma source(%dma_start3A_71 : memref<624x128xf32, #tpu.memory_space<vmem_shared>>) target(%dma_start3A_69 : memref<624x128xf32, #tpu.memory_space<hbm>>) target_semaphore(%run_scoped3A_67 : memref<!tpu.dma_semaphore, #tpu.memory_space<semaphore_mem>>)
      %dma_wait3A_72 = arith.constant 0 : i32
      %dma_wait3A_73 = tpu.memref_slice %arg5[%add3A_63, %dma_wait3A_72] : memref<20000x128xf32, #tpu.memory_space<hbm>> -> memref<624x128xf32, #tpu.memory_space<hbm>>
      %dma_wait3A_74 = arith.constant 0 : i32
      %dma_wait3A_75 = tpu.memref_slice %arg6[%mul3A_60, %dma_wait3A_74] : memref<10112x128xf32, #tpu.memory_space<vmem_shared>> -> memref<624x128xf32, #tpu.memory_space<vmem_shared>>
      tpu.wait_dma2 semaphore(%run_scoped3A_67 : memref<!tpu.dma_semaphore, #tpu.memory_space<semaphore_mem>>) src(%dma_wait3A_75 : memref<624x128xf32, #tpu.memory_space<vmem_shared>>) dst(%dma_wait3A_73 : memref<624x128xf32, #tpu.memory_space<hbm>>)
      tpu.yield
    }) : () -> ()
    %eq3A_64 = arith.constant 0 : i32
    %eq3A_65 = arith.cmpi eq, %arg1, %eq3A_64 : i32
    %convert_element_type3A = arith.extui %eq3A_65 : i1 to i32
    %cond3A = arith.constant 0 : i32
    %cond3A_66 = arith.cmpi ne, %convert_element_type3A, %cond3A : i32
    scf.if %cond3A_66 {
      %mul3A_67 = arith.constant 10000 : i32
      %mul3A_68 = arith.muli %arg0, %mul3A_67 : i32
      %add3A_69 = arith.constant 9984 : i32
      %add3A_70 = arith.addi %mul3A_68, %add3A_69 : i32
      "tpu.region"() ({
        %run_scoped3A_71 = tpu.sem_alloc : memref<!tpu.dma_semaphore, #tpu.memory_space<semaphore_mem>>
        %dma_start3A_72 = arith.constant 0 : i32
        %dma_start3A_73 = tpu.memref_slice %arg5[%add3A_70, %dma_start3A_72] : memref<20000x128xf32, #tpu.memory_space<hbm>> -> memref<16x128xf32, #tpu.memory_space<hbm>>
        %dma_start3A_74 = arith.constant 9984 : i32
        %dma_start3A_75 = arith.constant 0 : i32
        %dma_start3A_76 = tpu.memref_slice %arg6[%dma_start3A_74, %dma_start3A_75] : memref<10112x128xf32, #tpu.memory_space<vmem_shared>> -> memref<16x128xf32, #tpu.memory_space<vmem_shared>>
        tpu.enqueue_dma source(%dma_start3A_76 : memref<16x128xf32, #tpu.memory_space<vmem_shared>>) target(%dma_start3A_73 : memref<16x128xf32, #tpu.memory_space<hbm>>) target_semaphore(%run_scoped3A_71 : memref<!tpu.dma_semaphore, #tpu.memory_space<semaphore_mem>>)
        %dma_wait3A_77 = arith.constant 0 : i32
        %dma_wait3A_78 = tpu.memref_slice %arg5[%add3A_70, %dma_wait3A_77] : memref<20000x128xf32, #tpu.memory_space<hbm>> -> memref<16x128xf32, #tpu.memory_space<hbm>>
        %dma_wait3A_79 = arith.constant 9984 : i32
        %dma_wait3A_80 = arith.constant 0 : i32
        %dma_wait3A_81 = tpu.memref_slice %arg6[%dma_wait3A_79, %dma_wait3A_80] : memref<10112x128xf32, #tpu.memory_space<vmem_shared>> -> memref<16x128xf32, #tpu.memory_space<vmem_shared>>
        tpu.wait_dma2 semaphore(%run_scoped3A_71 : memref<!tpu.dma_semaphore, #tpu.memory_space<semaphore_mem>>) src(%dma_wait3A_81 : memref<16x128xf32, #tpu.memory_space<vmem_shared>>) dst(%dma_wait3A_78 : memref<16x128xf32, #tpu.memory_space<hbm>>)
        tpu.yield
      }) : () -> ()
    } else {
    }
    return
  }
}

#map = affine_map<(d0, d1) -> (0, 0)>
#map1 = affine_map<(d0, d1) -> (0, 0, 0)>
module attributes {stable_mosaic.version = 14 : i64} {
  func.func @_gather_seg_sum_body(%arg0: i32, %arg1: i32, %arg2: memref<10000x128xf32, #tpu.memory_space<hbm>>, %arg3: memref<2530x2x128xi32, #tpu.memory_space<hbm>>, %arg4: memref<632x128xf32, #tpu.memory_space<hbm>>, %arg5: memref<20000x128xf32, #tpu.memory_space<hbm>>, %arg6: memref<10112x128xf32, #tpu.memory_space<vmem_shared>>, %arg7: memref<2x2x128xi32, #tpu.memory_space<vmem>>, %arg8: memref<2x2x128xi32, #tpu.memory_space<vmem>>, %arg9: memref<128x128xf32, #tpu.memory_space<vmem>>, %arg10: memref<128x128xf32, #tpu.memory_space<vmem>>, %arg11: memref<!tpu.dma_semaphore, #tpu.memory_space<semaphore_mem>>, %arg12: memref<!tpu.dma_semaphore, #tpu.memory_space<semaphore_mem>>, %arg13: memref<!tpu.dma_semaphore, #tpu.memory_space<semaphore_mem>>, %arg14: memref<!tpu.dma_semaphore, #tpu.memory_space<semaphore_mem>>) attributes {dimension_semantics = [#tpu.dimension_semantics<core_parallel>, #tpu.dimension_semantics<subcore_parallel>], iteration_bounds = array<i64: 2, 16>, scalar_prefetch = 0 : i64, scratch_operands = 9 : i64, tpu.core_type = #tpu.core_type<sc_vector_subcore>, window_params = [{transform_indices = #map}, {transform_indices = #map1}, {transform_indices = #map}, {transform_indices = #map}]} {
    %mul3A = arith.constant 632 : i32
    %mul3A_0 = arith.muli %arg1, %mul3A : i32
    "tpu.region"() ({
      %run_scoped3A_67 = tpu.sem_alloc : memref<!tpu.dma_semaphore, #tpu.memory_space<semaphore_mem>>
      %dma_start3A_68 = arith.constant 0 : i32
      %dma_start3A_69 = tpu.memref_slice %arg6[%mul3A_0, %dma_start3A_68] : memref<10112x128xf32, #tpu.memory_space<vmem_shared>> -> memref<632x128xf32, #tpu.memory_space<vmem_shared>>
      tpu.enqueue_dma source(%arg4 : memref<632x128xf32, #tpu.memory_space<hbm>>) target(%dma_start3A_69 : memref<632x128xf32, #tpu.memory_space<vmem_shared>>) target_semaphore(%run_scoped3A_67 : memref<!tpu.dma_semaphore, #tpu.memory_space<semaphore_mem>>)
      %dma_wait3A_70 = arith.constant 0 : i32
      %dma_wait3A_71 = tpu.memref_slice %arg6[%mul3A_0, %dma_wait3A_70] : memref<10112x128xf32, #tpu.memory_space<vmem_shared>> -> memref<632x128xf32, #tpu.memory_space<vmem_shared>>
      tpu.wait_dma2 semaphore(%run_scoped3A_67 : memref<!tpu.dma_semaphore, #tpu.memory_space<semaphore_mem>>) src(%arg4 : memref<632x128xf32, #tpu.memory_space<hbm>>) dst(%dma_wait3A_71 : memref<632x128xf32, #tpu.memory_space<vmem_shared>>)
      tpu.yield
    }) : () -> ()
    %barrier3A = arith.constant 0 : index
    tpu.barrier barrier_id(%barrier3A)
    %eq3A = arith.constant 0 : i32
    %eq3A_1 = arith.cmpi eq, %arg0, %eq3A : i32
    %jit3A = arith.constant 129 : i32
    %jit3A_2 = arith.constant 29 : i32
    %select_n3A = arith.select %eq3A_1, %jit3A, %jit3A_2 : i32
    %eq3A_3 = arith.constant 0 : i32
    %eq3A_4 = arith.cmpi eq, %arg0, %eq3A_3 : i32
    %mul3A_5 = arith.constant 129 : i32
    %mul3A_6 = arith.muli %arg1, %mul3A_5 : i32
    %mul3A_7 = arith.constant 29 : i32
    %mul3A_8 = arith.muli %arg1, %mul3A_7 : i32
    %add3A = arith.constant 2064 : i32
    %add3A_9 = arith.addi %add3A, %mul3A_8 : i32
    %select_n3A_10 = arith.select %eq3A_4, %mul3A_6, %add3A_9 : i32
    "tpu.region"() ({
      %run_scoped3A_67 = tpu.sem_alloc : memref<!tpu.dma_semaphore, #tpu.memory_space<semaphore_mem>>
      %dma_start3A_68 = arith.constant 0 : i32
      %dma_start3A_69 = arith.constant 0 : i32
      %dma_start3A_70 = arith.constant 0 : i32
      %dma_start3A_71 = tpu.memref_slice %arg8[%dma_start3A_68, %dma_start3A_69, %dma_start3A_70] : memref<2x2x128xi32, #tpu.memory_space<vmem>> -> memref<1x2x128xi32, #tpu.memory_space<vmem>>
      %dma_start3A_72 = arith.constant 0 : i32
      %dma_start3A_73 = arith.constant 0 : i32
      %dma_start3A_74 = tpu.memref_slice %arg3[%select_n3A_10, %dma_start3A_72, %dma_start3A_73] : memref<2530x2x128xi32, #tpu.memory_space<hbm>> -> memref<1x2x128xi32, #tpu.memory_space<hbm>>
      %dma_start3A_75 = arith.constant 0 : i32
      %dma_start3A_76 = arith.constant 0 : i32
      %dma_start3A_77 = arith.constant 0 : i32
      %dma_start3A_78 = tpu.memref_slice %arg8[%dma_start3A_75, %dma_start3A_76, %dma_start3A_77] : memref<2x2x128xi32, #tpu.memory_space<vmem>> -> memref<1x2x128xi32, #tpu.memory_space<vmem>>
      %dma_start3A_79 = arith.constant 0 : i32
      %dma_start3A_80 = arith.constant 0 : i32
      %dma_start3A_81 = tpu.memref_slice %arg3[%select_n3A_10, %dma_start3A_79, %dma_start3A_80] : memref<2530x2x128xi32, #tpu.memory_space<hbm>> -> memref<1x2x128xi32, #tpu.memory_space<hbm>>
      tpu.enqueue_dma source(%dma_start3A_81 : memref<1x2x128xi32, #tpu.memory_space<hbm>>) target(%dma_start3A_78 : memref<1x2x128xi32, #tpu.memory_space<vmem>>) target_semaphore(%run_scoped3A_67 : memref<!tpu.dma_semaphore, #tpu.memory_space<semaphore_mem>>)
      %dma_wait3A_82 = arith.constant 0 : i32
      %dma_wait3A_83 = arith.constant 0 : i32
      %dma_wait3A_84 = arith.constant 0 : i32
      %dma_wait3A_85 = tpu.memref_slice %arg8[%dma_wait3A_82, %dma_wait3A_83, %dma_wait3A_84] : memref<2x2x128xi32, #tpu.memory_space<vmem>> -> memref<1x2x128xi32, #tpu.memory_space<vmem>>
      %dma_wait3A_86 = arith.constant 0 : i32
      %dma_wait3A_87 = arith.constant 0 : i32
      %dma_wait3A_88 = tpu.memref_slice %arg3[%select_n3A_10, %dma_wait3A_86, %dma_wait3A_87] : memref<2530x2x128xi32, #tpu.memory_space<hbm>> -> memref<1x2x128xi32, #tpu.memory_space<hbm>>
      %dma_wait3A_89 = arith.constant 0 : i32
      %dma_wait3A_90 = arith.constant 0 : i32
      %dma_wait3A_91 = arith.constant 0 : i32
      %dma_wait3A_92 = tpu.memref_slice %arg8[%dma_wait3A_89, %dma_wait3A_90, %dma_wait3A_91] : memref<2x2x128xi32, #tpu.memory_space<vmem>> -> memref<1x2x128xi32, #tpu.memory_space<vmem>>
      %dma_wait3A_93 = arith.constant 0 : i32
      %dma_wait3A_94 = arith.constant 0 : i32
      %dma_wait3A_95 = tpu.memref_slice %arg3[%select_n3A_10, %dma_wait3A_93, %dma_wait3A_94] : memref<2530x2x128xi32, #tpu.memory_space<hbm>> -> memref<1x2x128xi32, #tpu.memory_space<hbm>>
      tpu.wait_dma2 semaphore(%run_scoped3A_67 : memref<!tpu.dma_semaphore, #tpu.memory_space<semaphore_mem>>) src(%dma_wait3A_95 : memref<1x2x128xi32, #tpu.memory_space<hbm>>) dst(%dma_wait3A_92 : memref<1x2x128xi32, #tpu.memory_space<vmem>>)
      tpu.yield
    }) : () -> ()
    %dma_start3A = arith.constant 0 : i32
    %dma_start3A_11 = arith.constant 0 : i32
    %dma_start3A_12 = arith.constant 0 : i32
    %dma_start3A_13 = tpu.memref_slice %arg8[%dma_start3A, %dma_start3A_11, %dma_start3A_12] : memref<2x2x128xi32, #tpu.memory_space<vmem>> -> memref<1x1x128xi32, #tpu.memory_space<vmem>>
    %dma_start3A_14 = tpu.memref_squeeze %dma_start3A_13 : memref<1x1x128xi32, #tpu.memory_space<vmem>> -> memref<128xi32, #tpu.memory_space<vmem>>
    %dma_start3A_15 = arith.constant 0 : i32
    %dma_start3A_16 = arith.constant 0 : i32
    %dma_start3A_17 = tpu.memref_slice %arg2[%dma_start3A_15, %dma_start3A_16] : memref<10000x128xf32, #tpu.memory_space<hbm>> -> memref<10000x128xf32, #tpu.memory_space<hbm>>
    tpu.enqueue_indirect_dma source(%dma_start3A_17 : memref<10000x128xf32, #tpu.memory_space<hbm>>) target(%arg9 : memref<128x128xf32, #tpu.memory_space<vmem>>) offsets(%dma_start3A_14 : memref<128xi32, #tpu.memory_space<vmem>>) semaphore(%arg11 : memref<!tpu.dma_semaphore, #tpu.memory_space<semaphore_mem>>)
    %dma_wait3A = arith.constant 0 : i32
    %dma_wait3A_18 = arith.constant 0 : i32
    %dma_wait3A_19 = arith.constant 0 : i32
    %dma_wait3A_20 = tpu.memref_slice %arg8[%dma_wait3A, %dma_wait3A_18, %dma_wait3A_19] : memref<2x2x128xi32, #tpu.memory_space<vmem>> -> memref<1x1x128xi32, #tpu.memory_space<vmem>>
    %dma_wait3A_21 = tpu.memref_squeeze %dma_wait3A_20 : memref<1x1x128xi32, #tpu.memory_space<vmem>> -> memref<128xi32, #tpu.memory_space<vmem>>
    %dma_wait3A_22 = arith.constant 0 : i32
    %dma_wait3A_23 = arith.constant 0 : i32
    %dma_wait3A_24 = tpu.memref_slice %arg2[%dma_wait3A_22, %dma_wait3A_23] : memref<10000x128xf32, #tpu.memory_space<hbm>> -> memref<10000x128xf32, #tpu.memory_space<hbm>>
    tpu.wait_indirect_dma semaphore(%arg11 : memref<!tpu.dma_semaphore, #tpu.memory_space<semaphore_mem>>) src(%dma_wait3A_24 : memref<10000x128xf32, #tpu.memory_space<hbm>>) dst(%arg9 : memref<128x128xf32, #tpu.memory_space<vmem>>)
    %run_scoped3A = arith.constant 0 : i32
    %run_scoped3A_25 = arith.constant 1 : i32
    "tpu.region"() ({
      %run_scoped3A_67 = tpu.sem_alloc : memref<!tpu.dma_semaphore, #tpu.memory_space<semaphore_mem>>
      %dma_start3A_68 = arith.constant 0 : i32
      %dma_start3A_69 = tpu.memref_slice %arg8[%run_scoped3A, %run_scoped3A_25, %dma_start3A_68] : memref<2x2x128xi32, #tpu.memory_space<vmem>> -> memref<1x1x128xi32, #tpu.memory_space<vmem>>
      %dma_start3A_70 = tpu.memref_squeeze %dma_start3A_69 : memref<1x1x128xi32, #tpu.memory_space<vmem>> -> memref<128xi32, #tpu.memory_space<vmem>>
      %dma_start3A_71 = arith.constant 0 : i32
      %dma_start3A_72 = arith.constant 0 : i32
      %dma_start3A_73 = tpu.memref_slice %arg6[%dma_start3A_71, %dma_start3A_72] : memref<10112x128xf32, #tpu.memory_space<vmem_shared>> -> memref<10112x128xf32, #tpu.memory_space<vmem_shared>>
      tpu.enqueue_indirect_dma source(%arg9 : memref<128x128xf32, #tpu.memory_space<vmem>>) target(%dma_start3A_73 : memref<10112x128xf32, #tpu.memory_space<vmem_shared>>) offsets(%dma_start3A_70 : memref<128xi32, #tpu.memory_space<vmem>>) semaphore(%run_scoped3A_67 : memref<!tpu.dma_semaphore, #tpu.memory_space<semaphore_mem>>) {add = true}
      %dma_wait3A_74 = arith.constant 0 : i32
      %dma_wait3A_75 = tpu.memref_slice %arg8[%run_scoped3A, %run_scoped3A_25, %dma_wait3A_74] : memref<2x2x128xi32, #tpu.memory_space<vmem>> -> memref<1x1x128xi32, #tpu.memory_space<vmem>>
      %dma_wait3A_76 = tpu.memref_squeeze %dma_wait3A_75 : memref<1x1x128xi32, #tpu.memory_space<vmem>> -> memref<128xi32, #tpu.memory_space<vmem>>
      %dma_wait3A_77 = arith.constant 0 : i32
      %dma_wait3A_78 = arith.constant 0 : i32
      %dma_wait3A_79 = tpu.memref_slice %arg6[%dma_wait3A_77, %dma_wait3A_78] : memref<10112x128xf32, #tpu.memory_space<vmem_shared>> -> memref<10112x128xf32, #tpu.memory_space<vmem_shared>>
      tpu.wait_indirect_dma semaphore(%run_scoped3A_67 : memref<!tpu.dma_semaphore, #tpu.memory_space<semaphore_mem>>) src(%arg9 : memref<128x128xf32, #tpu.memory_space<vmem>>) dst(%dma_wait3A_79 : memref<10112x128xf32, #tpu.memory_space<vmem_shared>>)
      tpu.yield
    }) : () -> ()
    %add3A_26 = arith.constant 1 : i32
    %add3A_27 = arith.addi %select_n3A_10, %add3A_26 : i32
    %dma_start3A_28 = arith.constant 0 : i32
    %dma_start3A_29 = arith.constant 0 : i32
    %dma_start3A_30 = tpu.memref_slice %arg3[%add3A_27, %dma_start3A_28, %dma_start3A_29] : memref<2530x2x128xi32, #tpu.memory_space<hbm>> -> memref<2x2x128xi32, #tpu.memory_space<hbm>>
    %dma_start3A_31 = arith.constant 0 : i32
    %dma_start3A_32 = arith.constant 0 : i32
    %dma_start3A_33 = tpu.memref_slice %arg3[%add3A_27, %dma_start3A_31, %dma_start3A_32] : memref<2530x2x128xi32, #tpu.memory_space<hbm>> -> memref<2x2x128xi32, #tpu.memory_space<hbm>>
    tpu.enqueue_dma source(%dma_start3A_33 : memref<2x2x128xi32, #tpu.memory_space<hbm>>) target(%arg7 : memref<2x2x128xi32, #tpu.memory_space<vmem>>) target_semaphore(%arg13 : memref<!tpu.dma_semaphore, #tpu.memory_space<semaphore_mem>>)
    %sub3A = arith.constant 1 : i32
    %sub3A_34 = arith.subi %select_n3A, %sub3A : i32
    %sub3A_35 = arith.constant 4 : i32
    %sub3A_36 = arith.constant 1 : i32
    %sub3A_37 = arith.subi %sub3A_35, %sub3A_36 : i32
    %add3A_38 = arith.addi %sub3A_34, %sub3A_37 : i32
    %div3A = arith.constant 4 : i32
    %div3A_39 = arith.divsi %add3A_38, %div3A : i32
    %while3A = arith.constant 4 : i32
    %while3A_40 = arith.constant 1 : i32
    %while3A_41 = arith.constant 0 : i32
    %while3A_42 = arith.subi %div3A_39, %while3A_41 : i32
    %while3A_43 = arith.addi %while3A_41, %while3A_42 : i32
    %while3A_44 = arith.constant 1 : i32
    %while3A_45 = arith.divsi %while3A_42, %while3A_44 : i32
    %while3A_46 = arith.muli %while3A_45, %while3A_44 : i32
    %while3A_47 = arith.addi %while3A_41, %while3A_46 : i32
    %while3A_48 = arith.constant 1 : i32
    scf.for %while3A_67 = %while3A_41 to %while3A_47 step %while3A_48  : i32 {
      %mul3A_68 = arith.muli %while3A_67, %while3A : i32
      %add3A_69 = arith.addi %while3A_40, %mul3A_68 : i32
      %dma_wait3A_70 = arith.constant 0 : i32
      %dma_wait3A_71 = arith.constant 0 : i32
      %dma_wait3A_72 = arith.constant 0 : i32
      %dma_wait3A_73 = tpu.memref_slice %arg3[%dma_wait3A_70, %dma_wait3A_71, %dma_wait3A_72] : memref<2530x2x128xi32, #tpu.memory_space<hbm>> -> memref<2x2x128xi32, #tpu.memory_space<hbm>>
      %dma_wait3A_74 = arith.constant 0 : i32
      %dma_wait3A_75 = arith.constant 0 : i32
      %dma_wait3A_76 = arith.constant 0 : i32
      %dma_wait3A_77 = tpu.memref_slice %arg3[%dma_wait3A_74, %dma_wait3A_75, %dma_wait3A_76] : memref<2530x2x128xi32, #tpu.memory_space<hbm>> -> memref<2x2x128xi32, #tpu.memory_space<hbm>>
      tpu.wait_dma2 semaphore(%arg13 : memref<!tpu.dma_semaphore, #tpu.memory_space<semaphore_mem>>) src(%dma_wait3A_77 : memref<2x2x128xi32, #tpu.memory_space<hbm>>) dst(%arg7 : memref<2x2x128xi32, #tpu.memory_space<vmem>>)
      %dma_start3A_78 = arith.constant 0 : i32
      %dma_start3A_79 = arith.constant 0 : i32
      %dma_start3A_80 = arith.constant 0 : i32
      %dma_start3A_81 = tpu.memref_slice %arg7[%dma_start3A_78, %dma_start3A_79, %dma_start3A_80] : memref<2x2x128xi32, #tpu.memory_space<vmem>> -> memref<1x1x128xi32, #tpu.memory_space<vmem>>
      %dma_start3A_82 = tpu.memref_squeeze %dma_start3A_81 : memref<1x1x128xi32, #tpu.memory_space<vmem>> -> memref<128xi32, #tpu.memory_space<vmem>>
      %dma_start3A_83 = arith.constant 0 : i32
      %dma_start3A_84 = arith.constant 0 : i32
      %dma_start3A_85 = tpu.memref_slice %arg2[%dma_start3A_83, %dma_start3A_84] : memref<10000x128xf32, #tpu.memory_space<hbm>> -> memref<10000x128xf32, #tpu.memory_space<hbm>>
      tpu.enqueue_indirect_dma source(%dma_start3A_85 : memref<10000x128xf32, #tpu.memory_space<hbm>>) target(%arg9 : memref<128x128xf32, #tpu.memory_space<vmem>>) offsets(%dma_start3A_82 : memref<128xi32, #tpu.memory_space<vmem>>) semaphore(%arg11 : memref<!tpu.dma_semaphore, #tpu.memory_space<semaphore_mem>>)
      %dma_start3A_86 = arith.constant 1 : i32
      %dma_start3A_87 = arith.constant 0 : i32
      %dma_start3A_88 = arith.constant 0 : i32
      %dma_start3A_89 = tpu.memref_slice %arg7[%dma_start3A_86, %dma_start3A_87, %dma_start3A_88] : memref<2x2x128xi32, #tpu.memory_space<vmem>> -> memref<1x1x128xi32, #tpu.memory_space<vmem>>
      %dma_start3A_90 = tpu.memref_squeeze %dma_start3A_89 : memref<1x1x128xi32, #tpu.memory_space<vmem>> -> memref<128xi32, #tpu.memory_space<vmem>>
      %dma_start3A_91 = arith.constant 0 : i32
      %dma_start3A_92 = arith.constant 0 : i32
      %dma_start3A_93 = tpu.memref_slice %arg2[%dma_start3A_91, %dma_start3A_92] : memref<10000x128xf32, #tpu.memory_space<hbm>> -> memref<10000x128xf32, #tpu.memory_space<hbm>>
      tpu.enqueue_indirect_dma source(%dma_start3A_93 : memref<10000x128xf32, #tpu.memory_space<hbm>>) target(%arg10 : memref<128x128xf32, #tpu.memory_space<vmem>>) offsets(%dma_start3A_90 : memref<128xi32, #tpu.memory_space<vmem>>) semaphore(%arg12 : memref<!tpu.dma_semaphore, #tpu.memory_space<semaphore_mem>>)
      %add3A_94 = arith.addi %add3A_69, %select_n3A_10 : i32
      %add3A_95 = arith.constant 2 : i32
      %add3A_96 = arith.addi %add3A_94, %add3A_95 : i32
      %dma_start3A_97 = arith.constant 0 : i32
      %dma_start3A_98 = arith.constant 0 : i32
      %dma_start3A_99 = tpu.memref_slice %arg3[%add3A_96, %dma_start3A_97, %dma_start3A_98] : memref<2530x2x128xi32, #tpu.memory_space<hbm>> -> memref<2x2x128xi32, #tpu.memory_space<hbm>>
      %dma_start3A_100 = arith.constant 0 : i32
      %dma_start3A_101 = arith.constant 0 : i32
      %dma_start3A_102 = tpu.memref_slice %arg3[%add3A_96, %dma_start3A_100, %dma_start3A_101] : memref<2530x2x128xi32, #tpu.memory_space<hbm>> -> memref<2x2x128xi32, #tpu.memory_space<hbm>>
      tpu.enqueue_dma source(%dma_start3A_102 : memref<2x2x128xi32, #tpu.memory_space<hbm>>) target(%arg8 : memref<2x2x128xi32, #tpu.memory_space<vmem>>) target_semaphore(%arg14 : memref<!tpu.dma_semaphore, #tpu.memory_space<semaphore_mem>>)
      %dma_wait3A_103 = arith.constant 0 : i32
      %dma_wait3A_104 = arith.constant 0 : i32
      %dma_wait3A_105 = arith.constant 0 : i32
      %dma_wait3A_106 = tpu.memref_slice %arg7[%dma_wait3A_103, %dma_wait3A_104, %dma_wait3A_105] : memref<2x2x128xi32, #tpu.memory_space<vmem>> -> memref<1x1x128xi32, #tpu.memory_space<vmem>>
      %dma_wait3A_107 = tpu.memref_squeeze %dma_wait3A_106 : memref<1x1x128xi32, #tpu.memory_space<vmem>> -> memref<128xi32, #tpu.memory_space<vmem>>
      %dma_wait3A_108 = arith.constant 0 : i32
      %dma_wait3A_109 = arith.constant 0 : i32
      %dma_wait3A_110 = tpu.memref_slice %arg2[%dma_wait3A_108, %dma_wait3A_109] : memref<10000x128xf32, #tpu.memory_space<hbm>> -> memref<10000x128xf32, #tpu.memory_space<hbm>>
      tpu.wait_indirect_dma semaphore(%arg11 : memref<!tpu.dma_semaphore, #tpu.memory_space<semaphore_mem>>) src(%dma_wait3A_110 : memref<10000x128xf32, #tpu.memory_space<hbm>>) dst(%arg9 : memref<128x128xf32, #tpu.memory_space<vmem>>)
      %run_scoped3A_111 = arith.constant 0 : i32
      %run_scoped3A_112 = arith.constant 1 : i32
      "tpu.region"() ({
        %run_scoped3A_176 = tpu.sem_alloc : memref<!tpu.dma_semaphore, #tpu.memory_space<semaphore_mem>>
        %dma_start3A_177 = arith.constant 0 : i32
        %dma_start3A_178 = tpu.memref_slice %arg7[%run_scoped3A_111, %run_scoped3A_112, %dma_start3A_177] : memref<2x2x128xi32, #tpu.memory_space<vmem>> -> memref<1x1x128xi32, #tpu.memory_space<vmem>>
        %dma_start3A_179 = tpu.memref_squeeze %dma_start3A_178 : memref<1x1x128xi32, #tpu.memory_space<vmem>> -> memref<128xi32, #tpu.memory_space<vmem>>
        %dma_start3A_180 = arith.constant 0 : i32
        %dma_start3A_181 = arith.constant 0 : i32
        %dma_start3A_182 = tpu.memref_slice %arg6[%dma_start3A_180, %dma_start3A_181] : memref<10112x128xf32, #tpu.memory_space<vmem_shared>> -> memref<10112x128xf32, #tpu.memory_space<vmem_shared>>
        tpu.enqueue_indirect_dma source(%arg9 : memref<128x128xf32, #tpu.memory_space<vmem>>) target(%dma_start3A_182 : memref<10112x128xf32, #tpu.memory_space<vmem_shared>>) offsets(%dma_start3A_179 : memref<128xi32, #tpu.memory_space<vmem>>) semaphore(%run_scoped3A_176 : memref<!tpu.dma_semaphore, #tpu.memory_space<semaphore_mem>>) {add = true}
        %dma_wait3A_183 = arith.constant 0 : i32
        %dma_wait3A_184 = tpu.memref_slice %arg7[%run_scoped3A_111, %run_scoped3A_112, %dma_wait3A_183] : memref<2x2x128xi32, #tpu.memory_space<vmem>> -> memref<1x1x128xi32, #tpu.memory_space<vmem>>
        %dma_wait3A_185 = tpu.memref_squeeze %dma_wait3A_184 : memref<1x1x128xi32, #tpu.memory_space<vmem>> -> memref<128xi32, #tpu.memory_space<vmem>>
        %dma_wait3A_186 = arith.constant 0 : i32
        %dma_wait3A_187 = arith.constant 0 : i32
        %dma_wait3A_188 = tpu.memref_slice %arg6[%dma_wait3A_186, %dma_wait3A_187] : memref<10112x128xf32, #tpu.memory_space<vmem_shared>> -> memref<10112x128xf32, #tpu.memory_space<vmem_shared>>
        tpu.wait_indirect_dma semaphore(%run_scoped3A_176 : memref<!tpu.dma_semaphore, #tpu.memory_space<semaphore_mem>>) src(%arg9 : memref<128x128xf32, #tpu.memory_space<vmem>>) dst(%dma_wait3A_188 : memref<10112x128xf32, #tpu.memory_space<vmem_shared>>)
        tpu.yield
      }) : () -> ()
      %dma_wait3A_113 = arith.constant 1 : i32
      %dma_wait3A_114 = arith.constant 0 : i32
      %dma_wait3A_115 = arith.constant 0 : i32
      %dma_wait3A_116 = tpu.memref_slice %arg7[%dma_wait3A_113, %dma_wait3A_114, %dma_wait3A_115] : memref<2x2x128xi32, #tpu.memory_space<vmem>> -> memref<1x1x128xi32, #tpu.memory_space<vmem>>
      %dma_wait3A_117 = tpu.memref_squeeze %dma_wait3A_116 : memref<1x1x128xi32, #tpu.memory_space<vmem>> -> memref<128xi32, #tpu.memory_space<vmem>>
      %dma_wait3A_118 = arith.constant 0 : i32
      %dma_wait3A_119 = arith.constant 0 : i32
      %dma_wait3A_120 = tpu.memref_slice %arg2[%dma_wait3A_118, %dma_wait3A_119] : memref<10000x128xf32, #tpu.memory_space<hbm>> -> memref<10000x128xf32, #tpu.memory_space<hbm>>
      tpu.wait_indirect_dma semaphore(%arg12 : memref<!tpu.dma_semaphore, #tpu.memory_space<semaphore_mem>>) src(%dma_wait3A_120 : memref<10000x128xf32, #tpu.memory_space<hbm>>) dst(%arg10 : memref<128x128xf32, #tpu.memory_space<vmem>>)
      %run_scoped3A_121 = arith.constant 1 : i32
      %run_scoped3A_122 = arith.constant 1 : i32
      "tpu.region"() ({
        %run_scoped3A_176 = tpu.sem_alloc : memref<!tpu.dma_semaphore, #tpu.memory_space<semaphore_mem>>
        %dma_start3A_177 = arith.constant 0 : i32
        %dma_start3A_178 = tpu.memref_slice %arg7[%run_scoped3A_121, %run_scoped3A_122, %dma_start3A_177] : memref<2x2x128xi32, #tpu.memory_space<vmem>> -> memref<1x1x128xi32, #tpu.memory_space<vmem>>
        %dma_start3A_179 = tpu.memref_squeeze %dma_start3A_178 : memref<1x1x128xi32, #tpu.memory_space<vmem>> -> memref<128xi32, #tpu.memory_space<vmem>>
        %dma_start3A_180 = arith.constant 0 : i32
        %dma_start3A_181 = arith.constant 0 : i32
        %dma_start3A_182 = tpu.memref_slice %arg6[%dma_start3A_180, %dma_start3A_181] : memref<10112x128xf32, #tpu.memory_space<vmem_shared>> -> memref<10112x128xf32, #tpu.memory_space<vmem_shared>>
        tpu.enqueue_indirect_dma source(%arg10 : memref<128x128xf32, #tpu.memory_space<vmem>>) target(%dma_start3A_182 : memref<10112x128xf32, #tpu.memory_space<vmem_shared>>) offsets(%dma_start3A_179 : memref<128xi32, #tpu.memory_space<vmem>>) semaphore(%run_scoped3A_176 : memref<!tpu.dma_semaphore, #tpu.memory_space<semaphore_mem>>) {add = true}
        %dma_wait3A_183 = arith.constant 0 : i32
        %dma_wait3A_184 = tpu.memref_slice %arg7[%run_scoped3A_121, %run_scoped3A_122, %dma_wait3A_183] : memref<2x2x128xi32, #tpu.memory_space<vmem>> -> memref<1x1x128xi32, #tpu.memory_space<vmem>>
        %dma_wait3A_185 = tpu.memref_squeeze %dma_wait3A_184 : memref<1x1x128xi32, #tpu.memory_space<vmem>> -> memref<128xi32, #tpu.memory_space<vmem>>
        %dma_wait3A_186 = arith.constant 0 : i32
        %dma_wait3A_187 = arith.constant 0 : i32
        %dma_wait3A_188 = tpu.memref_slice %arg6[%dma_wait3A_186, %dma_wait3A_187] : memref<10112x128xf32, #tpu.memory_space<vmem_shared>> -> memref<10112x128xf32, #tpu.memory_space<vmem_shared>>
        tpu.wait_indirect_dma semaphore(%run_scoped3A_176 : memref<!tpu.dma_semaphore, #tpu.memory_space<semaphore_mem>>) src(%arg10 : memref<128x128xf32, #tpu.memory_space<vmem>>) dst(%dma_wait3A_188 : memref<10112x128xf32, #tpu.memory_space<vmem_shared>>)
        tpu.yield
      }) : () -> ()
      %dma_wait3A_123 = arith.constant 0 : i32
      %dma_wait3A_124 = arith.constant 0 : i32
      %dma_wait3A_125 = arith.constant 0 : i32
      %dma_wait3A_126 = tpu.memref_slice %arg3[%dma_wait3A_123, %dma_wait3A_124, %dma_wait3A_125] : memref<2530x2x128xi32, #tpu.memory_space<hbm>> -> memref<2x2x128xi32, #tpu.memory_space<hbm>>
      %dma_wait3A_127 = arith.constant 0 : i32
      %dma_wait3A_128 = arith.constant 0 : i32
      %dma_wait3A_129 = arith.constant 0 : i32
      %dma_wait3A_130 = tpu.memref_slice %arg3[%dma_wait3A_127, %dma_wait3A_128, %dma_wait3A_129] : memref<2530x2x128xi32, #tpu.memory_space<hbm>> -> memref<2x2x128xi32, #tpu.memory_space<hbm>>
      tpu.wait_dma2 semaphore(%arg14 : memref<!tpu.dma_semaphore, #tpu.memory_space<semaphore_mem>>) src(%dma_wait3A_130 : memref<2x2x128xi32, #tpu.memory_space<hbm>>) dst(%arg8 : memref<2x2x128xi32, #tpu.memory_space<vmem>>)
      %dma_start3A_131 = arith.constant 0 : i32
      %dma_start3A_132 = arith.constant 0 : i32
      %dma_start3A_133 = arith.constant 0 : i32
      %dma_start3A_134 = tpu.memref_slice %arg8[%dma_start3A_131, %dma_start3A_132, %dma_start3A_133] : memref<2x2x128xi32, #tpu.memory_space<vmem>> -> memref<1x1x128xi32, #tpu.memory_space<vmem>>
      %dma_start3A_135 = tpu.memref_squeeze %dma_start3A_134 : memref<1x1x128xi32, #tpu.memory_space<vmem>> -> memref<128xi32, #tpu.memory_space<vmem>>
      %dma_start3A_136 = arith.constant 0 : i32
      %dma_start3A_137 = arith.constant 0 : i32
      %dma_start3A_138 = tpu.memref_slice %arg2[%dma_start3A_136, %dma_start3A_137] : memref<10000x128xf32, #tpu.memory_space<hbm>> -> memref<10000x128xf32, #tpu.memory_space<hbm>>
      tpu.enqueue_indirect_dma source(%dma_start3A_138 : memref<10000x128xf32, #tpu.memory_space<hbm>>) target(%arg9 : memref<128x128xf32, #tpu.memory_space<vmem>>) offsets(%dma_start3A_135 : memref<128xi32, #tpu.memory_space<vmem>>) semaphore(%arg11 : memref<!tpu.dma_semaphore, #tpu.memory_space<semaphore_mem>>)
      %dma_start3A_139 = arith.constant 1 : i32
      %dma_start3A_140 = arith.constant 0 : i32
      %dma_start3A_141 = arith.constant 0 : i32
      %dma_start3A_142 = tpu.memref_slice %arg8[%dma_start3A_139, %dma_start3A_140, %dma_start3A_141] : memref<2x2x128xi32, #tpu.memory_space<vmem>> -> memref<1x1x128xi32, #tpu.memory_space<vmem>>
      %dma_start3A_143 = tpu.memref_squeeze %dma_start3A_142 : memref<1x1x128xi32, #tpu.memory_space<vmem>> -> memref<128xi32, #tpu.memory_space<vmem>>
      %dma_start3A_144 = arith.constant 0 : i32
      %dma_start3A_145 = arith.constant 0 : i32
      %dma_start3A_146 = tpu.memref_slice %arg2[%dma_start3A_144, %dma_start3A_145] : memref<10000x128xf32, #tpu.memory_space<hbm>> -> memref<10000x128xf32, #tpu.memory_space<hbm>>
      tpu.enqueue_indirect_dma source(%dma_start3A_146 : memref<10000x128xf32, #tpu.memory_space<hbm>>) target(%arg10 : memref<128x128xf32, #tpu.memory_space<vmem>>) offsets(%dma_start3A_143 : memref<128xi32, #tpu.memory_space<vmem>>) semaphore(%arg12 : memref<!tpu.dma_semaphore, #tpu.memory_space<semaphore_mem>>)
      %add3A_147 = arith.addi %add3A_69, %select_n3A_10 : i32
      %add3A_148 = arith.constant 4 : i32
      %add3A_149 = arith.addi %add3A_147, %add3A_148 : i32
      %dma_start3A_150 = arith.constant 0 : i32
      %dma_start3A_151 = arith.constant 0 : i32
      %dma_start3A_152 = tpu.memref_slice %arg3[%add3A_149, %dma_start3A_150, %dma_start3A_151] : memref<2530x2x128xi32, #tpu.memory_space<hbm>> -> memref<2x2x128xi32, #tpu.memory_space<hbm>>
      %dma_start3A_153 = arith.constant 0 : i32
      %dma_start3A_154 = arith.constant 0 : i32
      %dma_start3A_155 = tpu.memref_slice %arg3[%add3A_149, %dma_start3A_153, %dma_start3A_154] : memref<2530x2x128xi32, #tpu.memory_space<hbm>> -> memref<2x2x128xi32, #tpu.memory_space<hbm>>
      tpu.enqueue_dma source(%dma_start3A_155 : memref<2x2x128xi32, #tpu.memory_space<hbm>>) target(%arg7 : memref<2x2x128xi32, #tpu.memory_space<vmem>>) target_semaphore(%arg13 : memref<!tpu.dma_semaphore, #tpu.memory_space<semaphore_mem>>)
      %dma_wait3A_156 = arith.constant 0 : i32
      %dma_wait3A_157 = arith.constant 0 : i32
      %dma_wait3A_158 = arith.constant 0 : i32
      %dma_wait3A_159 = tpu.memref_slice %arg8[%dma_wait3A_156, %dma_wait3A_157, %dma_wait3A_158] : memref<2x2x128xi32, #tpu.memory_space<vmem>> -> memref<1x1x128xi32, #tpu.memory_space<vmem>>
      %dma_wait3A_160 = tpu.memref_squeeze %dma_wait3A_159 : memref<1x1x128xi32, #tpu.memory_space<vmem>> -> memref<128xi32, #tpu.memory_space<vmem>>
      %dma_wait3A_161 = arith.constant 0 : i32
      %dma_wait3A_162 = arith.constant 0 : i32
      %dma_wait3A_163 = tpu.memref_slice %arg2[%dma_wait3A_161, %dma_wait3A_162] : memref<10000x128xf32, #tpu.memory_space<hbm>> -> memref<10000x128xf32, #tpu.memory_space<hbm>>
      tpu.wait_indirect_dma semaphore(%arg11 : memref<!tpu.dma_semaphore, #tpu.memory_space<semaphore_mem>>) src(%dma_wait3A_163 : memref<10000x128xf32, #tpu.memory_space<hbm>>) dst(%arg9 : memref<128x128xf32, #tpu.memory_space<vmem>>)
      %run_scoped3A_164 = arith.constant 0 : i32
      %run_scoped3A_165 = arith.constant 1 : i32
      "tpu.region"() ({
        %run_scoped3A_176 = tpu.sem_alloc : memref<!tpu.dma_semaphore, #tpu.memory_space<semaphore_mem>>
        %dma_start3A_177 = arith.constant 0 : i32
        %dma_start3A_178 = tpu.memref_slice %arg8[%run_scoped3A_164, %run_scoped3A_165, %dma_start3A_177] : memref<2x2x128xi32, #tpu.memory_space<vmem>> -> memref<1x1x128xi32, #tpu.memory_space<vmem>>
        %dma_start3A_179 = tpu.memref_squeeze %dma_start3A_178 : memref<1x1x128xi32, #tpu.memory_space<vmem>> -> memref<128xi32, #tpu.memory_space<vmem>>
        %dma_start3A_180 = arith.constant 0 : i32
        %dma_start3A_181 = arith.constant 0 : i32
        %dma_start3A_182 = tpu.memref_slice %arg6[%dma_start3A_180, %dma_start3A_181] : memref<10112x128xf32, #tpu.memory_space<vmem_shared>> -> memref<10112x128xf32, #tpu.memory_space<vmem_shared>>
        tpu.enqueue_indirect_dma source(%arg9 : memref<128x128xf32, #tpu.memory_space<vmem>>) target(%dma_start3A_182 : memref<10112x128xf32, #tpu.memory_space<vmem_shared>>) offsets(%dma_start3A_179 : memref<128xi32, #tpu.memory_space<vmem>>) semaphore(%run_scoped3A_176 : memref<!tpu.dma_semaphore, #tpu.memory_space<semaphore_mem>>) {add = true}
        %dma_wait3A_183 = arith.constant 0 : i32
        %dma_wait3A_184 = tpu.memref_slice %arg8[%run_scoped3A_164, %run_scoped3A_165, %dma_wait3A_183] : memref<2x2x128xi32, #tpu.memory_space<vmem>> -> memref<1x1x128xi32, #tpu.memory_space<vmem>>
        %dma_wait3A_185 = tpu.memref_squeeze %dma_wait3A_184 : memref<1x1x128xi32, #tpu.memory_space<vmem>> -> memref<128xi32, #tpu.memory_space<vmem>>
        %dma_wait3A_186 = arith.constant 0 : i32
        %dma_wait3A_187 = arith.constant 0 : i32
        %dma_wait3A_188 = tpu.memref_slice %arg6[%dma_wait3A_186, %dma_wait3A_187] : memref<10112x128xf32, #tpu.memory_space<vmem_shared>> -> memref<10112x128xf32, #tpu.memory_space<vmem_shared>>
        tpu.wait_indirect_dma semaphore(%run_scoped3A_176 : memref<!tpu.dma_semaphore, #tpu.memory_space<semaphore_mem>>) src(%arg9 : memref<128x128xf32, #tpu.memory_space<vmem>>) dst(%dma_wait3A_188 : memref<10112x128xf32, #tpu.memory_space<vmem_shared>>)
        tpu.yield
      }) : () -> ()
      %dma_wait3A_166 = arith.constant 1 : i32
      %dma_wait3A_167 = arith.constant 0 : i32
      %dma_wait3A_168 = arith.constant 0 : i32
      %dma_wait3A_169 = tpu.memref_slice %arg8[%dma_wait3A_166, %dma_wait3A_167, %dma_wait3A_168] : memref<2x2x128xi32, #tpu.memory_space<vmem>> -> memref<1x1x128xi32, #tpu.memory_space<vmem>>
      %dma_wait3A_170 = tpu.memref_squeeze %dma_wait3A_169 : memref<1x1x128xi32, #tpu.memory_space<vmem>> -> memref<128xi32, #tpu.memory_space<vmem>>
      %dma_wait3A_171 = arith.constant 0 : i32
      %dma_wait3A_172 = arith.constant 0 : i32
      %dma_wait3A_173 = tpu.memref_slice %arg2[%dma_wait3A_171, %dma_wait3A_172] : memref<10000x128xf32, #tpu.memory_space<hbm>> -> memref<10000x128xf32, #tpu.memory_space<hbm>>
      tpu.wait_indirect_dma semaphore(%arg12 : memref<!tpu.dma_semaphore, #tpu.memory_space<semaphore_mem>>) src(%dma_wait3A_173 : memref<10000x128xf32, #tpu.memory_space<hbm>>) dst(%arg10 : memref<128x128xf32, #tpu.memory_space<vmem>>)
      %run_scoped3A_174 = arith.constant 1 : i32
      %run_scoped3A_175 = arith.constant 1 : i32
      "tpu.region"() ({
        %run_scoped3A_176 = tpu.sem_alloc : memref<!tpu.dma_semaphore, #tpu.memory_space<semaphore_mem>>
        %dma_start3A_177 = arith.constant 0 : i32
        %dma_start3A_178 = tpu.memref_slice %arg8[%run_scoped3A_174, %run_scoped3A_175, %dma_start3A_177] : memref<2x2x128xi32, #tpu.memory_space<vmem>> -> memref<1x1x128xi32, #tpu.memory_space<vmem>>
        %dma_start3A_179 = tpu.memref_squeeze %dma_start3A_178 : memref<1x1x128xi32, #tpu.memory_space<vmem>> -> memref<128xi32, #tpu.memory_space<vmem>>
        %dma_start3A_180 = arith.constant 0 : i32
        %dma_start3A_181 = arith.constant 0 : i32
        %dma_start3A_182 = tpu.memref_slice %arg6[%dma_start3A_180, %dma_start3A_181] : memref<10112x128xf32, #tpu.memory_space<vmem_shared>> -> memref<10112x128xf32, #tpu.memory_space<vmem_shared>>
        tpu.enqueue_indirect_dma source(%arg10 : memref<128x128xf32, #tpu.memory_space<vmem>>) target(%dma_start3A_182 : memref<10112x128xf32, #tpu.memory_space<vmem_shared>>) offsets(%dma_start3A_179 : memref<128xi32, #tpu.memory_space<vmem>>) semaphore(%run_scoped3A_176 : memref<!tpu.dma_semaphore, #tpu.memory_space<semaphore_mem>>) {add = true}
        %dma_wait3A_183 = arith.constant 0 : i32
        %dma_wait3A_184 = tpu.memref_slice %arg8[%run_scoped3A_174, %run_scoped3A_175, %dma_wait3A_183] : memref<2x2x128xi32, #tpu.memory_space<vmem>> -> memref<1x1x128xi32, #tpu.memory_space<vmem>>
        %dma_wait3A_185 = tpu.memref_squeeze %dma_wait3A_184 : memref<1x1x128xi32, #tpu.memory_space<vmem>> -> memref<128xi32, #tpu.memory_space<vmem>>
        %dma_wait3A_186 = arith.constant 0 : i32
        %dma_wait3A_187 = arith.constant 0 : i32
        %dma_wait3A_188 = tpu.memref_slice %arg6[%dma_wait3A_186, %dma_wait3A_187] : memref<10112x128xf32, #tpu.memory_space<vmem_shared>> -> memref<10112x128xf32, #tpu.memory_space<vmem_shared>>
        tpu.wait_indirect_dma semaphore(%run_scoped3A_176 : memref<!tpu.dma_semaphore, #tpu.memory_space<semaphore_mem>>) src(%arg10 : memref<128x128xf32, #tpu.memory_space<vmem>>) dst(%dma_wait3A_188 : memref<10112x128xf32, #tpu.memory_space<vmem_shared>>)
        tpu.yield
      }) : () -> ()
    }
    %while3A_49 = arith.constant 1 : i32
    scf.for %while3A_67 = %while3A_47 to %while3A_43 step %while3A_49  : i32 {
      %mul3A_68 = arith.muli %while3A_67, %while3A : i32
      %add3A_69 = arith.addi %while3A_40, %mul3A_68 : i32
      %dma_wait3A_70 = arith.constant 0 : i32
      %dma_wait3A_71 = arith.constant 0 : i32
      %dma_wait3A_72 = arith.constant 0 : i32
      %dma_wait3A_73 = tpu.memref_slice %arg3[%dma_wait3A_70, %dma_wait3A_71, %dma_wait3A_72] : memref<2530x2x128xi32, #tpu.memory_space<hbm>> -> memref<2x2x128xi32, #tpu.memory_space<hbm>>
      %dma_wait3A_74 = arith.constant 0 : i32
      %dma_wait3A_75 = arith.constant 0 : i32
      %dma_wait3A_76 = arith.constant 0 : i32
      %dma_wait3A_77 = tpu.memref_slice %arg3[%dma_wait3A_74, %dma_wait3A_75, %dma_wait3A_76] : memref<2530x2x128xi32, #tpu.memory_space<hbm>> -> memref<2x2x128xi32, #tpu.memory_space<hbm>>
      tpu.wait_dma2 semaphore(%arg13 : memref<!tpu.dma_semaphore, #tpu.memory_space<semaphore_mem>>) src(%dma_wait3A_77 : memref<2x2x128xi32, #tpu.memory_space<hbm>>) dst(%arg7 : memref<2x2x128xi32, #tpu.memory_space<vmem>>)
      %dma_start3A_78 = arith.constant 0 : i32
      %dma_start3A_79 = arith.constant 0 : i32
      %dma_start3A_80 = arith.constant 0 : i32
      %dma_start3A_81 = tpu.memref_slice %arg7[%dma_start3A_78, %dma_start3A_79, %dma_start3A_80] : memref<2x2x128xi32, #tpu.memory_space<vmem>> -> memref<1x1x128xi32, #tpu.memory_space<vmem>>
      %dma_start3A_82 = tpu.memref_squeeze %dma_start3A_81 : memref<1x1x128xi32, #tpu.memory_space<vmem>> -> memref<128xi32, #tpu.memory_space<vmem>>
      %dma_start3A_83 = arith.constant 0 : i32
      %dma_start3A_84 = arith.constant 0 : i32
      %dma_start3A_85 = tpu.memref_slice %arg2[%dma_start3A_83, %dma_start3A_84] : memref<10000x128xf32, #tpu.memory_space<hbm>> -> memref<10000x128xf32, #tpu.memory_space<hbm>>
      tpu.enqueue_indirect_dma source(%dma_start3A_85 : memref<10000x128xf32, #tpu.memory_space<hbm>>) target(%arg9 : memref<128x128xf32, #tpu.memory_space<vmem>>) offsets(%dma_start3A_82 : memref<128xi32, #tpu.memory_space<vmem>>) semaphore(%arg11 : memref<!tpu.dma_semaphore, #tpu.memory_space<semaphore_mem>>)
      %dma_start3A_86 = arith.constant 1 : i32
      %dma_start3A_87 = arith.constant 0 : i32
      %dma_start3A_88 = arith.constant 0 : i32
      %dma_start3A_89 = tpu.memref_slice %arg7[%dma_start3A_86, %dma_start3A_87, %dma_start3A_88] : memref<2x2x128xi32, #tpu.memory_space<vmem>> -> memref<1x1x128xi32, #tpu.memory_space<vmem>>
      %dma_start3A_90 = tpu.memref_squeeze %dma_start3A_89 : memref<1x1x128xi32, #tpu.memory_space<vmem>> -> memref<128xi32, #tpu.memory_space<vmem>>
      %dma_start3A_91 = arith.constant 0 : i32
      %dma_start3A_92 = arith.constant 0 : i32
      %dma_start3A_93 = tpu.memref_slice %arg2[%dma_start3A_91, %dma_start3A_92] : memref<10000x128xf32, #tpu.memory_space<hbm>> -> memref<10000x128xf32, #tpu.memory_space<hbm>>
      tpu.enqueue_indirect_dma source(%dma_start3A_93 : memref<10000x128xf32, #tpu.memory_space<hbm>>) target(%arg10 : memref<128x128xf32, #tpu.memory_space<vmem>>) offsets(%dma_start3A_90 : memref<128xi32, #tpu.memory_space<vmem>>) semaphore(%arg12 : memref<!tpu.dma_semaphore, #tpu.memory_space<semaphore_mem>>)
      %add3A_94 = arith.addi %add3A_69, %select_n3A_10 : i32
      %add3A_95 = arith.constant 2 : i32
      %add3A_96 = arith.addi %add3A_94, %add3A_95 : i32
      %dma_start3A_97 = arith.constant 0 : i32
      %dma_start3A_98 = arith.constant 0 : i32
      %dma_start3A_99 = tpu.memref_slice %arg3[%add3A_96, %dma_start3A_97, %dma_start3A_98] : memref<2530x2x128xi32, #tpu.memory_space<hbm>> -> memref<2x2x128xi32, #tpu.memory_space<hbm>>
      %dma_start3A_100 = arith.constant 0 : i32
      %dma_start3A_101 = arith.constant 0 : i32
      %dma_start3A_102 = tpu.memref_slice %arg3[%add3A_96, %dma_start3A_100, %dma_start3A_101] : memref<2530x2x128xi32, #tpu.memory_space<hbm>> -> memref<2x2x128xi32, #tpu.memory_space<hbm>>
      tpu.enqueue_dma source(%dma_start3A_102 : memref<2x2x128xi32, #tpu.memory_space<hbm>>) target(%arg8 : memref<2x2x128xi32, #tpu.memory_space<vmem>>) target_semaphore(%arg14 : memref<!tpu.dma_semaphore, #tpu.memory_space<semaphore_mem>>)
      %dma_wait3A_103 = arith.constant 0 : i32
      %dma_wait3A_104 = arith.constant 0 : i32
      %dma_wait3A_105 = arith.constant 0 : i32
      %dma_wait3A_106 = tpu.memref_slice %arg7[%dma_wait3A_103, %dma_wait3A_104, %dma_wait3A_105] : memref<2x2x128xi32, #tpu.memory_space<vmem>> -> memref<1x1x128xi32, #tpu.memory_space<vmem>>
      %dma_wait3A_107 = tpu.memref_squeeze %dma_wait3A_106 : memref<1x1x128xi32, #tpu.memory_space<vmem>> -> memref<128xi32, #tpu.memory_space<vmem>>
      %dma_wait3A_108 = arith.constant 0 : i32
      %dma_wait3A_109 = arith.constant 0 : i32
      %dma_wait3A_110 = tpu.memref_slice %arg2[%dma_wait3A_108, %dma_wait3A_109] : memref<10000x128xf32, #tpu.memory_space<hbm>> -> memref<10000x128xf32, #tpu.memory_space<hbm>>
      tpu.wait_indirect_dma semaphore(%arg11 : memref<!tpu.dma_semaphore, #tpu.memory_space<semaphore_mem>>) src(%dma_wait3A_110 : memref<10000x128xf32, #tpu.memory_space<hbm>>) dst(%arg9 : memref<128x128xf32, #tpu.memory_space<vmem>>)
      %run_scoped3A_111 = arith.constant 0 : i32
      %run_scoped3A_112 = arith.constant 1 : i32
      "tpu.region"() ({
        %run_scoped3A_176 = tpu.sem_alloc : memref<!tpu.dma_semaphore, #tpu.memory_space<semaphore_mem>>
        %dma_start3A_177 = arith.constant 0 : i32
        %dma_start3A_178 = tpu.memref_slice %arg7[%run_scoped3A_111, %run_scoped3A_112, %dma_start3A_177] : memref<2x2x128xi32, #tpu.memory_space<vmem>> -> memref<1x1x128xi32, #tpu.memory_space<vmem>>
        %dma_start3A_179 = tpu.memref_squeeze %dma_start3A_178 : memref<1x1x128xi32, #tpu.memory_space<vmem>> -> memref<128xi32, #tpu.memory_space<vmem>>
        %dma_start3A_180 = arith.constant 0 : i32
        %dma_start3A_181 = arith.constant 0 : i32
        %dma_start3A_182 = tpu.memref_slice %arg6[%dma_start3A_180, %dma_start3A_181] : memref<10112x128xf32, #tpu.memory_space<vmem_shared>> -> memref<10112x128xf32, #tpu.memory_space<vmem_shared>>
        tpu.enqueue_indirect_dma source(%arg9 : memref<128x128xf32, #tpu.memory_space<vmem>>) target(%dma_start3A_182 : memref<10112x128xf32, #tpu.memory_space<vmem_shared>>) offsets(%dma_start3A_179 : memref<128xi32, #tpu.memory_space<vmem>>) semaphore(%run_scoped3A_176 : memref<!tpu.dma_semaphore, #tpu.memory_space<semaphore_mem>>) {add = true}
        %dma_wait3A_183 = arith.constant 0 : i32
        %dma_wait3A_184 = tpu.memref_slice %arg7[%run_scoped3A_111, %run_scoped3A_112, %dma_wait3A_183] : memref<2x2x128xi32, #tpu.memory_space<vmem>> -> memref<1x1x128xi32, #tpu.memory_space<vmem>>
        %dma_wait3A_185 = tpu.memref_squeeze %dma_wait3A_184 : memref<1x1x128xi32, #tpu.memory_space<vmem>> -> memref<128xi32, #tpu.memory_space<vmem>>
        %dma_wait3A_186 = arith.constant 0 : i32
        %dma_wait3A_187 = arith.constant 0 : i32
        %dma_wait3A_188 = tpu.memref_slice %arg6[%dma_wait3A_186, %dma_wait3A_187] : memref<10112x128xf32, #tpu.memory_space<vmem_shared>> -> memref<10112x128xf32, #tpu.memory_space<vmem_shared>>
        tpu.wait_indirect_dma semaphore(%run_scoped3A_176 : memref<!tpu.dma_semaphore, #tpu.memory_space<semaphore_mem>>) src(%arg9 : memref<128x128xf32, #tpu.memory_space<vmem>>) dst(%dma_wait3A_188 : memref<10112x128xf32, #tpu.memory_space<vmem_shared>>)
        tpu.yield
      }) : () -> ()
      %dma_wait3A_113 = arith.constant 1 : i32
      %dma_wait3A_114 = arith.constant 0 : i32
      %dma_wait3A_115 = arith.constant 0 : i32
      %dma_wait3A_116 = tpu.memref_slice %arg7[%dma_wait3A_113, %dma_wait3A_114, %dma_wait3A_115] : memref<2x2x128xi32, #tpu.memory_space<vmem>> -> memref<1x1x128xi32, #tpu.memory_space<vmem>>
      %dma_wait3A_117 = tpu.memref_squeeze %dma_wait3A_116 : memref<1x1x128xi32, #tpu.memory_space<vmem>> -> memref<128xi32, #tpu.memory_space<vmem>>
      %dma_wait3A_118 = arith.constant 0 : i32
      %dma_wait3A_119 = arith.constant 0 : i32
      %dma_wait3A_120 = tpu.memref_slice %arg2[%dma_wait3A_118, %dma_wait3A_119] : memref<10000x128xf32, #tpu.memory_space<hbm>> -> memref<10000x128xf32, #tpu.memory_space<hbm>>
      tpu.wait_indirect_dma semaphore(%arg12 : memref<!tpu.dma_semaphore, #tpu.memory_space<semaphore_mem>>) src(%dma_wait3A_120 : memref<10000x128xf32, #tpu.memory_space<hbm>>) dst(%arg10 : memref<128x128xf32, #tpu.memory_space<vmem>>)
      %run_scoped3A_121 = arith.constant 1 : i32
      %run_scoped3A_122 = arith.constant 1 : i32
      "tpu.region"() ({
        %run_scoped3A_176 = tpu.sem_alloc : memref<!tpu.dma_semaphore, #tpu.memory_space<semaphore_mem>>
        %dma_start3A_177 = arith.constant 0 : i32
        %dma_start3A_178 = tpu.memref_slice %arg7[%run_scoped3A_121, %run_scoped3A_122, %dma_start3A_177] : memref<2x2x128xi32, #tpu.memory_space<vmem>> -> memref<1x1x128xi32, #tpu.memory_space<vmem>>
        %dma_start3A_179 = tpu.memref_squeeze %dma_start3A_178 : memref<1x1x128xi32, #tpu.memory_space<vmem>> -> memref<128xi32, #tpu.memory_space<vmem>>
        %dma_start3A_180 = arith.constant 0 : i32
        %dma_start3A_181 = arith.constant 0 : i32
        %dma_start3A_182 = tpu.memref_slice %arg6[%dma_start3A_180, %dma_start3A_181] : memref<10112x128xf32, #tpu.memory_space<vmem_shared>> -> memref<10112x128xf32, #tpu.memory_space<vmem_shared>>
        tpu.enqueue_indirect_dma source(%arg10 : memref<128x128xf32, #tpu.memory_space<vmem>>) target(%dma_start3A_182 : memref<10112x128xf32, #tpu.memory_space<vmem_shared>>) offsets(%dma_start3A_179 : memref<128xi32, #tpu.memory_space<vmem>>) semaphore(%run_scoped3A_176 : memref<!tpu.dma_semaphore, #tpu.memory_space<semaphore_mem>>) {add = true}
        %dma_wait3A_183 = arith.constant 0 : i32
        %dma_wait3A_184 = tpu.memref_slice %arg7[%run_scoped3A_121, %run_scoped3A_122, %dma_wait3A_183] : memref<2x2x128xi32, #tpu.memory_space<vmem>> -> memref<1x1x128xi32, #tpu.memory_space<vmem>>
        %dma_wait3A_185 = tpu.memref_squeeze %dma_wait3A_184 : memref<1x1x128xi32, #tpu.memory_space<vmem>> -> memref<128xi32, #tpu.memory_space<vmem>>
        %dma_wait3A_186 = arith.constant 0 : i32
        %dma_wait3A_187 = arith.constant 0 : i32
        %dma_wait3A_188 = tpu.memref_slice %arg6[%dma_wait3A_186, %dma_wait3A_187] : memref<10112x128xf32, #tpu.memory_space<vmem_shared>> -> memref<10112x128xf32, #tpu.memory_space<vmem_shared>>
        tpu.wait_indirect_dma semaphore(%run_scoped3A_176 : memref<!tpu.dma_semaphore, #tpu.memory_space<semaphore_mem>>) src(%arg10 : memref<128x128xf32, #tpu.memory_space<vmem>>) dst(%dma_wait3A_188 : memref<10112x128xf32, #tpu.memory_space<vmem_shared>>)
        tpu.yield
      }) : () -> ()
      %dma_wait3A_123 = arith.constant 0 : i32
      %dma_wait3A_124 = arith.constant 0 : i32
      %dma_wait3A_125 = arith.constant 0 : i32
      %dma_wait3A_126 = tpu.memref_slice %arg3[%dma_wait3A_123, %dma_wait3A_124, %dma_wait3A_125] : memref<2530x2x128xi32, #tpu.memory_space<hbm>> -> memref<2x2x128xi32, #tpu.memory_space<hbm>>
      %dma_wait3A_127 = arith.constant 0 : i32
      %dma_wait3A_128 = arith.constant 0 : i32
      %dma_wait3A_129 = arith.constant 0 : i32
      %dma_wait3A_130 = tpu.memref_slice %arg3[%dma_wait3A_127, %dma_wait3A_128, %dma_wait3A_129] : memref<2530x2x128xi32, #tpu.memory_space<hbm>> -> memref<2x2x128xi32, #tpu.memory_space<hbm>>
      tpu.wait_dma2 semaphore(%arg14 : memref<!tpu.dma_semaphore, #tpu.memory_space<semaphore_mem>>) src(%dma_wait3A_130 : memref<2x2x128xi32, #tpu.memory_space<hbm>>) dst(%arg8 : memref<2x2x128xi32, #tpu.memory_space<vmem>>)
      %dma_start3A_131 = arith.constant 0 : i32
      %dma_start3A_132 = arith.constant 0 : i32
      %dma_start3A_133 = arith.constant 0 : i32
      %dma_start3A_134 = tpu.memref_slice %arg8[%dma_start3A_131, %dma_start3A_132, %dma_start3A_133] : memref<2x2x128xi32, #tpu.memory_space<vmem>> -> memref<1x1x128xi32, #tpu.memory_space<vmem>>
      %dma_start3A_135 = tpu.memref_squeeze %dma_start3A_134 : memref<1x1x128xi32, #tpu.memory_space<vmem>> -> memref<128xi32, #tpu.memory_space<vmem>>
      %dma_start3A_136 = arith.constant 0 : i32
      %dma_start3A_137 = arith.constant 0 : i32
      %dma_start3A_138 = tpu.memref_slice %arg2[%dma_start3A_136, %dma_start3A_137] : memref<10000x128xf32, #tpu.memory_space<hbm>> -> memref<10000x128xf32, #tpu.memory_space<hbm>>
      tpu.enqueue_indirect_dma source(%dma_start3A_138 : memref<10000x128xf32, #tpu.memory_space<hbm>>) target(%arg9 : memref<128x128xf32, #tpu.memory_space<vmem>>) offsets(%dma_start3A_135 : memref<128xi32, #tpu.memory_space<vmem>>) semaphore(%arg11 : memref<!tpu.dma_semaphore, #tpu.memory_space<semaphore_mem>>)
      %dma_start3A_139 = arith.constant 1 : i32
      %dma_start3A_140 = arith.constant 0 : i32
      %dma_start3A_141 = arith.constant 0 : i32
      %dma_start3A_142 = tpu.memref_slice %arg8[%dma_start3A_139, %dma_start3A_140, %dma_start3A_141] : memref<2x2x128xi32, #tpu.memory_space<vmem>> -> memref<1x1x128xi32, #tpu.memory_space<vmem>>
      %dma_start3A_143 = tpu.memref_squeeze %dma_start3A_142 : memref<1x1x128xi32, #tpu.memory_space<vmem>> -> memref<128xi32, #tpu.memory_space<vmem>>
      %dma_start3A_144 = arith.constant 0 : i32
      %dma_start3A_145 = arith.constant 0 : i32
      %dma_start3A_146 = tpu.memref_slice %arg2[%dma_start3A_144, %dma_start3A_145] : memref<10000x128xf32, #tpu.memory_space<hbm>> -> memref<10000x128xf32, #tpu.memory_space<hbm>>
      tpu.enqueue_indirect_dma source(%dma_start3A_146 : memref<10000x128xf32, #tpu.memory_space<hbm>>) target(%arg10 : memref<128x128xf32, #tpu.memory_space<vmem>>) offsets(%dma_start3A_143 : memref<128xi32, #tpu.memory_space<vmem>>) semaphore(%arg12 : memref<!tpu.dma_semaphore, #tpu.memory_space<semaphore_mem>>)
      %add3A_147 = arith.addi %add3A_69, %select_n3A_10 : i32
      %add3A_148 = arith.constant 4 : i32
      %add3A_149 = arith.addi %add3A_147, %add3A_148 : i32
      %dma_start3A_150 = arith.constant 0 : i32
      %dma_start3A_151 = arith.constant 0 : i32
      %dma_start3A_152 = tpu.memref_slice %arg3[%add3A_149, %dma_start3A_150, %dma_start3A_151] : memref<2530x2x128xi32, #tpu.memory_space<hbm>> -> memref<2x2x128xi32, #tpu.memory_space<hbm>>
      %dma_start3A_153 = arith.constant 0 : i32
      %dma_start3A_154 = arith.constant 0 : i32
      %dma_start3A_155 = tpu.memref_slice %arg3[%add3A_149, %dma_start3A_153, %dma_start3A_154] : memref<2530x2x128xi32, #tpu.memory_space<hbm>> -> memref<2x2x128xi32, #tpu.memory_space<hbm>>
      tpu.enqueue_dma source(%dma_start3A_155 : memref<2x2x128xi32, #tpu.memory_space<hbm>>) target(%arg7 : memref<2x2x128xi32, #tpu.memory_space<vmem>>) target_semaphore(%arg13 : memref<!tpu.dma_semaphore, #tpu.memory_space<semaphore_mem>>)
      %dma_wait3A_156 = arith.constant 0 : i32
      %dma_wait3A_157 = arith.constant 0 : i32
      %dma_wait3A_158 = arith.constant 0 : i32
      %dma_wait3A_159 = tpu.memref_slice %arg8[%dma_wait3A_156, %dma_wait3A_157, %dma_wait3A_158] : memref<2x2x128xi32, #tpu.memory_space<vmem>> -> memref<1x1x128xi32, #tpu.memory_space<vmem>>
      %dma_wait3A_160 = tpu.memref_squeeze %dma_wait3A_159 : memref<1x1x128xi32, #tpu.memory_space<vmem>> -> memref<128xi32, #tpu.memory_space<vmem>>
      %dma_wait3A_161 = arith.constant 0 : i32
      %dma_wait3A_162 = arith.constant 0 : i32
      %dma_wait3A_163 = tpu.memref_slice %arg2[%dma_wait3A_161, %dma_wait3A_162] : memref<10000x128xf32, #tpu.memory_space<hbm>> -> memref<10000x128xf32, #tpu.memory_space<hbm>>
      tpu.wait_indirect_dma semaphore(%arg11 : memref<!tpu.dma_semaphore, #tpu.memory_space<semaphore_mem>>) src(%dma_wait3A_163 : memref<10000x128xf32, #tpu.memory_space<hbm>>) dst(%arg9 : memref<128x128xf32, #tpu.memory_space<vmem>>)
      %run_scoped3A_164 = arith.constant 0 : i32
      %run_scoped3A_165 = arith.constant 1 : i32
      "tpu.region"() ({
        %run_scoped3A_176 = tpu.sem_alloc : memref<!tpu.dma_semaphore, #tpu.memory_space<semaphore_mem>>
        %dma_start3A_177 = arith.constant 0 : i32
        %dma_start3A_178 = tpu.memref_slice %arg8[%run_scoped3A_164, %run_scoped3A_165, %dma_start3A_177] : memref<2x2x128xi32, #tpu.memory_space<vmem>> -> memref<1x1x128xi32, #tpu.memory_space<vmem>>
        %dma_start3A_179 = tpu.memref_squeeze %dma_start3A_178 : memref<1x1x128xi32, #tpu.memory_space<vmem>> -> memref<128xi32, #tpu.memory_space<vmem>>
        %dma_start3A_180 = arith.constant 0 : i32
        %dma_start3A_181 = arith.constant 0 : i32
        %dma_start3A_182 = tpu.memref_slice %arg6[%dma_start3A_180, %dma_start3A_181] : memref<10112x128xf32, #tpu.memory_space<vmem_shared>> -> memref<10112x128xf32, #tpu.memory_space<vmem_shared>>
        tpu.enqueue_indirect_dma source(%arg9 : memref<128x128xf32, #tpu.memory_space<vmem>>) target(%dma_start3A_182 : memref<10112x128xf32, #tpu.memory_space<vmem_shared>>) offsets(%dma_start3A_179 : memref<128xi32, #tpu.memory_space<vmem>>) semaphore(%run_scoped3A_176 : memref<!tpu.dma_semaphore, #tpu.memory_space<semaphore_mem>>) {add = true}
        %dma_wait3A_183 = arith.constant 0 : i32
        %dma_wait3A_184 = tpu.memref_slice %arg8[%run_scoped3A_164, %run_scoped3A_165, %dma_wait3A_183] : memref<2x2x128xi32, #tpu.memory_space<vmem>> -> memref<1x1x128xi32, #tpu.memory_space<vmem>>
        %dma_wait3A_185 = tpu.memref_squeeze %dma_wait3A_184 : memref<1x1x128xi32, #tpu.memory_space<vmem>> -> memref<128xi32, #tpu.memory_space<vmem>>
        %dma_wait3A_186 = arith.constant 0 : i32
        %dma_wait3A_187 = arith.constant 0 : i32
        %dma_wait3A_188 = tpu.memref_slice %arg6[%dma_wait3A_186, %dma_wait3A_187] : memref<10112x128xf32, #tpu.memory_space<vmem_shared>> -> memref<10112x128xf32, #tpu.memory_space<vmem_shared>>
        tpu.wait_indirect_dma semaphore(%run_scoped3A_176 : memref<!tpu.dma_semaphore, #tpu.memory_space<semaphore_mem>>) src(%arg9 : memref<128x128xf32, #tpu.memory_space<vmem>>) dst(%dma_wait3A_188 : memref<10112x128xf32, #tpu.memory_space<vmem_shared>>)
        tpu.yield
      }) : () -> ()
      %dma_wait3A_166 = arith.constant 1 : i32
      %dma_wait3A_167 = arith.constant 0 : i32
      %dma_wait3A_168 = arith.constant 0 : i32
      %dma_wait3A_169 = tpu.memref_slice %arg8[%dma_wait3A_166, %dma_wait3A_167, %dma_wait3A_168] : memref<2x2x128xi32, #tpu.memory_space<vmem>> -> memref<1x1x128xi32, #tpu.memory_space<vmem>>
      %dma_wait3A_170 = tpu.memref_squeeze %dma_wait3A_169 : memref<1x1x128xi32, #tpu.memory_space<vmem>> -> memref<128xi32, #tpu.memory_space<vmem>>
      %dma_wait3A_171 = arith.constant 0 : i32
      %dma_wait3A_172 = arith.constant 0 : i32
      %dma_wait3A_173 = tpu.memref_slice %arg2[%dma_wait3A_171, %dma_wait3A_172] : memref<10000x128xf32, #tpu.memory_space<hbm>> -> memref<10000x128xf32, #tpu.memory_space<hbm>>
      tpu.wait_indirect_dma semaphore(%arg12 : memref<!tpu.dma_semaphore, #tpu.memory_space<semaphore_mem>>) src(%dma_wait3A_173 : memref<10000x128xf32, #tpu.memory_space<hbm>>) dst(%arg10 : memref<128x128xf32, #tpu.memory_space<vmem>>)
      %run_scoped3A_174 = arith.constant 1 : i32
      %run_scoped3A_175 = arith.constant 1 : i32
      "tpu.region"() ({
        %run_scoped3A_176 = tpu.sem_alloc : memref<!tpu.dma_semaphore, #tpu.memory_space<semaphore_mem>>
        %dma_start3A_177 = arith.constant 0 : i32
        %dma_start3A_178 = tpu.memref_slice %arg8[%run_scoped3A_174, %run_scoped3A_175, %dma_start3A_177] : memref<2x2x128xi32, #tpu.memory_space<vmem>> -> memref<1x1x128xi32, #tpu.memory_space<vmem>>
        %dma_start3A_179 = tpu.memref_squeeze %dma_start3A_178 : memref<1x1x128xi32, #tpu.memory_space<vmem>> -> memref<128xi32, #tpu.memory_space<vmem>>
        %dma_start3A_180 = arith.constant 0 : i32
        %dma_start3A_181 = arith.constant 0 : i32
        %dma_start3A_182 = tpu.memref_slice %arg6[%dma_start3A_180, %dma_start3A_181] : memref<10112x128xf32, #tpu.memory_space<vmem_shared>> -> memref<10112x128xf32, #tpu.memory_space<vmem_shared>>
        tpu.enqueue_indirect_dma source(%arg10 : memref<128x128xf32, #tpu.memory_space<vmem>>) target(%dma_start3A_182 : memref<10112x128xf32, #tpu.memory_space<vmem_shared>>) offsets(%dma_start3A_179 : memref<128xi32, #tpu.memory_space<vmem>>) semaphore(%run_scoped3A_176 : memref<!tpu.dma_semaphore, #tpu.memory_space<semaphore_mem>>) {add = true}
        %dma_wait3A_183 = arith.constant 0 : i32
        %dma_wait3A_184 = tpu.memref_slice %arg8[%run_scoped3A_174, %run_scoped3A_175, %dma_wait3A_183] : memref<2x2x128xi32, #tpu.memory_space<vmem>> -> memref<1x1x128xi32, #tpu.memory_space<vmem>>
        %dma_wait3A_185 = tpu.memref_squeeze %dma_wait3A_184 : memref<1x1x128xi32, #tpu.memory_space<vmem>> -> memref<128xi32, #tpu.memory_space<vmem>>
        %dma_wait3A_186 = arith.constant 0 : i32
        %dma_wait3A_187 = arith.constant 0 : i32
        %dma_wait3A_188 = tpu.memref_slice %arg6[%dma_wait3A_186, %dma_wait3A_187] : memref<10112x128xf32, #tpu.memory_space<vmem_shared>> -> memref<10112x128xf32, #tpu.memory_space<vmem_shared>>
        tpu.wait_indirect_dma semaphore(%run_scoped3A_176 : memref<!tpu.dma_semaphore, #tpu.memory_space<semaphore_mem>>) src(%arg10 : memref<128x128xf32, #tpu.memory_space<vmem>>) dst(%dma_wait3A_188 : memref<10112x128xf32, #tpu.memory_space<vmem_shared>>)
        tpu.yield
      }) : () -> ()
    }
    %dma_wait3A_50 = arith.constant 0 : i32
    %dma_wait3A_51 = arith.constant 0 : i32
    %dma_wait3A_52 = arith.constant 0 : i32
    %dma_wait3A_53 = tpu.memref_slice %arg3[%dma_wait3A_50, %dma_wait3A_51, %dma_wait3A_52] : memref<2530x2x128xi32, #tpu.memory_space<hbm>> -> memref<2x2x128xi32, #tpu.memory_space<hbm>>
    %dma_wait3A_54 = arith.constant 0 : i32
    %dma_wait3A_55 = arith.constant 0 : i32
    %dma_wait3A_56 = arith.constant 0 : i32
    %dma_wait3A_57 = tpu.memref_slice %arg3[%dma_wait3A_54, %dma_wait3A_55, %dma_wait3A_56] : memref<2530x2x128xi32, #tpu.memory_space<hbm>> -> memref<2x2x128xi32, #tpu.memory_space<hbm>>
    tpu.wait_dma2 semaphore(%arg13 : memref<!tpu.dma_semaphore, #tpu.memory_space<semaphore_mem>>) src(%dma_wait3A_57 : memref<2x2x128xi32, #tpu.memory_space<hbm>>) dst(%arg7 : memref<2x2x128xi32, #tpu.memory_space<vmem>>)
    %barrier3A_58 = arith.constant 0 : index
    tpu.barrier barrier_id(%barrier3A_58)
    %mul3A_59 = arith.constant 624 : i32
    %mul3A_60 = arith.muli %arg1, %mul3A_59 : i32
    %mul3A_61 = arith.constant 10000 : i32
    %mul3A_62 = arith.muli %arg0, %mul3A_61 : i32
    %add3A_63 = arith.addi %mul3A_62, %mul3A_60 : i32
    "tpu.region"() ({
      %run_scoped3A_67 = tpu.sem_alloc : memref<!tpu.dma_semaphore, #tpu.memory_space<semaphore_mem>>
      %dma_start3A_68 = arith.constant 0 : i32
      %dma_start3A_69 = tpu.memref_slice %arg5[%add3A_63, %dma_start3A_68] : memref<20000x128xf32, #tpu.memory_space<hbm>> -> memref<624x128xf32, #tpu.memory_space<hbm>>
      %dma_start3A_70 = arith.constant 0 : i32
      %dma_start3A_71 = tpu.memref_slice %arg6[%mul3A_60, %dma_start3A_70] : memref<10112x128xf32, #tpu.memory_space<vmem_shared>> -> memref<624x128xf32, #tpu.memory_space<vmem_shared>>
      tpu.enqueue_dma source(%dma_start3A_71 : memref<624x128xf32, #tpu.memory_space<vmem_shared>>) target(%dma_start3A_69 : memref<624x128xf32, #tpu.memory_space<hbm>>) target_semaphore(%run_scoped3A_67 : memref<!tpu.dma_semaphore, #tpu.memory_space<semaphore_mem>>)
      %dma_wait3A_72 = arith.constant 0 : i32
      %dma_wait3A_73 = tpu.memref_slice %arg5[%add3A_63, %dma_wait3A_72] : memref<20000x128xf32, #tpu.memory_space<hbm>> -> memref<624x128xf32, #tpu.memory_space<hbm>>
      %dma_wait3A_74 = arith.constant 0 : i32
      %dma_wait3A_75 = tpu.memref_slice %arg6[%mul3A_60, %dma_wait3A_74] : memref<10112x128xf32, #tpu.memory_space<vmem_shared>> -> memref<624x128xf32, #tpu.memory_space<vmem_shared>>
      tpu.wait_dma2 semaphore(%run_scoped3A_67 : memref<!tpu.dma_semaphore, #tpu.memory_space<semaphore_mem>>) src(%dma_wait3A_75 : memref<624x128xf32, #tpu.memory_space<vmem_shared>>) dst(%dma_wait3A_73 : memref<624x128xf32, #tpu.memory_space<hbm>>)
      tpu.yield
    }) : () -> ()
    %eq3A_64 = arith.constant 0 : i32
    %eq3A_65 = arith.cmpi eq, %arg1, %eq3A_64 : i32
    %convert_element_type3A = arith.extui %eq3A_65 : i1 to i32
    %cond3A = arith.constant 0 : i32
    %cond3A_66 = arith.cmpi ne, %convert_element_type3A, %cond3A : i32
    scf.if %cond3A_66 {
      %mul3A_67 = arith.constant 10000 : i32
      %mul3A_68 = arith.muli %arg0, %mul3A_67 : i32
      %add3A_69 = arith.constant 9984 : i32
      %add3A_70 = arith.addi %mul3A_68, %add3A_69 : i32
      "tpu.region"() ({
        %run_scoped3A_71 = tpu.sem_alloc : memref<!tpu.dma_semaphore, #tpu.memory_space<semaphore_mem>>
        %dma_start3A_72 = arith.constant 0 : i32
        %dma_start3A_73 = tpu.memref_slice %arg5[%add3A_70, %dma_start3A_72] : memref<20000x128xf32, #tpu.memory_space<hbm>> -> memref<16x128xf32, #tpu.memory_space<hbm>>
        %dma_start3A_74 = arith.constant 9984 : i32
        %dma_start3A_75 = arith.constant 0 : i32
        %dma_start3A_76 = tpu.memref_slice %arg6[%dma_start3A_74, %dma_start3A_75] : memref<10112x128xf32, #tpu.memory_space<vmem_shared>> -> memref<16x128xf32, #tpu.memory_space<vmem_shared>>
        tpu.enqueue_dma source(%dma_start3A_76 : memref<16x128xf32, #tpu.memory_space<vmem_shared>>) target(%dma_start3A_73 : memref<16x128xf32, #tpu.memory_space<hbm>>) target_semaphore(%run_scoped3A_71 : memref<!tpu.dma_semaphore, #tpu.memory_space<semaphore_mem>>)
        %dma_wait3A_77 = arith.constant 0 : i32
        %dma_wait3A_78 = tpu.memref_slice %arg5[%add3A_70, %dma_wait3A_77] : memref<20000x128xf32, #tpu.memory_space<hbm>> -> memref<16x128xf32, #tpu.memory_space<hbm>>
        %dma_wait3A_79 = arith.constant 9984 : i32
        %dma_wait3A_80 = arith.constant 0 : i32
        %dma_wait3A_81 = tpu.memref_slice %arg6[%dma_wait3A_79, %dma_wait3A_80] : memref<10112x128xf32, #tpu.memory_space<vmem_shared>> -> memref<16x128xf32, #tpu.memory_space<vmem_shared>>
        tpu.wait_dma2 semaphore(%run_scoped3A_71 : memref<!tpu.dma_semaphore, #tpu.memory_space<semaphore_mem>>) src(%dma_wait3A_81 : memref<16x128xf32, #tpu.memory_space<vmem_shared>>) dst(%dma_wait3A_78 : memref<16x128xf32, #tpu.memory_space<hbm>>)
        tpu.yield
      }) : () -> ()
    } else {
    }
    return
  }
}

#map = affine_map<(d0, d1) -> (0, 0)>
#map1 = affine_map<(d0, d1) -> (0, 0, 0)>
module attributes {stable_mosaic.version = 14 : i64} {
  func.func @_ea_seg_sum_body(%arg0: i32, %arg1: i32, %arg2: memref<323584x128xf32, #tpu.memory_space<hbm>>, %arg3: memref<2530x2x128xi32, #tpu.memory_space<hbm>>, %arg4: memref<632x128xf32, #tpu.memory_space<hbm>>, %arg5: memref<20000x128xf32, #tpu.memory_space<hbm>>, %arg6: memref<10112x128xf32, #tpu.memory_space<vmem_shared>>, %arg7: memref<2x2x128xi32, #tpu.memory_space<vmem>>, %arg8: memref<128x128xf32, #tpu.memory_space<vmem>>, %arg9: memref<128x128xf32, #tpu.memory_space<vmem>>, %arg10: memref<!tpu.dma_semaphore, #tpu.memory_space<semaphore_mem>>, %arg11: memref<!tpu.dma_semaphore, #tpu.memory_space<semaphore_mem>>) attributes {dimension_semantics = [#tpu.dimension_semantics<core_parallel>, #tpu.dimension_semantics<subcore_parallel>], iteration_bounds = array<i64: 2, 16>, scalar_prefetch = 0 : i64, scratch_operands = 6 : i64, tpu.core_type = #tpu.core_type<sc_vector_subcore>, window_params = [{transform_indices = #map}, {transform_indices = #map1}, {transform_indices = #map}, {transform_indices = #map}]} {
    %mul3A = arith.constant 2 : i32
    %mul3A_0 = arith.muli %arg1, %mul3A : i32
    %add3A = arith.addi %mul3A_0, %arg0 : i32
    %mul3A_1 = arith.constant 632 : i32
    %mul3A_2 = arith.muli %arg1, %mul3A_1 : i32
    "tpu.region"() ({
      %run_scoped3A_26 = tpu.sem_alloc : memref<!tpu.dma_semaphore, #tpu.memory_space<semaphore_mem>>
      %dma_start3A_27 = arith.constant 0 : i32
      %dma_start3A_28 = tpu.memref_slice %arg6[%mul3A_2, %dma_start3A_27] : memref<10112x128xf32, #tpu.memory_space<vmem_shared>> -> memref<632x128xf32, #tpu.memory_space<vmem_shared>>
      tpu.enqueue_dma source(%arg4 : memref<632x128xf32, #tpu.memory_space<hbm>>) target(%dma_start3A_28 : memref<632x128xf32, #tpu.memory_space<vmem_shared>>) target_semaphore(%run_scoped3A_26 : memref<!tpu.dma_semaphore, #tpu.memory_space<semaphore_mem>>)
      %dma_wait3A_29 = arith.constant 0 : i32
      %dma_wait3A_30 = tpu.memref_slice %arg6[%mul3A_2, %dma_wait3A_29] : memref<10112x128xf32, #tpu.memory_space<vmem_shared>> -> memref<632x128xf32, #tpu.memory_space<vmem_shared>>
      tpu.wait_dma2 semaphore(%run_scoped3A_26 : memref<!tpu.dma_semaphore, #tpu.memory_space<semaphore_mem>>) src(%arg4 : memref<632x128xf32, #tpu.memory_space<hbm>>) dst(%dma_wait3A_30 : memref<632x128xf32, #tpu.memory_space<vmem_shared>>)
      tpu.yield
    }) : () -> ()
    %barrier3A = arith.constant 0 : index
    tpu.barrier barrier_id(%barrier3A)
    %mul3A_3 = arith.constant 79 : i32
    %mul3A_4 = arith.muli %add3A, %mul3A_3 : i32
    %mul3A_5 = arith.constant 128 : i32
    %mul3A_6 = arith.muli %mul3A_4, %mul3A_5 : i32
    %multiple_of3A = tpu.assume_multiple %mul3A_6, 128 : i32
    "tpu.region"() ({
      %run_scoped3A_26 = tpu.sem_alloc : memref<!tpu.dma_semaphore, #tpu.memory_space<semaphore_mem>>
      %dma_start3A_27 = arith.constant 0 : i32
      %dma_start3A_28 = arith.constant 0 : i32
      %dma_start3A_29 = arith.constant 0 : i32
      %dma_start3A_30 = tpu.memref_slice %arg7[%dma_start3A_27, %dma_start3A_28, %dma_start3A_29] : memref<2x2x128xi32, #tpu.memory_space<vmem>> -> memref<1x2x128xi32, #tpu.memory_space<vmem>>
      %dma_start3A_31 = arith.constant 0 : i32
      %dma_start3A_32 = arith.constant 0 : i32
      %dma_start3A_33 = tpu.memref_slice %arg3[%mul3A_4, %dma_start3A_31, %dma_start3A_32] : memref<2530x2x128xi32, #tpu.memory_space<hbm>> -> memref<1x2x128xi32, #tpu.memory_space<hbm>>
      %dma_start3A_34 = arith.constant 0 : i32
      %dma_start3A_35 = arith.constant 0 : i32
      %dma_start3A_36 = arith.constant 0 : i32
      %dma_start3A_37 = tpu.memref_slice %arg7[%dma_start3A_34, %dma_start3A_35, %dma_start3A_36] : memref<2x2x128xi32, #tpu.memory_space<vmem>> -> memref<1x2x128xi32, #tpu.memory_space<vmem>>
      %dma_start3A_38 = arith.constant 0 : i32
      %dma_start3A_39 = arith.constant 0 : i32
      %dma_start3A_40 = tpu.memref_slice %arg3[%mul3A_4, %dma_start3A_38, %dma_start3A_39] : memref<2530x2x128xi32, #tpu.memory_space<hbm>> -> memref<1x2x128xi32, #tpu.memory_space<hbm>>
      tpu.enqueue_dma source(%dma_start3A_40 : memref<1x2x128xi32, #tpu.memory_space<hbm>>) target(%dma_start3A_37 : memref<1x2x128xi32, #tpu.memory_space<vmem>>) target_semaphore(%run_scoped3A_26 : memref<!tpu.dma_semaphore, #tpu.memory_space<semaphore_mem>>)
      %dma_wait3A_41 = arith.constant 0 : i32
      %dma_wait3A_42 = arith.constant 0 : i32
      %dma_wait3A_43 = arith.constant 0 : i32
      %dma_wait3A_44 = tpu.memref_slice %arg7[%dma_wait3A_41, %dma_wait3A_42, %dma_wait3A_43] : memref<2x2x128xi32, #tpu.memory_space<vmem>> -> memref<1x2x128xi32, #tpu.memory_space<vmem>>
      %dma_wait3A_45 = arith.constant 0 : i32
      %dma_wait3A_46 = arith.constant 0 : i32
      %dma_wait3A_47 = tpu.memref_slice %arg3[%mul3A_4, %dma_wait3A_45, %dma_wait3A_46] : memref<2530x2x128xi32, #tpu.memory_space<hbm>> -> memref<1x2x128xi32, #tpu.memory_space<hbm>>
      %dma_wait3A_48 = arith.constant 0 : i32
      %dma_wait3A_49 = arith.constant 0 : i32
      %dma_wait3A_50 = arith.constant 0 : i32
      %dma_wait3A_51 = tpu.memref_slice %arg7[%dma_wait3A_48, %dma_wait3A_49, %dma_wait3A_50] : memref<2x2x128xi32, #tpu.memory_space<vmem>> -> memref<1x2x128xi32, #tpu.memory_space<vmem>>
      %dma_wait3A_52 = arith.constant 0 : i32
      %dma_wait3A_53 = arith.constant 0 : i32
      %dma_wait3A_54 = tpu.memref_slice %arg3[%mul3A_4, %dma_wait3A_52, %dma_wait3A_53] : memref<2530x2x128xi32, #tpu.memory_space<hbm>> -> memref<1x2x128xi32, #tpu.memory_space<hbm>>
      tpu.wait_dma2 semaphore(%run_scoped3A_26 : memref<!tpu.dma_semaphore, #tpu.memory_space<semaphore_mem>>) src(%dma_wait3A_54 : memref<1x2x128xi32, #tpu.memory_space<hbm>>) dst(%dma_wait3A_51 : memref<1x2x128xi32, #tpu.memory_space<vmem>>)
      tpu.yield
    }) : () -> ()
    %dma_start3A = arith.constant 0 : i32
    %dma_start3A_7 = tpu.memref_slice %arg2[%multiple_of3A, %dma_start3A] : memref<323584x128xf32, #tpu.memory_space<hbm>> -> memref<128x128xf32, #tpu.memory_space<hbm>>
    %dma_start3A_8 = arith.constant 0 : i32
    %dma_start3A_9 = tpu.memref_slice %arg2[%multiple_of3A, %dma_start3A_8] : memref<323584x128xf32, #tpu.memory_space<hbm>> -> memref<128x128xf32, #tpu.memory_space<hbm>>
    tpu.enqueue_dma source(%dma_start3A_9 : memref<128x128xf32, #tpu.memory_space<hbm>>) target(%arg8 : memref<128x128xf32, #tpu.memory_space<vmem>>) target_semaphore(%arg10 : memref<!tpu.dma_semaphore, #tpu.memory_space<semaphore_mem>>)
    %dma_wait3A = arith.constant 0 : i32
    %dma_wait3A_10 = tpu.memref_slice %arg2[%multiple_of3A, %dma_wait3A] : memref<323584x128xf32, #tpu.memory_space<hbm>> -> memref<128x128xf32, #tpu.memory_space<hbm>>
    %dma_wait3A_11 = arith.constant 0 : i32
    %dma_wait3A_12 = tpu.memref_slice %arg2[%multiple_of3A, %dma_wait3A_11] : memref<323584x128xf32, #tpu.memory_space<hbm>> -> memref<128x128xf32, #tpu.memory_space<hbm>>
    tpu.wait_dma2 semaphore(%arg10 : memref<!tpu.dma_semaphore, #tpu.memory_space<semaphore_mem>>) src(%dma_wait3A_12 : memref<128x128xf32, #tpu.memory_space<hbm>>) dst(%arg8 : memref<128x128xf32, #tpu.memory_space<vmem>>)
    %run_scoped3A = arith.constant 0 : i32
    %run_scoped3A_13 = arith.constant 1 : i32
    "tpu.region"() ({
      %run_scoped3A_26 = tpu.sem_alloc : memref<!tpu.dma_semaphore, #tpu.memory_space<semaphore_mem>>
      %dma_start3A_27 = arith.constant 0 : i32
      %dma_start3A_28 = tpu.memref_slice %arg7[%run_scoped3A, %run_scoped3A_13, %dma_start3A_27] : memref<2x2x128xi32, #tpu.memory_space<vmem>> -> memref<1x1x128xi32, #tpu.memory_space<vmem>>
      %dma_start3A_29 = tpu.memref_squeeze %dma_start3A_28 : memref<1x1x128xi32, #tpu.memory_space<vmem>> -> memref<128xi32, #tpu.memory_space<vmem>>
      %dma_start3A_30 = arith.constant 0 : i32
      %dma_start3A_31 = arith.constant 0 : i32
      %dma_start3A_32 = tpu.memref_slice %arg6[%dma_start3A_30, %dma_start3A_31] : memref<10112x128xf32, #tpu.memory_space<vmem_shared>> -> memref<10112x128xf32, #tpu.memory_space<vmem_shared>>
      tpu.enqueue_indirect_dma source(%arg8 : memref<128x128xf32, #tpu.memory_space<vmem>>) target(%dma_start3A_32 : memref<10112x128xf32, #tpu.memory_space<vmem_shared>>) offsets(%dma_start3A_29 : memref<128xi32, #tpu.memory_space<vmem>>) semaphore(%run_scoped3A_26 : memref<!tpu.dma_semaphore, #tpu.memory_space<semaphore_mem>>) {add = true}
      %dma_wait3A_33 = arith.constant 0 : i32
      %dma_wait3A_34 = tpu.memref_slice %arg7[%run_scoped3A, %run_scoped3A_13, %dma_wait3A_33] : memref<2x2x128xi32, #tpu.memory_space<vmem>> -> memref<1x1x128xi32, #tpu.memory_space<vmem>>
      %dma_wait3A_35 = tpu.memref_squeeze %dma_wait3A_34 : memref<1x1x128xi32, #tpu.memory_space<vmem>> -> memref<128xi32, #tpu.memory_space<vmem>>
      %dma_wait3A_36 = arith.constant 0 : i32
      %dma_wait3A_37 = arith.constant 0 : i32
      %dma_wait3A_38 = tpu.memref_slice %arg6[%dma_wait3A_36, %dma_wait3A_37] : memref<10112x128xf32, #tpu.memory_space<vmem_shared>> -> memref<10112x128xf32, #tpu.memory_space<vmem_shared>>
      tpu.wait_indirect_dma semaphore(%run_scoped3A_26 : memref<!tpu.dma_semaphore, #tpu.memory_space<semaphore_mem>>) src(%arg8 : memref<128x128xf32, #tpu.memory_space<vmem>>) dst(%dma_wait3A_38 : memref<10112x128xf32, #tpu.memory_space<vmem_shared>>)
      tpu.yield
    }) : () -> ()
    %scan3A = arith.constant 0 : i32
    %scan3A_14 = arith.constant 39 : i32
    %scan3A_15 = arith.addi %scan3A, %scan3A_14 : i32
    %scan3A_16 = arith.constant 1 : i32
    scf.for %scan3A_26 = %scan3A to %scan3A_15 step %scan3A_16  : i32 {
      %mul3A_27 = arith.constant 2 : i32
      %mul3A_28 = arith.muli %scan3A_26, %mul3A_27 : i32
      %add3A_29 = arith.constant 1 : i32
      %add3A_30 = arith.addi %add3A_29, %mul3A_28 : i32
      %add3A_31 = arith.addi %mul3A_4, %add3A_30 : i32
      %mul3A_32 = arith.constant 128 : i32
      %mul3A_33 = arith.muli %add3A_31, %mul3A_32 : i32
      %multiple_of3A_34 = tpu.assume_multiple %mul3A_33, 128 : i32
      %add3A_35 = arith.addi %add3A_30, %mul3A_4 : i32
      "tpu.region"() ({
        %run_scoped3A_58 = tpu.sem_alloc : memref<!tpu.dma_semaphore, #tpu.memory_space<semaphore_mem>>
        %dma_start3A_59 = arith.constant 0 : i32
        %dma_start3A_60 = arith.constant 0 : i32
        %dma_start3A_61 = tpu.memref_slice %arg3[%add3A_35, %dma_start3A_59, %dma_start3A_60] : memref<2530x2x128xi32, #tpu.memory_space<hbm>> -> memref<2x2x128xi32, #tpu.memory_space<hbm>>
        %dma_start3A_62 = arith.constant 0 : i32
        %dma_start3A_63 = arith.constant 0 : i32
        %dma_start3A_64 = tpu.memref_slice %arg3[%add3A_35, %dma_start3A_62, %dma_start3A_63] : memref<2530x2x128xi32, #tpu.memory_space<hbm>> -> memref<2x2x128xi32, #tpu.memory_space<hbm>>
        tpu.enqueue_dma source(%dma_start3A_64 : memref<2x2x128xi32, #tpu.memory_space<hbm>>) target(%arg7 : memref<2x2x128xi32, #tpu.memory_space<vmem>>) target_semaphore(%run_scoped3A_58 : memref<!tpu.dma_semaphore, #tpu.memory_space<semaphore_mem>>)
        %dma_wait3A_65 = arith.constant 0 : i32
        %dma_wait3A_66 = arith.constant 0 : i32
        %dma_wait3A_67 = tpu.memref_slice %arg3[%add3A_35, %dma_wait3A_65, %dma_wait3A_66] : memref<2530x2x128xi32, #tpu.memory_space<hbm>> -> memref<2x2x128xi32, #tpu.memory_space<hbm>>
        %dma_wait3A_68 = arith.constant 0 : i32
        %dma_wait3A_69 = arith.constant 0 : i32
        %dma_wait3A_70 = tpu.memref_slice %arg3[%add3A_35, %dma_wait3A_68, %dma_wait3A_69] : memref<2530x2x128xi32, #tpu.memory_space<hbm>> -> memref<2x2x128xi32, #tpu.memory_space<hbm>>
        tpu.wait_dma2 semaphore(%run_scoped3A_58 : memref<!tpu.dma_semaphore, #tpu.memory_space<semaphore_mem>>) src(%dma_wait3A_70 : memref<2x2x128xi32, #tpu.memory_space<hbm>>) dst(%arg7 : memref<2x2x128xi32, #tpu.memory_space<vmem>>)
        tpu.yield
      }) : () -> ()
      %dma_start3A_36 = arith.constant 0 : i32
      %dma_start3A_37 = tpu.memref_slice %arg2[%multiple_of3A_34, %dma_start3A_36] : memref<323584x128xf32, #tpu.memory_space<hbm>> -> memref<128x128xf32, #tpu.memory_space<hbm>>
      %dma_start3A_38 = arith.constant 0 : i32
      %dma_start3A_39 = tpu.memref_slice %arg2[%multiple_of3A_34, %dma_start3A_38] : memref<323584x128xf32, #tpu.memory_space<hbm>> -> memref<128x128xf32, #tpu.memory_space<hbm>>
      tpu.enqueue_dma source(%dma_start3A_39 : memref<128x128xf32, #tpu.memory_space<hbm>>) target(%arg8 : memref<128x128xf32, #tpu.memory_space<vmem>>) target_semaphore(%arg10 : memref<!tpu.dma_semaphore, #tpu.memory_space<semaphore_mem>>)
      %add3A_40 = arith.constant 128 : i32
      %add3A_41 = arith.addi %multiple_of3A_34, %add3A_40 : i32
      %dma_start3A_42 = arith.constant 0 : i32
      %dma_start3A_43 = tpu.memref_slice %arg2[%add3A_41, %dma_start3A_42] : memref<323584x128xf32, #tpu.memory_space<hbm>> -> memref<128x128xf32, #tpu.memory_space<hbm>>
      %dma_start3A_44 = arith.constant 0 : i32
      %dma_start3A_45 = tpu.memref_slice %arg2[%add3A_41, %dma_start3A_44] : memref<323584x128xf32, #tpu.memory_space<hbm>> -> memref<128x128xf32, #tpu.memory_space<hbm>>
      tpu.enqueue_dma source(%dma_start3A_45 : memref<128x128xf32, #tpu.memory_space<hbm>>) target(%arg9 : memref<128x128xf32, #tpu.memory_space<vmem>>) target_semaphore(%arg11 : memref<!tpu.dma_semaphore, #tpu.memory_space<semaphore_mem>>)
      %dma_wait3A_46 = arith.constant 0 : i32
      %dma_wait3A_47 = tpu.memref_slice %arg2[%multiple_of3A_34, %dma_wait3A_46] : memref<323584x128xf32, #tpu.memory_space<hbm>> -> memref<128x128xf32, #tpu.memory_space<hbm>>
      %dma_wait3A_48 = arith.constant 0 : i32
      %dma_wait3A_49 = tpu.memref_slice %arg2[%multiple_of3A_34, %dma_wait3A_48] : memref<323584x128xf32, #tpu.memory_space<hbm>> -> memref<128x128xf32, #tpu.memory_space<hbm>>
      tpu.wait_dma2 semaphore(%arg10 : memref<!tpu.dma_semaphore, #tpu.memory_space<semaphore_mem>>) src(%dma_wait3A_49 : memref<128x128xf32, #tpu.memory_space<hbm>>) dst(%arg8 : memref<128x128xf32, #tpu.memory_space<vmem>>)
      %run_scoped3A_50 = arith.constant 0 : i32
      %run_scoped3A_51 = arith.constant 1 : i32
      "tpu.region"() ({
        %run_scoped3A_58 = tpu.sem_alloc : memref<!tpu.dma_semaphore, #tpu.memory_space<semaphore_mem>>
        %dma_start3A_59 = arith.constant 0 : i32
        %dma_start3A_60 = tpu.memref_slice %arg7[%run_scoped3A_50, %run_scoped3A_51, %dma_start3A_59] : memref<2x2x128xi32, #tpu.memory_space<vmem>> -> memref<1x1x128xi32, #tpu.memory_space<vmem>>
        %dma_start3A_61 = tpu.memref_squeeze %dma_start3A_60 : memref<1x1x128xi32, #tpu.memory_space<vmem>> -> memref<128xi32, #tpu.memory_space<vmem>>
        %dma_start3A_62 = arith.constant 0 : i32
        %dma_start3A_63 = arith.constant 0 : i32
        %dma_start3A_64 = tpu.memref_slice %arg6[%dma_start3A_62, %dma_start3A_63] : memref<10112x128xf32, #tpu.memory_space<vmem_shared>> -> memref<10112x128xf32, #tpu.memory_space<vmem_shared>>
        tpu.enqueue_indirect_dma source(%arg8 : memref<128x128xf32, #tpu.memory_space<vmem>>) target(%dma_start3A_64 : memref<10112x128xf32, #tpu.memory_space<vmem_shared>>) offsets(%dma_start3A_61 : memref<128xi32, #tpu.memory_space<vmem>>) semaphore(%run_scoped3A_58 : memref<!tpu.dma_semaphore, #tpu.memory_space<semaphore_mem>>) {add = true}
        %dma_wait3A_65 = arith.constant 0 : i32
        %dma_wait3A_66 = tpu.memref_slice %arg7[%run_scoped3A_50, %run_scoped3A_51, %dma_wait3A_65] : memref<2x2x128xi32, #tpu.memory_space<vmem>> -> memref<1x1x128xi32, #tpu.memory_space<vmem>>
        %dma_wait3A_67 = tpu.memref_squeeze %dma_wait3A_66 : memref<1x1x128xi32, #tpu.memory_space<vmem>> -> memref<128xi32, #tpu.memory_space<vmem>>
        %dma_wait3A_68 = arith.constant 0 : i32
        %dma_wait3A_69 = arith.constant 0 : i32
        %dma_wait3A_70 = tpu.memref_slice %arg6[%dma_wait3A_68, %dma_wait3A_69] : memref<10112x128xf32, #tpu.memory_space<vmem_shared>> -> memref<10112x128xf32, #tpu.memory_space<vmem_shared>>
        tpu.wait_indirect_dma semaphore(%run_scoped3A_58 : memref<!tpu.dma_semaphore, #tpu.memory_space<semaphore_mem>>) src(%arg8 : memref<128x128xf32, #tpu.memory_space<vmem>>) dst(%dma_wait3A_70 : memref<10112x128xf32, #tpu.memory_space<vmem_shared>>)
        tpu.yield
      }) : () -> ()
      %dma_wait3A_52 = arith.constant 0 : i32
      %dma_wait3A_53 = tpu.memref_slice %arg2[%add3A_41, %dma_wait3A_52] : memref<323584x128xf32, #tpu.memory_space<hbm>> -> memref<128x128xf32, #tpu.memory_space<hbm>>
      %dma_wait3A_54 = arith.constant 0 : i32
      %dma_wait3A_55 = tpu.memref_slice %arg2[%add3A_41, %dma_wait3A_54] : memref<323584x128xf32, #tpu.memory_space<hbm>> -> memref<128x128xf32, #tpu.memory_space<hbm>>
      tpu.wait_dma2 semaphore(%arg11 : memref<!tpu.dma_semaphore, #tpu.memory_space<semaphore_mem>>) src(%dma_wait3A_55 : memref<128x128xf32, #tpu.memory_space<hbm>>) dst(%arg9 : memref<128x128xf32, #tpu.memory_space<vmem>>)
      %run_scoped3A_56 = arith.constant 1 : i32
      %run_scoped3A_57 = arith.constant 1 : i32
      "tpu.region"() ({
        %run_scoped3A_58 = tpu.sem_alloc : memref<!tpu.dma_semaphore, #tpu.memory_space<semaphore_mem>>
        %dma_start3A_59 = arith.constant 0 : i32
        %dma_start3A_60 = tpu.memref_slice %arg7[%run_scoped3A_56, %run_scoped3A_57, %dma_start3A_59] : memref<2x2x128xi32, #tpu.memory_space<vmem>> -> memref<1x1x128xi32, #tpu.memory_space<vmem>>
        %dma_start3A_61 = tpu.memref_squeeze %dma_start3A_60 : memref<1x1x128xi32, #tpu.memory_space<vmem>> -> memref<128xi32, #tpu.memory_space<vmem>>
        %dma_start3A_62 = arith.constant 0 : i32
        %dma_start3A_63 = arith.constant 0 : i32
        %dma_start3A_64 = tpu.memref_slice %arg6[%dma_start3A_62, %dma_start3A_63] : memref<10112x128xf32, #tpu.memory_space<vmem_shared>> -> memref<10112x128xf32, #tpu.memory_space<vmem_shared>>
        tpu.enqueue_indirect_dma source(%arg9 : memref<128x128xf32, #tpu.memory_space<vmem>>) target(%dma_start3A_64 : memref<10112x128xf32, #tpu.memory_space<vmem_shared>>) offsets(%dma_start3A_61 : memref<128xi32, #tpu.memory_space<vmem>>) semaphore(%run_scoped3A_58 : memref<!tpu.dma_semaphore, #tpu.memory_space<semaphore_mem>>) {add = true}
        %dma_wait3A_65 = arith.constant 0 : i32
        %dma_wait3A_66 = tpu.memref_slice %arg7[%run_scoped3A_56, %run_scoped3A_57, %dma_wait3A_65] : memref<2x2x128xi32, #tpu.memory_space<vmem>> -> memref<1x1x128xi32, #tpu.memory_space<vmem>>
        %dma_wait3A_67 = tpu.memref_squeeze %dma_wait3A_66 : memref<1x1x128xi32, #tpu.memory_space<vmem>> -> memref<128xi32, #tpu.memory_space<vmem>>
        %dma_wait3A_68 = arith.constant 0 : i32
        %dma_wait3A_69 = arith.constant 0 : i32
        %dma_wait3A_70 = tpu.memref_slice %arg6[%dma_wait3A_68, %dma_wait3A_69] : memref<10112x128xf32, #tpu.memory_space<vmem_shared>> -> memref<10112x128xf32, #tpu.memory_space<vmem_shared>>
        tpu.wait_indirect_dma semaphore(%run_scoped3A_58 : memref<!tpu.dma_semaphore, #tpu.memory_space<semaphore_mem>>) src(%arg9 : memref<128x128xf32, #tpu.memory_space<vmem>>) dst(%dma_wait3A_70 : memref<10112x128xf32, #tpu.memory_space<vmem_shared>>)
        tpu.yield
      }) : () -> ()
    }
    %scan3A_17 = arith.constant 39 : i32
    %barrier3A_18 = arith.constant 0 : index
    tpu.barrier barrier_id(%barrier3A_18)
    %mul3A_19 = arith.constant 624 : i32
    %mul3A_20 = arith.muli %arg1, %mul3A_19 : i32
    %mul3A_21 = arith.constant 10000 : i32
    %mul3A_22 = arith.muli %arg0, %mul3A_21 : i32
    %add3A_23 = arith.addi %mul3A_22, %mul3A_20 : i32
    "tpu.region"() ({
      %run_scoped3A_26 = tpu.sem_alloc : memref<!tpu.dma_semaphore, #tpu.memory_space<semaphore_mem>>
      %dma_start3A_27 = arith.constant 0 : i32
      %dma_start3A_28 = tpu.memref_slice %arg5[%add3A_23, %dma_start3A_27] : memref<20000x128xf32, #tpu.memory_space<hbm>> -> memref<624x128xf32, #tpu.memory_space<hbm>>
      %dma_start3A_29 = arith.constant 0 : i32
      %dma_start3A_30 = tpu.memref_slice %arg6[%mul3A_20, %dma_start3A_29] : memref<10112x128xf32, #tpu.memory_space<vmem_shared>> -> memref<624x128xf32, #tpu.memory_space<vmem_shared>>
      tpu.enqueue_dma source(%dma_start3A_30 : memref<624x128xf32, #tpu.memory_space<vmem_shared>>) target(%dma_start3A_28 : memref<624x128xf32, #tpu.memory_space<hbm>>) target_semaphore(%run_scoped3A_26 : memref<!tpu.dma_semaphore, #tpu.memory_space<semaphore_mem>>)
      %dma_wait3A_31 = arith.constant 0 : i32
      %dma_wait3A_32 = tpu.memref_slice %arg5[%add3A_23, %dma_wait3A_31] : memref<20000x128xf32, #tpu.memory_space<hbm>> -> memref<624x128xf32, #tpu.memory_space<hbm>>
      %dma_wait3A_33 = arith.constant 0 : i32
      %dma_wait3A_34 = tpu.memref_slice %arg6[%mul3A_20, %dma_wait3A_33] : memref<10112x128xf32, #tpu.memory_space<vmem_shared>> -> memref<624x128xf32, #tpu.memory_space<vmem_shared>>
      tpu.wait_dma2 semaphore(%run_scoped3A_26 : memref<!tpu.dma_semaphore, #tpu.memory_space<semaphore_mem>>) src(%dma_wait3A_34 : memref<624x128xf32, #tpu.memory_space<vmem_shared>>) dst(%dma_wait3A_32 : memref<624x128xf32, #tpu.memory_space<hbm>>)
      tpu.yield
    }) : () -> ()
    %eq3A = arith.constant 0 : i32
    %eq3A_24 = arith.cmpi eq, %arg1, %eq3A : i32
    %convert_element_type3A = arith.extui %eq3A_24 : i1 to i32
    %cond3A = arith.constant 0 : i32
    %cond3A_25 = arith.cmpi ne, %convert_element_type3A, %cond3A : i32
    scf.if %cond3A_25 {
      %mul3A_26 = arith.constant 10000 : i32
      %mul3A_27 = arith.muli %arg0, %mul3A_26 : i32
      %add3A_28 = arith.constant 9984 : i32
      %add3A_29 = arith.addi %mul3A_27, %add3A_28 : i32
      "tpu.region"() ({
        %run_scoped3A_30 = tpu.sem_alloc : memref<!tpu.dma_semaphore, #tpu.memory_space<semaphore_mem>>
        %dma_start3A_31 = arith.constant 0 : i32
        %dma_start3A_32 = tpu.memref_slice %arg5[%add3A_29, %dma_start3A_31] : memref<20000x128xf32, #tpu.memory_space<hbm>> -> memref<16x128xf32, #tpu.memory_space<hbm>>
        %dma_start3A_33 = arith.constant 9984 : i32
        %dma_start3A_34 = arith.constant 0 : i32
        %dma_start3A_35 = tpu.memref_slice %arg6[%dma_start3A_33, %dma_start3A_34] : memref<10112x128xf32, #tpu.memory_space<vmem_shared>> -> memref<16x128xf32, #tpu.memory_space<vmem_shared>>
        tpu.enqueue_dma source(%dma_start3A_35 : memref<16x128xf32, #tpu.memory_space<vmem_shared>>) target(%dma_start3A_32 : memref<16x128xf32, #tpu.memory_space<hbm>>) target_semaphore(%run_scoped3A_30 : memref<!tpu.dma_semaphore, #tpu.memory_space<semaphore_mem>>)
        %dma_wait3A_36 = arith.constant 0 : i32
        %dma_wait3A_37 = tpu.memref_slice %arg5[%add3A_29, %dma_wait3A_36] : memref<20000x128xf32, #tpu.memory_space<hbm>> -> memref<16x128xf32, #tpu.memory_space<hbm>>
        %dma_wait3A_38 = arith.constant 9984 : i32
        %dma_wait3A_39 = arith.constant 0 : i32
        %dma_wait3A_40 = tpu.memref_slice %arg6[%dma_wait3A_38, %dma_wait3A_39] : memref<10112x128xf32, #tpu.memory_space<vmem_shared>> -> memref<16x128xf32, #tpu.memory_space<vmem_shared>>
        tpu.wait_dma2 semaphore(%run_scoped3A_30 : memref<!tpu.dma_semaphore, #tpu.memory_space<semaphore_mem>>) src(%dma_wait3A_40 : memref<16x128xf32, #tpu.memory_space<vmem_shared>>) dst(%dma_wait3A_37 : memref<16x128xf32, #tpu.memory_space<hbm>>)
        tpu.yield
      }) : () -> ()
    } else {
    }
    return
  }
}

module attributes {stable_mosaic.version = 14 : i64} {
  func.func @_dense_body(%arg0: i32, %arg1: memref<1000x128xf32, #tpu.memory_space<vmem>>, %arg2: memref<1000x128xf32, #tpu.memory_space<vmem>>, %arg3: memref<1000x128xf32, #tpu.memory_space<vmem>>, %arg4: memref<1000x128xf32, #tpu.memory_space<vmem>>, %arg5: memref<1000x128xf32, #tpu.memory_space<vmem>>, %arg6: memref<128x128xf32, #tpu.memory_space<vmem>>, %arg7: memref<16x128xf32, #tpu.memory_space<vmem>>, %arg8: memref<1x128xf32, #tpu.memory_space<vmem>>, %arg9: memref<128x128xf32, #tpu.memory_space<vmem>>, %arg10: memref<128x128xf32, #tpu.memory_space<vmem>>, %arg11: memref<1x128xf32, #tpu.memory_space<vmem>>, %arg12: memref<1x128xf32, #tpu.memory_space<vmem>>, %arg13: memref<1x128xf32, #tpu.memory_space<vmem>>, %arg14: memref<1000x128xf32, #tpu.memory_space<vmem>>) attributes {dimension_semantics = [#tpu.dimension_semantics<arbitrary>], iteration_bounds = array<i64: 10>, scalar_prefetch = 0 : i64, scratch_operands = 0 : i64, tpu.core_type = #tpu.core_type<tc>, window_params = [{transform_indices = @transform_0, window_bounds = array<i64: 1000, 128>}, {transform_indices = @transform_1, window_bounds = array<i64: 1000, 128>}, {transform_indices = @transform_2, window_bounds = array<i64: 1000, 128>}, {transform_indices = @transform_3, window_bounds = array<i64: 1000, 128>}, {transform_indices = @transform_4, window_bounds = array<i64: 1000, 128>}, {pipeline_mode = #tpu.pipeline_mode<synchronous>, transform_indices = @transform_5, window_bounds = array<i64: 128, 128>}, {pipeline_mode = #tpu.pipeline_mode<synchronous>, transform_indices = @transform_6, window_bounds = array<i64: 16, 128>}, {pipeline_mode = #tpu.pipeline_mode<synchronous>, transform_indices = @transform_7, window_bounds = array<i64: 1, 128>}, {pipeline_mode = #tpu.pipeline_mode<synchronous>, transform_indices = @transform_8, window_bounds = array<i64: 128, 128>}, {pipeline_mode = #tpu.pipeline_mode<synchronous>, transform_indices = @transform_9, window_bounds = array<i64: 128, 128>}, {pipeline_mode = #tpu.pipeline_mode<synchronous>, transform_indices = @transform_10, window_bounds = array<i64: 1, 128>}, {pipeline_mode = #tpu.pipeline_mode<synchronous>, transform_indices = @transform_11, window_bounds = array<i64: 1, 128>}, {pipeline_mode = #tpu.pipeline_mode<synchronous>, transform_indices = @transform_12, window_bounds = array<i64: 1, 128>}, {transform_indices = @transform_13, window_bounds = array<i64: 1000, 128>}]} {
    %get3A = arith.constant 0 : index
    %get3A_0 = arith.constant 0 : index
    %get3A_1 = vector.load %arg2[%get3A, %get3A_0] : memref<1000x128xf32, #tpu.memory_space<vmem>>, vector<1000x128xf32>
    %get3A_2 = arith.constant 0 : index
    %get3A_3 = arith.constant 0 : index
    %get3A_4 = vector.load %arg3[%get3A_2, %get3A_3] : memref<1000x128xf32, #tpu.memory_space<vmem>>, vector<1000x128xf32>
    %add3A = arith.addf %get3A_1, %get3A_4 : vector<1000x128xf32>
    %get3A_5 = arith.constant 0 : index
    %get3A_6 = arith.constant 0 : index
    %get3A_7 = vector.load %arg4[%get3A_5, %get3A_6] : memref<1000x128xf32, #tpu.memory_space<vmem>>, vector<1000x128xf32>
    %get3A_8 = arith.constant 0 : index
    %get3A_9 = arith.constant 0 : index
    %get3A_10 = vector.load %arg5[%get3A_8, %get3A_9] : memref<1000x128xf32, #tpu.memory_space<vmem>>, vector<1000x128xf32>
    %add3A_11 = arith.addf %get3A_7, %get3A_10 : vector<1000x128xf32>
    %slice3A = vector.extract_strided_slice %add3A_11 {offsets = [0, 16], sizes = [1000, 1], strides = [1, 1]} : vector<1000x128xf32> to vector<1000x1xf32>
    %max3A = arith.constant 1.000000e+00 : f32
    %max3A_12 = vector.broadcast %max3A : f32 to vector<1000x1xf32>
    %max3A_13 = arith.maximumf %slice3A, %max3A_12 : vector<1000x1xf32>
    %div3A = arith.constant 1.000000e+00 : f32
    %div3A_14 = vector.broadcast %div3A : f32 to vector<1000x1xf32>
    %div3A_15 = arith.divf %div3A_14, %max3A_13 : vector<1000x1xf32>
    %get3A_16 = arith.constant 0 : index
    %get3A_17 = arith.constant 0 : index
    %get3A_18 = vector.load %arg6[%get3A_16, %get3A_17] : memref<128x128xf32, #tpu.memory_space<vmem>>, vector<128x128xf32>
    %dot_general3A = arith.constant dense<0.000000e+00> : vector<1000x128xf32>
    %dot_general3A_19 = tpu.matmul %add3A, %get3A_18, %dot_general3A {dimension_numbers = #tpu.dot_dimension_numbers<[1], [0], [0], [1], [0, 0, 1, 1], [], []>, transpose_lhs_hint = false} : vector<1000x128xf32>, vector<128x128xf32>, vector<1000x128xf32> -> vector<1000x128xf32>
    %slice3A_20 = vector.extract_strided_slice %add3A_11 {offsets = [0, 0], sizes = [1000, 16], strides = [1, 1]} : vector<1000x128xf32> to vector<1000x16xf32>
    %get3A_21 = arith.constant 0 : index
    %get3A_22 = arith.constant 0 : index
    %get3A_23 = vector.load %arg7[%get3A_21, %get3A_22] : memref<16x128xf32, #tpu.memory_space<vmem>>, vector<16x128xf32>
    %dot_general3A_24 = arith.constant dense<0.000000e+00> : vector<1000x128xf32>
    %dot_general3A_25 = tpu.matmul %slice3A_20, %get3A_23, %dot_general3A_24 {dimension_numbers = #tpu.dot_dimension_numbers<[1], [0], [0], [1], [0, 0, 1, 1], [], []>, transpose_lhs_hint = false} : vector<1000x16xf32>, vector<16x128xf32>, vector<1000x128xf32> -> vector<1000x128xf32>
    %add3A_26 = arith.addf %dot_general3A_19, %dot_general3A_25 : vector<1000x128xf32>
    %get3A_27 = arith.constant 0 : index
    %get3A_28 = arith.constant 0 : index
    %get3A_29 = vector.load %arg8[%get3A_27, %get3A_28] : memref<1x128xf32, #tpu.memory_space<vmem>>, vector<1x128xf32>
    %mul3A = vector.broadcast %slice3A : vector<1000x1xf32> to vector<1000x128xf32>
    %mul3A_30 = vector.broadcast %get3A_29 : vector<1x128xf32> to vector<1000x128xf32>
    %mul3A_31 = arith.mulf %mul3A, %mul3A_30 : vector<1000x128xf32>
    %add3A_32 = arith.addf %add3A_26, %mul3A_31 : vector<1000x128xf32>
    %mul3A_33 = vector.broadcast %div3A_15 : vector<1000x1xf32> to vector<1000x128xf32>
    %mul3A_34 = arith.mulf %add3A_32, %mul3A_33 : vector<1000x128xf32>
    %get3A_35 = arith.constant 0 : index
    %get3A_36 = arith.constant 0 : index
    %get3A_37 = vector.load %arg1[%get3A_35, %get3A_36] : memref<1000x128xf32, #tpu.memory_space<vmem>>, vector<1000x128xf32>
    %get3A_38 = arith.constant 0 : index
    %get3A_39 = arith.constant 0 : index
    %get3A_40 = vector.load %arg9[%get3A_38, %get3A_39] : memref<128x128xf32, #tpu.memory_space<vmem>>, vector<128x128xf32>
    %dot_general3A_41 = arith.constant dense<0.000000e+00> : vector<1000x128xf32>
    %dot_general3A_42 = tpu.matmul %get3A_37, %get3A_40, %dot_general3A_41 {dimension_numbers = #tpu.dot_dimension_numbers<[1], [0], [0], [1], [0, 0, 1, 1], [], []>, transpose_lhs_hint = false} : vector<1000x128xf32>, vector<128x128xf32>, vector<1000x128xf32> -> vector<1000x128xf32>
    %get3A_43 = arith.constant 0 : index
    %get3A_44 = arith.constant 0 : index
    %get3A_45 = vector.load %arg10[%get3A_43, %get3A_44] : memref<128x128xf32, #tpu.memory_space<vmem>>, vector<128x128xf32>
    %dot_general3A_46 = arith.constant dense<0.000000e+00> : vector<1000x128xf32>
    %dot_general3A_47 = tpu.matmul %mul3A_34, %get3A_45, %dot_general3A_46 {dimension_numbers = #tpu.dot_dimension_numbers<[1], [0], [0], [1], [0, 0, 1, 1], [], []>, transpose_lhs_hint = false} : vector<1000x128xf32>, vector<128x128xf32>, vector<1000x128xf32> -> vector<1000x128xf32>
    %add3A_48 = arith.addf %dot_general3A_42, %dot_general3A_47 : vector<1000x128xf32>
    %get3A_49 = arith.constant 0 : index
    %get3A_50 = arith.constant 0 : index
    %get3A_51 = vector.load %arg11[%get3A_49, %get3A_50] : memref<1x128xf32, #tpu.memory_space<vmem>>, vector<1x128xf32>
    %add3A_52 = vector.broadcast %get3A_51 : vector<1x128xf32> to vector<1000x128xf32>
    %add3A_53 = arith.addf %add3A_48, %add3A_52 : vector<1000x128xf32>
    %max3A_54 = arith.constant 0.000000e+00 : f32
    %max3A_55 = vector.broadcast %max3A_54 : f32 to vector<1000x128xf32>
    %max3A_56 = arith.maximumf %add3A_53, %max3A_55 : vector<1000x128xf32>
    %reduce_sum3A = arith.constant dense<0.000000e+00> : vector<1000xf32>
    %reduce_sum3A_57 = vector.multi_reduction <add>, %max3A_56, %reduce_sum3A [1] : vector<1000x128xf32> to vector<1000xf32>
    %broadcast_in_dim3A = vector.shape_cast %reduce_sum3A_57 : vector<1000xf32> to vector<1000x1xf32>
    %div3A_58 = arith.constant 1.280000e+02 : f32
    %div3A_59 = vector.broadcast %div3A_58 : f32 to vector<1000x1xf32>
    %div3A_60 = arith.divf %broadcast_in_dim3A, %div3A_59 : vector<1000x1xf32>
    %sub3A = vector.broadcast %div3A_60 : vector<1000x1xf32> to vector<1000x128xf32>
    %sub3A_61 = arith.subf %max3A_56, %sub3A : vector<1000x128xf32>
    %integer_pow3A = arith.mulf %sub3A_61, %sub3A_61 : vector<1000x128xf32>
    %reduce_sum3A_62 = arith.constant dense<0.000000e+00> : vector<1000xf32>
    %reduce_sum3A_63 = vector.multi_reduction <add>, %integer_pow3A, %reduce_sum3A_62 [1] : vector<1000x128xf32> to vector<1000xf32>
    %broadcast_in_dim3A_64 = vector.shape_cast %reduce_sum3A_63 : vector<1000xf32> to vector<1000x1xf32>
    %div3A_65 = arith.constant 1.280000e+02 : f32
    %div3A_66 = vector.broadcast %div3A_65 : f32 to vector<1000x1xf32>
    %div3A_67 = arith.divf %broadcast_in_dim3A_64, %div3A_66 : vector<1000x1xf32>
    %sub3A_68 = vector.broadcast %div3A_60 : vector<1000x1xf32> to vector<1000x128xf32>
    %sub3A_69 = arith.subf %max3A_56, %sub3A_68 : vector<1000x128xf32>
    %add3A_70 = arith.constant 9.99999974E-6 : f32
    %add3A_71 = vector.broadcast %add3A_70 : f32 to vector<1000x1xf32>
    %add3A_72 = arith.addf %div3A_67, %add3A_71 : vector<1000x1xf32>
    %rsqrt3A = math.rsqrt %add3A_72 : vector<1000x1xf32>
    %mul3A_73 = vector.broadcast %rsqrt3A : vector<1000x1xf32> to vector<1000x128xf32>
    %mul3A_74 = arith.mulf %sub3A_69, %mul3A_73 : vector<1000x128xf32>
    %get3A_75 = arith.constant 0 : index
    %get3A_76 = arith.constant 0 : index
    %get3A_77 = vector.load %arg12[%get3A_75, %get3A_76] : memref<1x128xf32, #tpu.memory_space<vmem>>, vector<1x128xf32>
    %mul3A_78 = vector.broadcast %get3A_77 : vector<1x128xf32> to vector<1000x128xf32>
    %mul3A_79 = arith.mulf %mul3A_74, %mul3A_78 : vector<1000x128xf32>
    %get3A_80 = arith.constant 0 : index
    %get3A_81 = arith.constant 0 : index
    %get3A_82 = vector.load %arg13[%get3A_80, %get3A_81] : memref<1x128xf32, #tpu.memory_space<vmem>>, vector<1x128xf32>
    %add3A_83 = vector.broadcast %get3A_82 : vector<1x128xf32> to vector<1000x128xf32>
    %add3A_84 = arith.addf %mul3A_79, %add3A_83 : vector<1000x128xf32>
    %swap3A = arith.constant 0 : index
    %swap3A_85 = arith.constant 0 : index
    %swap3A_86 = vector.load %arg14[%swap3A, %swap3A_85] : memref<1000x128xf32, #tpu.memory_space<vmem>>, vector<1000x128xf32>
    tpu.vector_store %arg14[%swap3A, %swap3A_85], %add3A_84 {strides = array<i32>} : memref<1000x128xf32, #tpu.memory_space<vmem>>, vector<1000x128xf32>,
    return
  }
  func.func @transform_0(%arg0: i32) -> (i32, i32) {
    %c0_i32 = arith.constant 0 : i32
    %c0_i32_0 = arith.constant 0 : i32
    return %arg0, %c0_i32 : i32, i32
  }
  func.func @transform_1(%arg0: i32) -> (i32, i32) {
    %c0_i32 = arith.constant 0 : i32
    %c0_i32_0 = arith.constant 0 : i32
    return %arg0, %c0_i32 : i32, i32
  }
  func.func @transform_2(%arg0: i32) -> (i32, i32) {
    %add3A = arith.constant 10 : i32
    %add3A_0 = arith.addi %arg0, %add3A : i32
    %c0_i32 = arith.constant 0 : i32
    %c0_i32_1 = arith.constant 0 : i32
    return %add3A_0, %c0_i32 : i32, i32
  }
  func.func @transform_3(%arg0: i32) -> (i32, i32) {
    %c0_i32 = arith.constant 0 : i32
    %c0_i32_0 = arith.constant 0 : i32
    return %arg0, %c0_i32 : i32, i32
  }
  func.func @transform_4(%arg0: i32) -> (i32, i32) {
    %add3A = arith.constant 10 : i32
    %add3A_0 = arith.addi %arg0, %add3A : i32
    %c0_i32 = arith.constant 0 : i32
    %c0_i32_1 = arith.constant 0 : i32
    return %add3A_0, %c0_i32 : i32, i32
  }
  func.func @transform_5(%arg0: i32) -> (i32, i32) {
    %c0_i32 = arith.constant 0 : i32
    %c0_i32_0 = arith.constant 0 : i32
    %c0_i32_1 = arith.constant 0 : i32
    return %c0_i32, %c0_i32_0 : i32, i32
  }
  func.func @transform_6(%arg0: i32) -> (i32, i32) {
    %c0_i32 = arith.constant 0 : i32
    %c0_i32_0 = arith.constant 0 : i32
    %c0_i32_1 = arith.constant 0 : i32
    return %c0_i32, %c0_i32_0 : i32, i32
  }
  func.func @transform_7(%arg0: i32) -> (i32, i32) {
    %c0_i32 = arith.constant 0 : i32
    %c0_i32_0 = arith.constant 0 : i32
    %c0_i32_1 = arith.constant 0 : i32
    return %c0_i32, %c0_i32_0 : i32, i32
  }
  func.func @transform_8(%arg0: i32) -> (i32, i32) {
    %c0_i32 = arith.constant 0 : i32
    %c0_i32_0 = arith.constant 0 : i32
    %c0_i32_1 = arith.constant 0 : i32
    return %c0_i32, %c0_i32_0 : i32, i32
  }
  func.func @transform_9(%arg0: i32) -> (i32, i32) {
    %c0_i32 = arith.constant 0 : i32
    %c0_i32_0 = arith.constant 0 : i32
    %c0_i32_1 = arith.constant 0 : i32
    return %c0_i32, %c0_i32_0 : i32, i32
  }
  func.func @transform_10(%arg0: i32) -> (i32, i32) {
    %c0_i32 = arith.constant 0 : i32
    %c0_i32_0 = arith.constant 0 : i32
    %c0_i32_1 = arith.constant 0 : i32
    return %c0_i32, %c0_i32_0 : i32, i32
  }
  func.func @transform_11(%arg0: i32) -> (i32, i32) {
    %c0_i32 = arith.constant 0 : i32
    %c0_i32_0 = arith.constant 0 : i32
    %c0_i32_1 = arith.constant 0 : i32
    return %c0_i32, %c0_i32_0 : i32, i32
  }
  func.func @transform_12(%arg0: i32) -> (i32, i32) {
    %c0_i32 = arith.constant 0 : i32
    %c0_i32_0 = arith.constant 0 : i32
    %c0_i32_1 = arith.constant 0 : i32
    return %c0_i32, %c0_i32_0 : i32, i32
  }
  func.func @transform_13(%arg0: i32) -> (i32, i32) {
    %c0_i32 = arith.constant 0 : i32
    %c0_i32_0 = arith.constant 0 : i32
    return %arg0, %c0_i32 : i32, i32
  }
}

module attributes {stable_mosaic.version = 14 : i64} {
  func.func @_dense_body(%arg0: i32, %arg1: memref<1000x128xf32, #tpu.memory_space<vmem>>, %arg2: memref<1000x128xf32, #tpu.memory_space<vmem>>, %arg3: memref<1000x128xf32, #tpu.memory_space<vmem>>, %arg4: memref<1000x128xf32, #tpu.memory_space<vmem>>, %arg5: memref<1000x128xf32, #tpu.memory_space<vmem>>, %arg6: memref<128x128xf32, #tpu.memory_space<vmem>>, %arg7: memref<16x128xf32, #tpu.memory_space<vmem>>, %arg8: memref<1x128xf32, #tpu.memory_space<vmem>>, %arg9: memref<128x128xf32, #tpu.memory_space<vmem>>, %arg10: memref<128x128xf32, #tpu.memory_space<vmem>>, %arg11: memref<1x128xf32, #tpu.memory_space<vmem>>, %arg12: memref<1x128xf32, #tpu.memory_space<vmem>>, %arg13: memref<1x128xf32, #tpu.memory_space<vmem>>, %arg14: memref<1000x128xf32, #tpu.memory_space<vmem>>) attributes {dimension_semantics = [#tpu.dimension_semantics<arbitrary>], iteration_bounds = array<i64: 10>, scalar_prefetch = 0 : i64, scratch_operands = 0 : i64, tpu.core_type = #tpu.core_type<tc>, window_params = [{transform_indices = @transform_0, window_bounds = array<i64: 1000, 128>}, {transform_indices = @transform_1, window_bounds = array<i64: 1000, 128>}, {transform_indices = @transform_2, window_bounds = array<i64: 1000, 128>}, {transform_indices = @transform_3, window_bounds = array<i64: 1000, 128>}, {transform_indices = @transform_4, window_bounds = array<i64: 1000, 128>}, {pipeline_mode = #tpu.pipeline_mode<synchronous>, transform_indices = @transform_5, window_bounds = array<i64: 128, 128>}, {pipeline_mode = #tpu.pipeline_mode<synchronous>, transform_indices = @transform_6, window_bounds = array<i64: 16, 128>}, {pipeline_mode = #tpu.pipeline_mode<synchronous>, transform_indices = @transform_7, window_bounds = array<i64: 1, 128>}, {pipeline_mode = #tpu.pipeline_mode<synchronous>, transform_indices = @transform_8, window_bounds = array<i64: 128, 128>}, {pipeline_mode = #tpu.pipeline_mode<synchronous>, transform_indices = @transform_9, window_bounds = array<i64: 128, 128>}, {pipeline_mode = #tpu.pipeline_mode<synchronous>, transform_indices = @transform_10, window_bounds = array<i64: 1, 128>}, {pipeline_mode = #tpu.pipeline_mode<synchronous>, transform_indices = @transform_11, window_bounds = array<i64: 1, 128>}, {pipeline_mode = #tpu.pipeline_mode<synchronous>, transform_indices = @transform_12, window_bounds = array<i64: 1, 128>}, {transform_indices = @transform_13, window_bounds = array<i64: 1000, 128>}]} {
    %get3A = arith.constant 0 : index
    %get3A_0 = arith.constant 0 : index
    %get3A_1 = vector.load %arg2[%get3A, %get3A_0] : memref<1000x128xf32, #tpu.memory_space<vmem>>, vector<1000x128xf32>
    %get3A_2 = arith.constant 0 : index
    %get3A_3 = arith.constant 0 : index
    %get3A_4 = vector.load %arg3[%get3A_2, %get3A_3] : memref<1000x128xf32, #tpu.memory_space<vmem>>, vector<1000x128xf32>
    %add3A = arith.addf %get3A_1, %get3A_4 : vector<1000x128xf32>
    %get3A_5 = arith.constant 0 : index
    %get3A_6 = arith.constant 0 : index
    %get3A_7 = vector.load %arg4[%get3A_5, %get3A_6] : memref<1000x128xf32, #tpu.memory_space<vmem>>, vector<1000x128xf32>
    %get3A_8 = arith.constant 0 : index
    %get3A_9 = arith.constant 0 : index
    %get3A_10 = vector.load %arg5[%get3A_8, %get3A_9] : memref<1000x128xf32, #tpu.memory_space<vmem>>, vector<1000x128xf32>
    %add3A_11 = arith.addf %get3A_7, %get3A_10 : vector<1000x128xf32>
    %slice3A = vector.extract_strided_slice %add3A_11 {offsets = [0, 16], sizes = [1000, 1], strides = [1, 1]} : vector<1000x128xf32> to vector<1000x1xf32>
    %max3A = arith.constant 1.000000e+00 : f32
    %max3A_12 = vector.broadcast %max3A : f32 to vector<1000x1xf32>
    %max3A_13 = arith.maximumf %slice3A, %max3A_12 : vector<1000x1xf32>
    %div3A = arith.constant 1.000000e+00 : f32
    %div3A_14 = vector.broadcast %div3A : f32 to vector<1000x1xf32>
    %div3A_15 = arith.divf %div3A_14, %max3A_13 : vector<1000x1xf32>
    %get3A_16 = arith.constant 0 : index
    %get3A_17 = arith.constant 0 : index
    %get3A_18 = vector.load %arg6[%get3A_16, %get3A_17] : memref<128x128xf32, #tpu.memory_space<vmem>>, vector<128x128xf32>
    %dot_general3A = arith.constant dense<0.000000e+00> : vector<1000x128xf32>
    %dot_general3A_19 = tpu.matmul %add3A, %get3A_18, %dot_general3A {dimension_numbers = #tpu.dot_dimension_numbers<[1], [0], [0], [1], [0, 0, 1, 1], [], []>, transpose_lhs_hint = false} : vector<1000x128xf32>, vector<128x128xf32>, vector<1000x128xf32> -> vector<1000x128xf32>
    %slice3A_20 = vector.extract_strided_slice %add3A_11 {offsets = [0, 0], sizes = [1000, 16], strides = [1, 1]} : vector<1000x128xf32> to vector<1000x16xf32>
    %get3A_21 = arith.constant 0 : index
    %get3A_22 = arith.constant 0 : index
    %get3A_23 = vector.load %arg7[%get3A_21, %get3A_22] : memref<16x128xf32, #tpu.memory_space<vmem>>, vector<16x128xf32>
    %dot_general3A_24 = arith.constant dense<0.000000e+00> : vector<1000x128xf32>
    %dot_general3A_25 = tpu.matmul %slice3A_20, %get3A_23, %dot_general3A_24 {dimension_numbers = #tpu.dot_dimension_numbers<[1], [0], [0], [1], [0, 0, 1, 1], [], []>, transpose_lhs_hint = false} : vector<1000x16xf32>, vector<16x128xf32>, vector<1000x128xf32> -> vector<1000x128xf32>
    %add3A_26 = arith.addf %dot_general3A_19, %dot_general3A_25 : vector<1000x128xf32>
    %get3A_27 = arith.constant 0 : index
    %get3A_28 = arith.constant 0 : index
    %get3A_29 = vector.load %arg8[%get3A_27, %get3A_28] : memref<1x128xf32, #tpu.memory_space<vmem>>, vector<1x128xf32>
    %mul3A = vector.broadcast %slice3A : vector<1000x1xf32> to vector<1000x128xf32>
    %mul3A_30 = vector.broadcast %get3A_29 : vector<1x128xf32> to vector<1000x128xf32>
    %mul3A_31 = arith.mulf %mul3A, %mul3A_30 : vector<1000x128xf32>
    %add3A_32 = arith.addf %add3A_26, %mul3A_31 : vector<1000x128xf32>
    %mul3A_33 = vector.broadcast %div3A_15 : vector<1000x1xf32> to vector<1000x128xf32>
    %mul3A_34 = arith.mulf %add3A_32, %mul3A_33 : vector<1000x128xf32>
    %get3A_35 = arith.constant 0 : index
    %get3A_36 = arith.constant 0 : index
    %get3A_37 = vector.load %arg1[%get3A_35, %get3A_36] : memref<1000x128xf32, #tpu.memory_space<vmem>>, vector<1000x128xf32>
    %get3A_38 = arith.constant 0 : index
    %get3A_39 = arith.constant 0 : index
    %get3A_40 = vector.load %arg9[%get3A_38, %get3A_39] : memref<128x128xf32, #tpu.memory_space<vmem>>, vector<128x128xf32>
    %dot_general3A_41 = arith.constant dense<0.000000e+00> : vector<1000x128xf32>
    %dot_general3A_42 = tpu.matmul %get3A_37, %get3A_40, %dot_general3A_41 {dimension_numbers = #tpu.dot_dimension_numbers<[1], [0], [0], [1], [0, 0, 1, 1], [], []>, transpose_lhs_hint = false} : vector<1000x128xf32>, vector<128x128xf32>, vector<1000x128xf32> -> vector<1000x128xf32>
    %get3A_43 = arith.constant 0 : index
    %get3A_44 = arith.constant 0 : index
    %get3A_45 = vector.load %arg10[%get3A_43, %get3A_44] : memref<128x128xf32, #tpu.memory_space<vmem>>, vector<128x128xf32>
    %dot_general3A_46 = arith.constant dense<0.000000e+00> : vector<1000x128xf32>
    %dot_general3A_47 = tpu.matmul %mul3A_34, %get3A_45, %dot_general3A_46 {dimension_numbers = #tpu.dot_dimension_numbers<[1], [0], [0], [1], [0, 0, 1, 1], [], []>, transpose_lhs_hint = false} : vector<1000x128xf32>, vector<128x128xf32>, vector<1000x128xf32> -> vector<1000x128xf32>
    %add3A_48 = arith.addf %dot_general3A_42, %dot_general3A_47 : vector<1000x128xf32>
    %get3A_49 = arith.constant 0 : index
    %get3A_50 = arith.constant 0 : index
    %get3A_51 = vector.load %arg11[%get3A_49, %get3A_50] : memref<1x128xf32, #tpu.memory_space<vmem>>, vector<1x128xf32>
    %add3A_52 = vector.broadcast %get3A_51 : vector<1x128xf32> to vector<1000x128xf32>
    %add3A_53 = arith.addf %add3A_48, %add3A_52 : vector<1000x128xf32>
    %max3A_54 = arith.constant 0.000000e+00 : f32
    %max3A_55 = vector.broadcast %max3A_54 : f32 to vector<1000x128xf32>
    %max3A_56 = arith.maximumf %add3A_53, %max3A_55 : vector<1000x128xf32>
    %reduce_sum3A = arith.constant dense<0.000000e+00> : vector<1000xf32>
    %reduce_sum3A_57 = vector.multi_reduction <add>, %max3A_56, %reduce_sum3A [1] : vector<1000x128xf32> to vector<1000xf32>
    %broadcast_in_dim3A = vector.shape_cast %reduce_sum3A_57 : vector<1000xf32> to vector<1000x1xf32>
    %div3A_58 = arith.constant 1.280000e+02 : f32
    %div3A_59 = vector.broadcast %div3A_58 : f32 to vector<1000x1xf32>
    %div3A_60 = arith.divf %broadcast_in_dim3A, %div3A_59 : vector<1000x1xf32>
    %sub3A = vector.broadcast %div3A_60 : vector<1000x1xf32> to vector<1000x128xf32>
    %sub3A_61 = arith.subf %max3A_56, %sub3A : vector<1000x128xf32>
    %integer_pow3A = arith.mulf %sub3A_61, %sub3A_61 : vector<1000x128xf32>
    %reduce_sum3A_62 = arith.constant dense<0.000000e+00> : vector<1000xf32>
    %reduce_sum3A_63 = vector.multi_reduction <add>, %integer_pow3A, %reduce_sum3A_62 [1] : vector<1000x128xf32> to vector<1000xf32>
    %broadcast_in_dim3A_64 = vector.shape_cast %reduce_sum3A_63 : vector<1000xf32> to vector<1000x1xf32>
    %div3A_65 = arith.constant 1.280000e+02 : f32
    %div3A_66 = vector.broadcast %div3A_65 : f32 to vector<1000x1xf32>
    %div3A_67 = arith.divf %broadcast_in_dim3A_64, %div3A_66 : vector<1000x1xf32>
    %sub3A_68 = vector.broadcast %div3A_60 : vector<1000x1xf32> to vector<1000x128xf32>
    %sub3A_69 = arith.subf %max3A_56, %sub3A_68 : vector<1000x128xf32>
    %add3A_70 = arith.constant 9.99999974E-6 : f32
    %add3A_71 = vector.broadcast %add3A_70 : f32 to vector<1000x1xf32>
    %add3A_72 = arith.addf %div3A_67, %add3A_71 : vector<1000x1xf32>
    %rsqrt3A = math.rsqrt %add3A_72 : vector<1000x1xf32>
    %mul3A_73 = vector.broadcast %rsqrt3A : vector<1000x1xf32> to vector<1000x128xf32>
    %mul3A_74 = arith.mulf %sub3A_69, %mul3A_73 : vector<1000x128xf32>
    %get3A_75 = arith.constant 0 : index
    %get3A_76 = arith.constant 0 : index
    %get3A_77 = vector.load %arg12[%get3A_75, %get3A_76] : memref<1x128xf32, #tpu.memory_space<vmem>>, vector<1x128xf32>
    %mul3A_78 = vector.broadcast %get3A_77 : vector<1x128xf32> to vector<1000x128xf32>
    %mul3A_79 = arith.mulf %mul3A_74, %mul3A_78 : vector<1000x128xf32>
    %get3A_80 = arith.constant 0 : index
    %get3A_81 = arith.constant 0 : index
    %get3A_82 = vector.load %arg13[%get3A_80, %get3A_81] : memref<1x128xf32, #tpu.memory_space<vmem>>, vector<1x128xf32>
    %add3A_83 = vector.broadcast %get3A_82 : vector<1x128xf32> to vector<1000x128xf32>
    %add3A_84 = arith.addf %mul3A_79, %add3A_83 : vector<1000x128xf32>
    %swap3A = arith.constant 0 : index
    %swap3A_85 = arith.constant 0 : index
    %swap3A_86 = vector.load %arg14[%swap3A, %swap3A_85] : memref<1000x128xf32, #tpu.memory_space<vmem>>, vector<1000x128xf32>
    tpu.vector_store %arg14[%swap3A, %swap3A_85], %add3A_84 {strides = array<i32>} : memref<1000x128xf32, #tpu.memory_space<vmem>>, vector<1000x128xf32>,
    return
  }
  func.func @transform_0(%arg0: i32) -> (i32, i32) {
    %c0_i32 = arith.constant 0 : i32
    %c0_i32_0 = arith.constant 0 : i32
    return %arg0, %c0_i32 : i32, i32
  }
  func.func @transform_1(%arg0: i32) -> (i32, i32) {
    %c0_i32 = arith.constant 0 : i32
    %c0_i32_0 = arith.constant 0 : i32
    return %arg0, %c0_i32 : i32, i32
  }
  func.func @transform_2(%arg0: i32) -> (i32, i32) {
    %add3A = arith.constant 10 : i32
    %add3A_0 = arith.addi %arg0, %add3A : i32
    %c0_i32 = arith.constant 0 : i32
    %c0_i32_1 = arith.constant 0 : i32
    return %add3A_0, %c0_i32 : i32, i32
  }
  func.func @transform_3(%arg0: i32) -> (i32, i32) {
    %c0_i32 = arith.constant 0 : i32
    %c0_i32_0 = arith.constant 0 : i32
    return %arg0, %c0_i32 : i32, i32
  }
  func.func @transform_4(%arg0: i32) -> (i32, i32) {
    %add3A = arith.constant 10 : i32
    %add3A_0 = arith.addi %arg0, %add3A : i32
    %c0_i32 = arith.constant 0 : i32
    %c0_i32_1 = arith.constant 0 : i32
    return %add3A_0, %c0_i32 : i32, i32
  }
  func.func @transform_5(%arg0: i32) -> (i32, i32) {
    %c0_i32 = arith.constant 0 : i32
    %c0_i32_0 = arith.constant 0 : i32
    %c0_i32_1 = arith.constant 0 : i32
    return %c0_i32, %c0_i32_0 : i32, i32
  }
  func.func @transform_6(%arg0: i32) -> (i32, i32) {
    %c0_i32 = arith.constant 0 : i32
    %c0_i32_0 = arith.constant 0 : i32
    %c0_i32_1 = arith.constant 0 : i32
    return %c0_i32, %c0_i32_0 : i32, i32
  }
  func.func @transform_7(%arg0: i32) -> (i32, i32) {
    %c0_i32 = arith.constant 0 : i32
    %c0_i32_0 = arith.constant 0 : i32
    %c0_i32_1 = arith.constant 0 : i32
    return %c0_i32, %c0_i32_0 : i32, i32
  }
  func.func @transform_8(%arg0: i32) -> (i32, i32) {
    %c0_i32 = arith.constant 0 : i32
    %c0_i32_0 = arith.constant 0 : i32
    %c0_i32_1 = arith.constant 0 : i32
    return %c0_i32, %c0_i32_0 : i32, i32
  }
  func.func @transform_9(%arg0: i32) -> (i32, i32) {
    %c0_i32 = arith.constant 0 : i32
    %c0_i32_0 = arith.constant 0 : i32
    %c0_i32_1 = arith.constant 0 : i32
    return %c0_i32, %c0_i32_0 : i32, i32
  }
  func.func @transform_10(%arg0: i32) -> (i32, i32) {
    %c0_i32 = arith.constant 0 : i32
    %c0_i32_0 = arith.constant 0 : i32
    %c0_i32_1 = arith.constant 0 : i32
    return %c0_i32, %c0_i32_0 : i32, i32
  }
  func.func @transform_11(%arg0: i32) -> (i32, i32) {
    %c0_i32 = arith.constant 0 : i32
    %c0_i32_0 = arith.constant 0 : i32
    %c0_i32_1 = arith.constant 0 : i32
    return %c0_i32, %c0_i32_0 : i32, i32
  }
  func.func @transform_12(%arg0: i32) -> (i32, i32) {
    %c0_i32 = arith.constant 0 : i32
    %c0_i32_0 = arith.constant 0 : i32
    %c0_i32_1 = arith.constant 0 : i32
    return %c0_i32, %c0_i32_0 : i32, i32
  }
  func.func @transform_13(%arg0: i32) -> (i32, i32) {
    %c0_i32 = arith.constant 0 : i32
    %c0_i32_0 = arith.constant 0 : i32
    return %arg0, %c0_i32 : i32, i32
  }
}

</mosaic_0001>

<sc_bundles>
// kernel: kernel.10.cloned.1.call-start
scs
__scs_entry_jumppad:
0x0: {  	(pc) =	sbr.rel $0x88, $3  }
0x1: {  	(tag) =	ssettag $0x0;
	lr =	simm.s32 $0x1  }
0x2: {  	[smem:$0x3F8E] =	sst lr;
	_ =	strace $0xD0000000  }
0x3: {  	_ = 	snop  }
0x4: {  	_ = 	snop  }
0x5: {  	_ = 	snop  }
0x6: {  	_ = 	snop  }
0x7: {  	_ = 	snop  }
__scs_overlays_trampoline_lowered:
0x8: {  	[smem:$0x3F9D] =	sst s0  }
0x9: {  	[smem:$0x3F9E] =	sst s1  }
0xa: {  	[smem:$0x3F9F] =	sst s2  }
0xb: {  	[smem:$0x3FA0] =	sst s3  }
0xc: {  	[smem:$0x3FA1] =	sst s4  }
0xd: {  	[smem:$0x3FA2] =	sst s5  }
0xe: {  	[smem:$0x3FA3] =	sst s6  }
0xf: {  	[smem:$0x3FA4] =	sst s7  }
0x10: {  	[smem:$0x3FA5] =	sst s8  }
0x11: {  	[smem:$0x3FA6] =	sst s9;
	s0 =	simm.s32 @!p0 $0x0  }
0x12: {  	s1 =	sld [smem:$0x3F8C];
	s0 =	simm.s32 @p0 $0x1  }
0x13: {  	[smem:$0x3FA7] =	sst s0;
	s0 =	simm.s32 @!p1 $0x0  }
0x14: {  	s2 =	sld [smem:$0x3F8B];
	s0 =	simm.s32 @p1 $0x1  }
0x15: {  	[smem:$0x3FA8] =	sst s0;
	s0 =	simm.s32 @!p2 $0x0  }
0x16: {  	s3 =	sld [smem:$0x3FDB];
	s0 =	simm.s32 @p2 $0x1  }
0x17: {  	s4 =	simm.s32 $0x1BF5;
	[smem:$0x3FAA] =	sst s0  }
0x18: {  	s0 =	sld [smem:$0x3F8D];
	_ =	swait.ge [sflag:s4], $0x0  }
0x19: {  	s7 =	sld [smem:$0x3F8E]  }
0x1a: {  	s8 =	sadd.s32 $0xFFFFE003, lr  }
0x1b: {  	s9 =	sadd.s32 $0xFFFFFEF7, lr;
	s5 =	simm.s32 $0xFFFFFFFF;
	p2 =	slt.u32 s8, $0xFFFFF086  }
0x1c: {  	p1 =	slt.u32 s9, $0xF7A;
	s5 =	simm.s32 @!p2 $0x0  }
0x1d: {  	s5 =	simm.s32 @p1 $0x1;
	p0 =	seq.s32 s7, s2  }
0x1e: {  	s7 =	smul.u32 @!p0 $0xF7A, s2;
	p2 =	seq.s32 @!p0 s5, $0x0  }
0x1f: {  	s9 =	smul.u32 $0xF7A, s1;
	s8 =	simm.s32 @!p0 $0x1BF5;
	p2 =	por !p2, p0  }
0x20: {  	[sflag:s8] =	ssyncset.s32 @!p0 $0xFFFFF086;
	s6 =	sadd.s32 @!p0 s3, s7;
	s7 =	simm.s32 @!p0 $0x108  }
0x21: {  	s3 =	sadd.s32 s3, s9;
	s6 =	sadd.s32 @!p0 $0x88, s6;
	s7 =	simm.s32 @p2 $0x1082  }
0x22: {  	[simem:s7], [sflag:s8] =	dma.local @!p0 [hbm:s6], $0xF7A  }
0x23: {  	s9 =	sor.u32 $0xD0000000, s2;
	s6 =	simm.s32 $0x108;
	_ =	swait.ge @!p0 [sflag:s8], $0x0  }
0x24: {  	s3 =	sadd.s32 $0x88, s3;
	s6 =	simm.s32 @!p1 $0x1082;
	[sflag:s4] =	ssyncset.s32 $0xFFFFF086  }
0x25: {  	[simem:s6], [sflag:s4] =	dma.local [hbm:s3], $0xF7A  }
0x26: {  	[smem:$0x3F8E] =	sst s1;
	(tag) =	ssettag s2;
	_ =	strace s9  }
0x27: {  	s1 =	sld [smem:$0x3F9E]  }
0x28: {  	s2 =	sld [smem:$0x3F9F]  }
0x29: {  	s4 =	sld [smem:$0x3FA1]  }
0x2a: {  	p0 =	seq.s32 s5, $0x0;
	s5 =	sld [smem:$0x3FA2]  }
0x2b: {  	s6 =	sld [smem:$0x3FA3]  }
0x2c: {  	s7 =	sld [smem:$0x3FA4]  }
0x2d: {  	s3 =	simm.s32 $0x108;
	s8 =	sld [smem:$0x3FA5]  }
0x2e: {  	s3 =	simm.s32 @!p0 $0x1082;
	s9 =	sld [smem:$0x3FA6]  }
0x2f: {  	lr =	sadd.s32 s0, s3;
	s0 =	sld [smem:$0x3F9D]  }
0x30: {  	s3 =	sld [smem:$0x3FA0]  }
0x31: {  	[smem:$0x3FA9] =	sst s10  }
0x32: {  	s10 =	sld [smem:$0x3FA7];
	_ =	sdelay $0x3  }
0x33: {  	p0 =	seq.s32 s10, $0x1;
	s10 =	sld [smem:$0x3FA9];
	_ =	sdelay $0x3  }
0x34: {  	[smem:$0x3FA9] =	sst s10  }
0x35: {  	s10 =	sld [smem:$0x3FA8];
	_ =	sdelay $0x3  }
0x36: {  	p1 =	seq.s32 s10, $0x1;
	s10 =	sld [smem:$0x3FA9];
	_ =	sdelay $0x3  }
0x37: {  	[smem:$0x3FA9] =	sst s10  }
0x38: {  	s10 =	sld [smem:$0x3FAA]  }
0x39: {  	_ = 	snop;
	(pc) =	sbr.ind lr, $3  }
0x3a: {  	_ = 	snop  }
0x3b: {  	_ = 	snop  }
0x3c: {  	p2 =	seq.s32 s10, $0x1;
	s10 =	sld [smem:$0x3FA9]  }
0x3d: {  	_ =	shalt  }
0x3e: {  	_ =	shalt  }
0x3f: {  	_ =	shalt  }
0x40: {  	_ =	shalt  }
0x41: {  	_ =	shalt  }
0x42: {  	_ =	shalt  }
0x43: {  	_ =	shalt  }
0x44: {  	_ =	shalt  }
0x45: {  	_ =	shalt  }
0x46: {  	_ =	shalt  }
0x47: {  	_ =	shalt  }
0x48: {  	_ =	shalt  }
0x49: {  	_ =	shalt  }
0x4a: {  	_ =	shalt  }
0x4b: {  	_ =	shalt  }
0x4c: {  	_ =	shalt  }
0x4d: {  	_ =	shalt  }
0x4e: {  	_ =	shalt  }
0x4f: {  	_ =	shalt  }
0x50: {  	_ =	shalt  }
0x51: {  	_ =	shalt  }
0x52: {  	_ =	shalt  }
0x53: {  	_ =	shalt  }
0x54: {  	_ =	shalt  }
0x55: {  	_ =	shalt  }
0x56: {  	_ =	shalt  }
0x57: {  	_ =	shalt  }
0x58: {  	_ =	shalt  }
0x59: {  	_ =	shalt  }
0x5a: {  	_ =	shalt  }
0x5b: {  	_ =	shalt  }
0x5c: {  	_ =	shalt  }
0x5d: {  	_ =	shalt  }
0x5e: {  	_ =	shalt  }
0x5f: {  	_ =	shalt  }
0x60: {  	_ =	shalt  }
0x61: {  	_ =	shalt  }
0x62: {  	_ =	shalt  }
0x63: {  	_ =	shalt  }
0x64: {  	_ =	shalt  }
0x65: {  	_ =	shalt  }
0x66: {  	_ =	shalt  }
0x67: {  	_ =	shalt  }
0x68: {  	_ =	shalt  }
0x69: {  	_ =	shalt  }
0x6a: {  	_ =	shalt  }
0x6b: {  	_ =	shalt  }
0x6c: {  	_ =	shalt  }
0x6d: {  	_ =	shalt  }
0x6e: {  	_ =	shalt  }
0x6f: {  	_ =	shalt  }
0x70: {  	_ =	shalt  }
0x71: {  	_ =	shalt  }
0x72: {  	_ =	shalt  }
0x73: {  	_ =	shalt  }
0x74: {  	_ =	shalt  }
0x75: {  	_ =	shalt  }
0x76: {  	_ =	shalt  }
0x77: {  	_ =	shalt  }
0x78: {  	_ =	shalt  }
0x79: {  	_ =	shalt  }
0x7a: {  	_ =	shalt  }
0x7b: {  	_ =	shalt  }
0x7c: {  	_ =	shalt  }
0x7d: {  	_ =	shalt  }
0x7e: {  	_ =	shalt  }
0x7f: {  	_ =	shalt  }
0x80: {  	_ =	shalt  }
0x81: {  	_ =	shalt  }
0x82: {  	_ =	shalt  }
0x83: {  	_ =	shalt  }
0x84: {  	_ =	shalt  }
0x85: {  	_ =	shalt  }
0x86: {  	_ =	shalt  }
0x87: {  	_ =	shalt  }
.Lfunc_end0:
.L_simem_size_0:
called_computation.1_lowered:
.L_overlay_start_0:
0x88: {  	s2 =	sld [smem:$0x3FD9]  }
0x89: {  	s3 =	sld [smem:$0x3FFE];
	_ =	sdelay $0x1  }
0x8a: {  	s1 =	srdreg.scid  }
0x8b: {  	s0 =	sand.u32 $0x1, s1  }
0x8c: {  	s17 =	sshll.u32 s0, $0xA;
	s2 =	sadd.s32 s3, s2  }
0x8d: {  	s2 =	sadd.s32 s2, s17  }
0x8e: {  	[smem:$0x3FB5] =	sst s2  }
0x8f: {  	_ = 	snop  }
0x90: {  	s18 =	sld [smem:$0x3FC9];
	(tm) =	ssettm $0x1  }
0x91: {  	s19 =	sld [smem:$0x3FFB];
	_ =	sdelay $0x3  }
0x92: {  	_ =	strace s19  }
0x93: {  	s2 =	sld [smem:$0x3FFC];
	_ =	sdelay $0x3  }
0x94: {  	_ =	strace s2  }
0x95: {  	s2 =	sld [smem:$0x3FFD];
	_ =	sdelay $0x3  }
0x96: {  	_ =	strace s2  }
0x97: {  	_ =	strace $0x8FFFFFFF  }
0x98: {  	s20 =	sld [smem:$0x3FDB];
	_ =	sdelay $0x1  }
0x99: {  	s4 =	simm.s32 $_scs_section_size  }
0x9a: {  	s5 =	simm.s32 $_size__tile_overlayer_lowered;
	s6 =	simm.s32 $_tile_overlayer_lowered  }
0x9b: {  	s7 =	simm.s32 $0x1BFF;
	s21 =	sshll.u32 s6, $0x1;
	s4 =	sadd.s32 s4, s20  }
0x9c: {  	s22 =	simm.s32 $0x0;
	s5 =	sshll.u32 s5, $0x1;
	s6 =	sadd.s32 s21, s4  }
0x9d: {  	[timem:s22], [sflag:s7] =	dma.local [hbm:s6], s5  }
0x9e: {  	_ =	swait.ge [sflag:s7], s5  }
0x9f: {  	s5 =	ssub.s32 $0x0, s5;
	[sflag:s7] =	ssyncset.done $0x0  }
0xa0: {  	[sflag:s7] =	ssyncadd.s32 s5;
	_ =	sdelay $0x1  }
0xa1: {  	s23 =	simm.s32 $0x1B8B  }
0xa2: {  	_ =	swait.ge [sflag:s23], $0x1  }
0xa3: {  	[sflag:s23] =	ssyncset.done $0x0  }
0xa4: {  	[sflag:s23] =	ssyncadd.s32 $0xFFFFFFFF  }
0xa5: {  	s5 =	sld [smem:$0x0]  }
0xa6: {  	s6 =	sand.u32 $0xFFFFFFFE, s1  }
0xa7: {  	p0 =	sne.s32 s1, s6  }
0xa8: {  	s6 =	sshll.u32 @p0 s6, $0xE  }
0xa9: {  	s6 =	sadd.s32 @p0 $0x11B8D, s6;
	s7 =	sshll.u32 @p0 s5, $0x11  }
0xaa: {  	s6 =	sor.u32 @p0 s7, s6  }
0xab: {  	[sflag:s6] =	ssyncadd.remote.s32 @p0 $0x1;
	_ =	sdelay $0x1  }
0xac: {  	s6 =	simm.s32 @p0 $0x1B8D  }
0xad: {  	_ =	swait.eq @p0 [sflag:s6], $0x1  }
0xae: {  	[sflag:s6] =	ssyncadd.s32 @p0 $0xFFFFFFFF  }
0xaf: {  	s7 =	sshll.u32 @!p0 s1, $0xE  }
0xb0: {  	s7 =	sor.u32 @!p0 $0x4000, s7;
	s6 =	simm.s32 @!p0 $0x1B8D  }
0xb1: {  	s5 =	sshll.u32 @!p0 s5, $0x11;
	s7 =	sadd.s32 @!p0 $0x11B8D, s7;
	_ =	swait.eq @!p0 [sflag:s6], $0x1  }
0xb2: {  	s5 =	sor.u32 @!p0 s5, s7;
	[sflag:s6] =	ssyncadd.s32 @!p0 $0xFFFFFFFF  }
0xb3: {  	s25 =	simm.s32 $0x1B8E;
	s24 =	sld [smem:$0x3FFE];
	[sflag:s5] =	ssyncadd.remote.s32 @!p0 $0x1  }
0xb4: {  	s26 =	simm.s32 $execute0_lowered;
	[smem:$0x3FD2] =	sst s25  }
0xb5: {  	s6 =	sshll.u32 s26, $0x1;
	_ =	strace $0x80000049;
	[dreg:$0x1] =	wrdreg $0xFFFFFFFF  }
0xb6: {  	s28 =	simm.s32 $_size_execute0_lowered;
	s4 =	sadd.s32 s4, s6;
	[dreg:$0x0] =	wrdreg $0x0  }
0xb7: {  	s6 =	sshll.u32 s28, $0x1;
	[dreg:$0x2] =	wrdreg s4  }
0xb8: {  	[dreg:$0x3] =	wrdreg s6  }
0xb9: {  	[dreg:$0x4] =	wrdreg $0xC0  }
0xba: {  	_ =	task [dreg:s22], $0x5FFFF  }
0xbb: {  	[dreg:$0x1] =	wrdreg $0xFFFFFFFF  }
0xbc: {  	[dreg:$0x0] =	wrdreg $0x60  }
0xbd: {  	[dreg:$0x2] =	wrdreg s18  }
0xbe: {  	[dreg:$0x3] =	wrdreg s24  }
0xbf: {  	[dreg:$0x4] =	wrdreg $0x0  }
0xc0: {  	[dreg:$0x5] =	wrdreg $0xA  }
0xc1: {  	_ =	task.clear_ibuf [dreg:s22], $0x6FFFF;
	_ =	strace $0x90000049  }
0xc2: {  	s29 =	simm.s32 $0xA;
	_ =	strace $0x8000004B  }
0xc3: {  	_ =	swait.ge [sflag:s29], $0x1  }
0xc4: {  	[sflag:s29] =	ssyncadd.s32 $0xFFFFFFFF  }
0xc5: {  	_ =	strace $0x9000004B  }
0xc6: {  	_ =	sfence  }
0xc7: {  	s30 =	sld [smem:$0x0];
	_ =	sdelay $0x2  }
0xc8: {  	s31 =	sshll.u32 s1, $0xD;
	s1 =	sshrl.u32 s1, $0x2  }
0xc9: {  	s4 =	sand.u32 $0x4000, s31;
	s1 =	sadd.s32 s1, s30  }
0xca: {  	s0 =	sor.u32 s4, s0;
	s1 =	sshll.u32 s1, $0x11  }
0xcb: {  	s0 =	sor.u32 s1, s0  }
0xcc: {  	s0 =	sadd.s32 $0x8F2B, s0  }
0xcd: {  	[sflag:s0] =	ssyncadd.remote.s32 $0x1  }
0xce: {  	_ =	sfence.sel $0xFFFF  }
0xcf: {  	[dreg:$0x0] =	wrdreg $0xFFFFFFFF;
	(pc) =	sbr.abs _section_cstart, $3  }
0xd0: {  	[dreg:$0x1] =	wrdreg $0xFFFFFFFF  }
0xd1: {  	_ =	task.clear_ibuf [dreg:s22], $0x2FFFF;
	_ =	strace $0x9FFFFFFF  }
0xd2: {  	(tm) =	ssettm $0x7FFFFFFF  }
0xd3: {  	_ =	shalt  }
tec
execute0_lowered:
.L_overlay_start_1:
0x0: {  	(tag) =	ssettag $0x1  }
0x1: {  	s1 =	rddreg [dreg:$0x0]  }
0x2: {  	s0 =	rddreg [dreg:$0x1]  }
0x3: {  	s2 =	rddreg [dreg:$0x2];
	s3 =	simm.s32 $0x0;
	s4 =	srdreg.scid  }
0x4: {  	s5 =	stileid.u32;
	s15 =	simm.s32 $0x5;
	s16 =	simm.s32 $0x13E00  }
0x5: {  	s17 =	simm.s32 $0x80;
	s18 =	simm.s32 $0x14000;
	s19 =	simm.s32 $0x1  }
0x6: {  	s20 =	simm.s32 $0x13E80;
	s21 =	simm.s32 $0x13C00;
	s28 =	simm.s32 $0x13C80  }
0x7: {  	s29 =	simm.s32 $0x2;
	s30 =	simm.s32 $0x13D80;
	s31 =	simm.s32 $0x4  }
0x8: {  	[smem:$0x7FF] =	sst s3;
	s7 =	sand.u32 $0x1, s4;
	s8 =	smul.u32 $0x4F000, s5  }
0x9: {  	s4 =	sadd.s32 $0x3A00, s0;
	s9 =	sadd.s32 $0x17800, s0;
	s10 =	smul.u32 $0x1D, s5  }
0xa: {  	s0 =	sadd.s32 $0x68200, s0;
	s11 =	smul.u32 $0x4E000, s5;
	s23 =	sshll.u32 s5, $0x6  }
0xb: {  	s14 =	smul.u32 $0x2700, s5;
	_ =	strace $0x8000004A;
	s6 =	ssub.s32 $0x2, s7  }
0xc: {  	[dreg:$0x4] =	wrdreg s9;
	p0 =	seq.s32 s7, $0x0;
	s13 =	smul.u32 $0x27100, s7  }
0xd: {  	s7 =	smul.u32 $0x138800, s7;
	s22 =	sshrl.u32 s6, $0x1;
	s8 =	sshrl.u32 s8, $0x2  }
0xe: {  	s10 =	sadd.s32 $0x810, s10;
	s11 =	sshrl.u32 s11, $0x2;
	s12 =	ssub.s32 s6, s22  }
0xf: {  	s6 =	smul.u32 $0x81, s5;
	s8 =	sadd.s32 s8, s2;
	s13 =	sadd.s32 s14, s13  }
0x10: {  	s7 =	sshrl.u32 s7, $0x3;
	s22 =	simm.s32 $0x3;
	s25 =	sadd.s32 s0, s13  }
0x11: {  	s13 =	sadd.s32 $0x138000, s2;
	s0 =	sadd.s32 s0, s7;
	s12 =	smax.u32 s12, $0x1  }
0x12: {  	s14 =	sshrl.u32 s8, $0x3;
	s8 =	simm.s32 $0x0;
	s10 =	smov.u32 @p0 s6  }
0x13: {  	s6 =	sor.u32 $0x1C05, s23;
	[dreg:$0x7] =	wrdreg s25;
	s0 =	sadd.s32 $0x27000, s0  }
0x14: {  	s23 =	simm.s32 $0x13D00;
	s24 =	sshll.u32 s10, $0x5;
	s26 =	sshll.u32 s10, $0x8  }
0x15: {  	[dreg:$0x8] =	wrdreg s0;
	s0 =	simm.s32 $0x13F00;
	s9 =	sadd.s32 s4, s24  }
0x16: {  	s24 =	sadd.s32 s11, s2;
	[dreg:$0x5] =	wrdreg s9;
	s9 =	sadd.s32 $0x20, s9  }
0x17: {  	s10 =	sadd.s32 $0x300, s26;
	[dreg:$0x6] =	wrdreg s9;
	s9 =	simm.s32 $0x20  }
0x18: {  	s26 =	simm.s32 $0x18000;
	s9 =	simm.s32 @!p0 $0x7;
	p0 =	sne.s32 s5, $0x0  }
0x19: {  	s24 =	sshrl.u32 s24, $0x3;
	s5 =	simm.s32 $0x13F80;
	s25 =	sshrl.u32 @!p0 s13, $0x3  }
.LBB2_1:
0x1a: {  	s7 =	rddreg [dreg:$0x4]  }
0x1b: {  	[spmem:s14], [sflag:s6] =	dma.local [hbm:s7], $0x2780  }
0x1c: {  	_ =	swait.ge [sflag:s15], $0x2780  }
0x1d: {  	[sflag:s15] =	ssyncset.done $0x0  }
0x1e: {  	[sflag:s15] =	ssyncadd.s32 $0xFFFFD880  }
0x1f: {  	[bflag:$0x0] =	sbarrier.arrive $0xFFFF  }
0x20: {  	s11 =	rddreg [dreg:$0x5]  }
0x21: {  	[tilespmem:s16], [sflag:$0x5] =	stream.linear.gather [hbm4b:s11+s3], $0x100, $0x38;
	[tilespmem:$0x1C000] =	vst v63  }
0x22: {  	_ =	swait.ge [sflag:s15], $0x100  }
0x23: {  	[sflag:s15] =	ssyncset.done $0x0  }
0x24: {  	[sflag:s15] =	ssyncadd.s32 $0xFFFFFF00  }
0x25: {  	[tilespmem:s18], [sflag:$0x1] =	stream.indirect.gather [hbm4b:s1+s17], $0x80, s16, s17, $0xb8;
	[tilespmem:$0x1C000] =	vst v63  }
0x26: {  	_ =	swait.ge [sflag:s19], $0x4000  }
0x27: {  	[sflag:s19] =	ssyncset.done $0x0  }
0x28: {  	[sflag:s19] =	ssyncadd.s32 $0xFFFFC000  }
0x29: {  	[spmem:s2] =	stream.indirect.scatter.add.f32 [tilespmem:s18], [sflag:$0x5], $0x80, s20, s17, $0xb8;
	[tilespmem:$0x1C000] =	vst v63  }
0x2a: {  	_ =	swait.ge [sflag:s15], $0x4000  }
0x2b: {  	[sflag:s15] =	ssyncset.done $0x0  }
0x2c: {  	s13 =	rddreg [dreg:$0x6];
	[sflag:s15] =	ssyncadd.s32 $0xFFFFC000  }
0x2d: {  	[tilespmem:s21], [sflag:$0x3] =	stream.linear.gather [hbm4b:s13+s3], $0x200, $0x38;
	[tilespmem:$0x1C000] =	vst v63  }
0x2e: {  	_ =	swait.ge [sflag:s22], $0x200  }
0x2f: {  	[sflag:s22] =	ssyncset.done $0x0  }
0x30: {  	[sflag:s22] =	ssyncadd.s32 $0xFFFFFE00  }
0x31: {  	[tilespmem:s18], [sflag:$0x1] =	stream.indirect.gather [hbm4b:s1+s17], $0x80, s21, s17, $0xb8;
	[tilespmem:$0x1C000] =	vst v63  }
0x32: {  	s11 =	sshrl.u32 s10, $0x3  }
0x33: {  	[tilespmem:s26], [sflag:$0x2] =	stream.indirect.gather [hbm4b:s1+s17], $0x80, s23, s17, $0xb8;
	[tilespmem:$0x1C000] =	vst v63  }
0x34: {  	s7 =	sadd.s32 s4, s11  }
0x35: {  	[tilespmem:s16], [sflag:$0x4] =	stream.linear.gather [hbm4b:s7+s3], $0x200, $0x38;
	[tilespmem:$0x1C000] =	vst v63  }
0x36: {  	_ =	swait.ge [sflag:s19], $0x4000  }
0x37: {  	[sflag:s19] =	ssyncset.done $0x0  }
0x38: {  	[sflag:s19] =	ssyncadd.s32 $0xFFFFC000  }
0x39: {  	[spmem:s2] =	stream.indirect.scatter.add.f32 [tilespmem:s18], [sflag:$0x5], $0x80, s28, s17, $0xb8;
	[tilespmem:$0x1C000] =	vst v63  }
0x3a: {  	_ =	swait.ge [sflag:s15], $0x4000  }
0x3b: {  	[sflag:s15] =	ssyncset.done $0x0  }
0x3c: {  	[sflag:s15] =	ssyncadd.s32 $0xFFFFC000  }
0x3d: {  	_ =	swait.ge [sflag:s29], $0x4000  }
0x3e: {  	[sflag:s29] =	ssyncset.done $0x0  }
0x3f: {  	[sflag:s29] =	ssyncadd.s32 $0xFFFFC000  }
0x40: {  	[spmem:s2] =	stream.indirect.scatter.add.f32 [tilespmem:s26], [sflag:$0x5], $0x80, s30, s17, $0xb8;
	[tilespmem:$0x1C000] =	vst v63  }
0x41: {  	_ =	swait.ge [sflag:s15], $0x4000  }
0x42: {  	[sflag:s15] =	ssyncset.done $0x0  }
0x43: {  	[sflag:s15] =	ssyncadd.s32 $0xFFFFC000  }
0x44: {  	_ =	swait.ge [sflag:s31], $0x200  }
0x45: {  	[sflag:s31] =	ssyncset.done $0x0  }
0x46: {  	s13 =	sadd.s32 $0x200, s10;
	[sflag:s31] =	ssyncadd.s32 $0xFFFFFE00  }
0x47: {  	[tilespmem:s18], [sflag:$0x1] =	stream.indirect.gather [hbm4b:s1+s17], $0x80, s16, s17, $0xb8;
	[tilespmem:$0x1C000] =	vst v63  }
0x48: {  	s7 =	sshrl.u32 s13, $0x3  }
0x49: {  	[tilespmem:s26], [sflag:$0x2] =	stream.indirect.gather [hbm4b:s1+s17], $0x80, s0, s17, $0xb8;
	[tilespmem:$0x1C000] =	vst v63  }
0x4a: {  	s7 =	sadd.s32 s4, s7  }
0x4b: {  	[tilespmem:s21], [sflag:$0x3] =	stream.linear.gather [hbm4b:s7+s3], $0x200, $0x38;
	[tilespmem:$0x1C000] =	vst v63  }
0x4c: {  	_ =	swait.ge [sflag:s19], $0x4000  }
0x4d: {  	[sflag:s19] =	ssyncset.done $0x0  }
0x4e: {  	[sflag:s19] =	ssyncadd.s32 $0xFFFFC000  }
0x4f: {  	[spmem:s2] =	stream.indirect.scatter.add.f32 [tilespmem:s18], [sflag:$0x5], $0x80, s20, s17, $0xb8;
	[tilespmem:$0x1C000] =	vst v63  }
0x50: {  	_ =	swait.ge [sflag:s15], $0x4000  }
0x51: {  	[sflag:s15] =	ssyncset.done $0x0  }
0x52: {  	p1 =	sne.s32 s9, $0x1;
	[sflag:s15] =	ssyncadd.s32 $0xFFFFC000  }
.Ltmp0:
0x53: {  	_ =	swait.ge [sflag:s29], $0x4000;
	(pc) =	sbr.rel @!p1 .LBB2_3-.Ltmp0, $4  }
0x54: {  	[sflag:s29] =	ssyncset.done $0x0  }
0x55: {  	[sflag:s29] =	ssyncadd.s32 $0xFFFFC000  }
0x56: {  	[spmem:s2] =	stream.indirect.scatter.add.f32 [tilespmem:s26], [sflag:$0x5], $0x80, s5, s17, $0xb8;
	[tilespmem:$0x1C000] =	vst v63  }
0x57: {  	s13 =	smov.u32 s10;
	s7 =	sadd.s32 $0xFFFFFFFF, s9;
	_ =	swait.ge [sflag:s15], $0x4000  }
.LBB2_2:
0x58: {  	p1 =	sne.s32 s7, $0x1;
	[sflag:s15] =	ssyncset.done $0x0;
	s13 =	sadd.s32 $0x400, s13  }
0x59: {  	s7 =	sadd.s32 $0xFFFFFFFF, s7;
	[sflag:s15] =	ssyncadd.s32 $0xFFFFC000  }
0x5a: {  	_ =	swait.ge [sflag:s22], $0x200  }
0x5b: {  	[sflag:s22] =	ssyncset.done $0x0  }
0x5c: {  	[sflag:s22] =	ssyncadd.s32 $0xFFFFFE00  }
0x5d: {  	[tilespmem:s18], [sflag:$0x1] =	stream.indirect.gather [hbm4b:s1+s17], $0x80, s21, s17, $0xb8;
	[tilespmem:$0x1C000] =	vst v63  }
0x5e: {  	s11 =	sshrl.u32 s13, $0x3  }
0x5f: {  	[tilespmem:s26], [sflag:$0x2] =	stream.indirect.gather [hbm4b:s1+s17], $0x80, s23, s17, $0xb8;
	[tilespmem:$0x1C000] =	vst v63  }
0x60: {  	s11 =	sadd.s32 s4, s11  }
0x61: {  	[tilespmem:s16], [sflag:$0x4] =	stream.linear.gather [hbm4b:s11+s3], $0x200, $0x38;
	[tilespmem:$0x1C000] =	vst v63  }
0x62: {  	_ =	swait.ge [sflag:s19], $0x4000  }
0x63: {  	[sflag:s19] =	ssyncset.done $0x0  }
0x64: {  	[sflag:s19] =	ssyncadd.s32 $0xFFFFC000  }
0x65: {  	[spmem:s2] =	stream.indirect.scatter.add.f32 [tilespmem:s18], [sflag:$0x5], $0x80, s28, s17, $0xb8;
	[tilespmem:$0x1C000] =	vst v63  }
0x66: {  	_ =	swait.ge [sflag:s15], $0x4000  }
0x67: {  	[sflag:s15] =	ssyncset.done $0x0  }
0x68: {  	[sflag:s15] =	ssyncadd.s32 $0xFFFFC000  }
0x69: {  	_ =	swait.ge [sflag:s29], $0x4000  }
0x6a: {  	[sflag:s29] =	ssyncset.done $0x0  }
0x6b: {  	[sflag:s29] =	ssyncadd.s32 $0xFFFFC000  }
0x6c: {  	[spmem:s2] =	stream.indirect.scatter.add.f32 [tilespmem:s26], [sflag:$0x5], $0x80, s30, s17, $0xb8;
	[tilespmem:$0x1C000] =	vst v63  }
0x6d: {  	_ =	swait.ge [sflag:s15], $0x4000  }
0x6e: {  	[sflag:s15] =	ssyncset.done $0x0  }
0x6f: {  	[sflag:s15] =	ssyncadd.s32 $0xFFFFC000  }
0x70: {  	_ =	swait.ge [sflag:s31], $0x200  }
0x71: {  	[sflag:s31] =	ssyncset.done $0x0  }
0x72: {  	[sflag:s31] =	ssyncadd.s32 $0xFFFFFE00  }
0x73: {  	[tilespmem:s18], [sflag:$0x1] =	stream.indirect.gather [hbm4b:s1+s17], $0x80, s16, s17, $0xb8;
	[tilespmem:$0x1C000] =	vst v63  }
0x74: {  	s11 =	sadd.s32 $0x200, s13  }
0x75: {  	[tilespmem:s26], [sflag:$0x2] =	stream.indirect.gather [hbm4b:s1+s17], $0x80, s0, s17, $0xb8;
	[tilespmem:$0x1C000] =	vst v63  }
0x76: {  	s11 =	sshrl.u32 s11, $0x3  }
0x77: {  	s11 =	sadd.s32 s4, s11  }
0x78: {  	[tilespmem:s21], [sflag:$0x3] =	stream.linear.gather [hbm4b:s11+s3], $0x200, $0x38;
	[tilespmem:$0x1C000] =	vst v63  }
0x79: {  	_ =	swait.ge [sflag:s19], $0x4000  }
0x7a: {  	[sflag:s19] =	ssyncset.done $0x0  }
0x7b: {  	[sflag:s19] =	ssyncadd.s32 $0xFFFFC000  }
0x7c: {  	[spmem:s2] =	stream.indirect.scatter.add.f32 [tilespmem:s18], [sflag:$0x5], $0x80, s20, s17, $0xb8;
	[tilespmem:$0x1C000] =	vst v63  }
0x7d: {  	_ =	swait.ge [sflag:s15], $0x4000  }
0x7e: {  	[sflag:s15] =	ssyncset.done $0x0  }
0x7f: {  	[sflag:s15] =	ssyncadd.s32 $0xFFFFC000  }
.Ltmp1:
0x80: {  	_ =	swait.ge [sflag:s29], $0x4000;
	(pc) =	sbr.rel @p1 .LBB2_2-.Ltmp1, $4  }
0x81: {  	[sflag:s29] =	ssyncset.done $0x0  }
0x82: {  	[sflag:s29] =	ssyncadd.s32 $0xFFFFC000  }
0x83: {  	[spmem:s2] =	stream.indirect.scatter.add.f32 [tilespmem:s26], [sflag:$0x5], $0x80, s5, s17, $0xb8;
	[tilespmem:$0x1C000] =	vst v63  }
0x84: {  	_ =	swait.ge [sflag:s15], $0x4000  }
.LBB2_3:
0x85: {  	[sflag:s15] =	ssyncset.done $0x0  }
0x86: {  	[sflag:s15] =	ssyncadd.s32 $0xFFFFC000  }
0x87: {  	_ =	swait.ge [sflag:s22], $0x200  }
0x88: {  	[sflag:s22] =	ssyncset.done $0x0  }
0x89: {  	[sflag:s22] =	ssyncadd.s32 $0xFFFFFE00  }
0x8a: {  	[bflag:$0x0] =	sbarrier.arrive $0xFFFF  }
0x8b: {  	s7 =	rddreg [dreg:$0x7]  }
0x8c: {  	[hbm:s7], [sflag:s6] =	dma.local [spmem:s24], $0x2700  }
0x8d: {  	_ =	swait.ge [sflag:s15], $0x2700  }
0x8e: {  	s8 =	sadd.s32 $0x1, s8;
	[sflag:s15] =	ssyncset.done $0x0  }
0x8f: {  	p1 =	sne.s32 s8, s12;
	s7 =	rddreg [dreg:$0x8];
	[sflag:s15] =	ssyncadd.s32 $0xFFFFD900  }
0x90: {  	[hbm:s7], [sflag:s6] =	dma.local @!p0 [spmem:s25], $0x100  }
.Ltmp2:
0x91: {  	_ = 	snop;
	(pc) =	sbr.rel @p1 .LBB2_1-.Ltmp2, $4  }
0x92: {  	s7 =	simm.s32 @!p0 $0x5  }
0x93: {  	_ =	swait.ge @!p0 [sflag:s7], $0x100  }
0x94: {  	[sflag:s7] =	ssyncset.done @!p0 $0x0  }
0x95: {  	[sflag:s7] =	ssyncadd.s32 @!p0 $0xFFFFFF00  }
0x96: {  	_ =	sfence.sel $0x180000  }
0x97: {  	[bflag:$0x0] =	sbarrier.arrive $0xFFFF  }
0x98: {  	_ =	strace $0x9000004A  }
0x99: {  	[bflag:$0x2] =	sbarrier.arrive $0xFFFF  }
0x9a: {  	s0 =	rddreg [dreg:$0x3]  }
0x9b: {  	s0 =	sadd.s32 @!p0 $0x100000, s0  }
0x9c: {  	[sflag:s0] =	ssyncadd.tile.s32 @!p0 $0x1;
	_ =	shalt  }
.Lfunc_end2:
_tile_overlayer_lowered:
.L_overlay_start_2:
0x9d: {  	(tag) =	ssettag $0x2  }
0x9e: {  	s0 =	rddreg [dreg:$0x0];
	s2 =	stileid.u32  }
0x9f: {  	s1 =	rddreg [dreg:$0x1];
	p0 =	sne.s32 s2, $0x0  }
0xa0: {  	s3 =	rddreg [dreg:$0x2];
	[bflag:$0x3] =	sbarrier.arrive $0xFFFF;
	s2 =	simm.s32 @!p0 $0x1C05  }
0xa1: {  	[timem:s3], [sflag:s2] =	dma.local @!p0 [hbm:s0], s1  }
0xa2: {  	s0 =	simm.s32 @!p0 $0x5  }
0xa3: {  	_ =	swait.ge @!p0 [sflag:s0], s1  }
0xa4: {  	s1 =	ssub.s32 @!p0 $0x0, s1;
	[sflag:s0] =	ssyncset.done @!p0 $0x0  }
0xa5: {  	[sflag:s0] =	ssyncadd.s32 @!p0 s1  }
0xa6: {  	[bflag:$0x3] =	sbarrier.arrive $0xFFFF  }
0xa7: {  	_ =	shalt  }

// kernel: kernel.13.cloned.1.call-start
scs
__scs_entry_jumppad:
0x0: {  	(pc) =	sbr.rel $0x88, $3  }
0x1: {  	(tag) =	ssettag $0x0;
	lr =	simm.s32 $0x1  }
0x2: {  	[smem:$0x3F8E] =	sst lr;
	_ =	strace $0xD0000000  }
0x3: {  	_ = 	snop  }
0x4: {  	_ = 	snop  }
0x5: {  	_ = 	snop  }
0x6: {  	_ = 	snop  }
0x7: {  	_ = 	snop  }
__scs_overlays_trampoline_lowered:
0x8: {  	[smem:$0x3F9D] =	sst s0  }
0x9: {  	[smem:$0x3F9E] =	sst s1  }
0xa: {  	[smem:$0x3F9F] =	sst s2  }
0xb: {  	[smem:$0x3FA0] =	sst s3  }
0xc: {  	[smem:$0x3FA1] =	sst s4  }
0xd: {  	[smem:$0x3FA2] =	sst s5  }
0xe: {  	[smem:$0x3FA3] =	sst s6  }
0xf: {  	[smem:$0x3FA4] =	sst s7  }
0x10: {  	[smem:$0x3FA5] =	sst s8  }
0x11: {  	[smem:$0x3FA6] =	sst s9;
	s0 =	simm.s32 @!p0 $0x0  }
0x12: {  	s1 =	sld [smem:$0x3F8C];
	s0 =	simm.s32 @p0 $0x1  }
0x13: {  	[smem:$0x3FA7] =	sst s0;
	s0 =	simm.s32 @!p1 $0x0  }
0x14: {  	s2 =	sld [smem:$0x3F8B];
	s0 =	simm.s32 @p1 $0x1  }
0x15: {  	[smem:$0x3FA8] =	sst s0;
	s0 =	simm.s32 @!p2 $0x0  }
0x16: {  	s3 =	sld [smem:$0x3FDB];
	s0 =	simm.s32 @p2 $0x1  }
0x17: {  	s4 =	simm.s32 $0x1BF5;
	[smem:$0x3FAA] =	sst s0  }
0x18: {  	s0 =	sld [smem:$0x3F8D];
	_ =	swait.ge [sflag:s4], $0x0  }
0x19: {  	s7 =	sld [smem:$0x3F8E]  }
0x1a: {  	s8 =	sadd.s32 $0xFFFFE003, lr  }
0x1b: {  	s9 =	sadd.s32 $0xFFFFFEF7, lr;
	s5 =	simm.s32 $0xFFFFFFFF;
	p2 =	slt.u32 s8, $0xFFFFF086  }
0x1c: {  	p1 =	slt.u32 s9, $0xF7A;
	s5 =	simm.s32 @!p2 $0x0  }
0x1d: {  	s5 =	simm.s32 @p1 $0x1;
	p0 =	seq.s32 s7, s2  }
0x1e: {  	s7 =	smul.u32 @!p0 $0xF7A, s2;
	p2 =	seq.s32 @!p0 s5, $0x0  }
0x1f: {  	s9 =	smul.u32 $0xF7A, s1;
	s8 =	simm.s32 @!p0 $0x1BF5;
	p2 =	por !p2, p0  }
0x20: {  	[sflag:s8] =	ssyncset.s32 @!p0 $0xFFFFF086;
	s6 =	sadd.s32 @!p0 s3, s7;
	s7 =	simm.s32 @!p0 $0x108  }
0x21: {  	s3 =	sadd.s32 s3, s9;
	s6 =	sadd.s32 @!p0 $0x88, s6;
	s7 =	simm.s32 @p2 $0x1082  }
0x22: {  	[simem:s7], [sflag:s8] =	dma.local @!p0 [hbm:s6], $0xF7A  }
0x23: {  	s9 =	sor.u32 $0xD0000000, s2;
	s6 =	simm.s32 $0x108;
	_ =	swait.ge @!p0 [sflag:s8], $0x0  }
0x24: {  	s3 =	sadd.s32 $0x88, s3;
	s6 =	simm.s32 @!p1 $0x1082;
	[sflag:s4] =	ssyncset.s32 $0xFFFFF086  }
0x25: {  	[simem:s6], [sflag:s4] =	dma.local [hbm:s3], $0xF7A  }
0x26: {  	[smem:$0x3F8E] =	sst s1;
	(tag) =	ssettag s2;
	_ =	strace s9  }
0x27: {  	s1 =	sld [smem:$0x3F9E]  }
0x28: {  	s2 =	sld [smem:$0x3F9F]  }
0x29: {  	s4 =	sld [smem:$0x3FA1]  }
0x2a: {  	p0 =	seq.s32 s5, $0x0;
	s5 =	sld [smem:$0x3FA2]  }
0x2b: {  	s6 =	sld [smem:$0x3FA3]  }
0x2c: {  	s7 =	sld [smem:$0x3FA4]  }
0x2d: {  	s3 =	simm.s32 $0x108;
	s8 =	sld [smem:$0x3FA5]  }
0x2e: {  	s3 =	simm.s32 @!p0 $0x1082;
	s9 =	sld [smem:$0x3FA6]  }
0x2f: {  	lr =	sadd.s32 s0, s3;
	s0 =	sld [smem:$0x3F9D]  }
0x30: {  	s3 =	sld [smem:$0x3FA0]  }
0x31: {  	[smem:$0x3FA9] =	sst s10  }
0x32: {  	s10 =	sld [smem:$0x3FA7];
	_ =	sdelay $0x3  }
0x33: {  	p0 =	seq.s32 s10, $0x1;
	s10 =	sld [smem:$0x3FA9];
	_ =	sdelay $0x3  }
0x34: {  	[smem:$0x3FA9] =	sst s10  }
0x35: {  	s10 =	sld [smem:$0x3FA8];
	_ =	sdelay $0x3  }
0x36: {  	p1 =	seq.s32 s10, $0x1;
	s10 =	sld [smem:$0x3FA9];
	_ =	sdelay $0x3  }
0x37: {  	[smem:$0x3FA9] =	sst s10  }
0x38: {  	s10 =	sld [smem:$0x3FAA]  }
0x39: {  	_ = 	snop;
	(pc) =	sbr.ind lr, $3  }
0x3a: {  	_ = 	snop  }
0x3b: {  	_ = 	snop  }
0x3c: {  	p2 =	seq.s32 s10, $0x1;
	s10 =	sld [smem:$0x3FA9]  }
0x3d: {  	_ =	shalt  }
0x3e: {  	_ =	shalt  }
0x3f: {  	_ =	shalt  }
0x40: {  	_ =	shalt  }
0x41: {  	_ =	shalt  }
0x42: {  	_ =	shalt  }
0x43: {  	_ =	shalt  }
0x44: {  	_ =	shalt  }
0x45: {  	_ =	shalt  }
0x46: {  	_ =	shalt  }
0x47: {  	_ =	shalt  }
0x48: {  	_ =	shalt  }
0x49: {  	_ =	shalt  }
0x4a: {  	_ =	shalt  }
0x4b: {  	_ =	shalt  }
0x4c: {  	_ =	shalt  }
0x4d: {  	_ =	shalt  }
0x4e: {  	_ =	shalt  }
0x4f: {  	_ =	shalt  }
0x50: {  	_ =	shalt  }
0x51: {  	_ =	shalt  }
0x52: {  	_ =	shalt  }
0x53: {  	_ =	shalt  }
0x54: {  	_ =	shalt  }
0x55: {  	_ =	shalt  }
0x56: {  	_ =	shalt  }
0x57: {  	_ =	shalt  }
0x58: {  	_ =	shalt  }
0x59: {  	_ =	shalt  }
0x5a: {  	_ =	shalt  }
0x5b: {  	_ =	shalt  }
0x5c: {  	_ =	shalt  }
0x5d: {  	_ =	shalt  }
0x5e: {  	_ =	shalt  }
0x5f: {  	_ =	shalt  }
0x60: {  	_ =	shalt  }
0x61: {  	_ =	shalt  }
0x62: {  	_ =	shalt  }
0x63: {  	_ =	shalt  }
0x64: {  	_ =	shalt  }
0x65: {  	_ =	shalt  }
0x66: {  	_ =	shalt  }
0x67: {  	_ =	shalt  }
0x68: {  	_ =	shalt  }
0x69: {  	_ =	shalt  }
0x6a: {  	_ =	shalt  }
0x6b: {  	_ =	shalt  }
0x6c: {  	_ =	shalt  }
0x6d: {  	_ =	shalt  }
0x6e: {  	_ =	shalt  }
0x6f: {  	_ =	shalt  }
0x70: {  	_ =	shalt  }
0x71: {  	_ =	shalt  }
0x72: {  	_ =	shalt  }
0x73: {  	_ =	shalt  }
0x74: {  	_ =	shalt  }
0x75: {  	_ =	shalt  }
0x76: {  	_ =	shalt  }
0x77: {  	_ =	shalt  }
0x78: {  	_ =	shalt  }
0x79: {  	_ =	shalt  }
0x7a: {  	_ =	shalt  }
0x7b: {  	_ =	shalt  }
0x7c: {  	_ =	shalt  }
0x7d: {  	_ =	shalt  }
0x7e: {  	_ =	shalt  }
0x7f: {  	_ =	shalt  }
0x80: {  	_ =	shalt  }
0x81: {  	_ =	shalt  }
0x82: {  	_ =	shalt  }
0x83: {  	_ =	shalt  }
0x84: {  	_ =	shalt  }
0x85: {  	_ =	shalt  }
0x86: {  	_ =	shalt  }
0x87: {  	_ =	shalt  }
.Lfunc_end0:
.L_simem_size_0:
called_computation.2_lowered:
.L_overlay_start_0:
0x88: {  	s2 =	sld [smem:$0x3FD9]  }
0x89: {  	s3 =	sld [smem:$0x3FFE];
	_ =	sdelay $0x1  }
0x8a: {  	s1 =	srdreg.scid  }
0x8b: {  	s0 =	sand.u32 $0x1, s1  }
0x8c: {  	s17 =	sshll.u32 s0, $0xA;
	s2 =	sadd.s32 s3, s2  }
0x8d: {  	s2 =	sadd.s32 s2, s17  }
0x8e: {  	[smem:$0x3FB5] =	sst s2  }
0x8f: {  	_ = 	snop  }
0x90: {  	s2 =	sld [smem:$0x3FD0];
	(tm) =	ssettm $0x1  }
0x91: {  	s18 =	sld [smem:$0x3FFB];
	_ =	sdelay $0x3  }
0x92: {  	_ =	strace s18  }
0x93: {  	s3 =	sld [smem:$0x3FFC];
	_ =	sdelay $0x3  }
0x94: {  	_ =	strace s3  }
0x95: {  	s3 =	sld [smem:$0x3FFD];
	_ =	sdelay $0x3  }
0x96: {  	_ =	strace s3  }
0x97: {  	_ =	strace $0x8FFFFFFF  }
0x98: {  	s19 =	sld [smem:$0x3FDB];
	_ =	sdelay $0x1  }
0x99: {  	s4 =	simm.s32 $_scs_section_size  }
0x9a: {  	s5 =	simm.s32 $_size__tile_overlayer_lowered;
	s6 =	simm.s32 $_tile_overlayer_lowered  }
0x9b: {  	s22 =	simm.s32 $0x1BFF;
	s21 =	sshll.u32 s6, $0x1;
	s3 =	sadd.s32 s4, s19  }
0x9c: {  	s7 =	simm.s32 $0x0;
	s20 =	sshll.u32 s5, $0x1;
	s5 =	sadd.s32 s21, s3  }
0x9d: {  	[timem:s7], [sflag:s22] =	dma.local [hbm:s5], s20  }
0x9e: {  	_ =	swait.ge [sflag:s22], s20  }
0x9f: {  	s4 =	ssub.s32 $0x0, s20;
	[sflag:s22] =	ssyncset.done $0x0  }
0xa0: {  	[sflag:s22] =	ssyncadd.s32 s4;
	_ =	sdelay $0x1  }
0xa1: {  	s23 =	simm.s32 $0x1B8B  }
0xa2: {  	_ =	swait.ge [sflag:s23], $0x1  }
0xa3: {  	[sflag:s23] =	ssyncset.done $0x0  }
0xa4: {  	s25 =	simm.s32 $0x1B8E;
	s24 =	sld [smem:$0x3FFE];
	[sflag:s23] =	ssyncadd.s32 $0xFFFFFFFF  }
0xa5: {  	s26 =	simm.s32 $execute0_lowered;
	[smem:$0x3FD2] =	sst s25  }
0xa6: {  	s5 =	sshll.u32 s26, $0x1;
	_ =	strace $0x8000004C;
	[dreg:$0x1] =	wrdreg $0xFFFFFFFF  }
0xa7: {  	s28 =	simm.s32 $_size_execute0_lowered;
	s3 =	sadd.s32 s3, s5;
	[dreg:$0x0] =	wrdreg $0x0  }
0xa8: {  	s5 =	sshll.u32 s28, $0x1;
	[dreg:$0x2] =	wrdreg s3  }
0xa9: {  	[dreg:$0x3] =	wrdreg s5  }
0xaa: {  	[dreg:$0x4] =	wrdreg $0xC0  }
0xab: {  	_ =	task [dreg:s7], $0x5FFFF  }
0xac: {  	[dreg:$0x1] =	wrdreg $0xFFFFFFFF  }
0xad: {  	[dreg:$0x0] =	wrdreg $0x60  }
0xae: {  	[dreg:$0x2] =	wrdreg s2  }
0xaf: {  	[dreg:$0x3] =	wrdreg s24  }
0xb0: {  	[dreg:$0x4] =	wrdreg $0x0  }
0xb1: {  	[dreg:$0x5] =	wrdreg $0x9  }
0xb2: {  	_ =	task.clear_ibuf [dreg:s7], $0x6FFFF;
	_ =	strace $0x9000004C  }
0xb3: {  	s29 =	simm.s32 $0x9;
	_ =	strace $0x8000004E  }
0xb4: {  	_ =	swait.ge [sflag:s29], $0x1  }
0xb5: {  	[sflag:s29] =	ssyncadd.s32 $0xFFFFFFFF  }
0xb6: {  	_ =	strace $0x9000004E  }
0xb7: {  	_ =	sfence  }
0xb8: {  	s30 =	sld [smem:$0x0];
	_ =	sdelay $0x2  }
0xb9: {  	s31 =	sshll.u32 s1, $0xD;
	s1 =	sshrl.u32 s1, $0x2  }
0xba: {  	s3 =	sand.u32 $0x4000, s31;
	s1 =	sadd.s32 s1, s30  }
0xbb: {  	s0 =	sor.u32 s3, s0;
	s1 =	sshll.u32 s1, $0x11  }
0xbc: {  	s0 =	sor.u32 s1, s0  }
0xbd: {  	s0 =	sadd.s32 $0x8F2B, s0  }
0xbe: {  	[sflag:s0] =	ssyncadd.remote.s32 $0x1  }
0xbf: {  	_ =	sfence.sel $0xFFFF  }
0xc0: {  	[dreg:$0x0] =	wrdreg $0xFFFFFFFF;
	(pc) =	sbr.abs _section_cstart, $3  }
0xc1: {  	[dreg:$0x1] =	wrdreg $0xFFFFFFFF  }
0xc2: {  	_ =	task.clear_ibuf [dreg:s7], $0x2FFFF;
	_ =	strace $0x9FFFFFFF  }
0xc3: {  	(tm) =	ssettm $0x7FFFFFFF  }
tec
execute0_lowered:
.L_overlay_start_1:
0x0: {  	(tag) =	ssettag $0x1  }
0x1: {  	s1 =	rddreg [dreg:$0x0]  }
0x2: {  	s0 =	rddreg [dreg:$0x1]  }
0x3: {  	s2 =	rddreg [dreg:$0x2];
	s3 =	simm.s32 $0x0;
	s4 =	srdreg.scid  }
0x4: {  	s5 =	stileid.u32;
	s15 =	simm.s32 $0x5;
	s16 =	simm.s32 $0x13E00  }
0x5: {  	s17 =	simm.s32 $0x80;
	s18 =	simm.s32 $0x14000;
	s19 =	simm.s32 $0x1  }
0x6: {  	s20 =	simm.s32 $0x13E80;
	s21 =	simm.s32 $0x13C00;
	s28 =	simm.s32 $0x13C80  }
0x7: {  	s29 =	simm.s32 $0x2;
	s30 =	simm.s32 $0x13D80;
	s31 =	simm.s32 $0x4  }
0x8: {  	[smem:$0x7FF] =	sst s3;
	s7 =	sand.u32 $0x1, s4;
	s8 =	smul.u32 $0x4F000, s5  }
0x9: {  	s4 =	sadd.s32 $0x3A00, s0;
	s9 =	sadd.s32 $0x17800, s0;
	s10 =	smul.u32 $0x1D, s5  }
0xa: {  	s0 =	sadd.s32 $0x68200, s0;
	s11 =	smul.u32 $0x4E000, s5;
	s23 =	sshll.u32 s5, $0x6  }
0xb: {  	s14 =	smul.u32 $0x2700, s5;
	_ =	strace $0x8000004D;
	s6 =	ssub.s32 $0x2, s7  }
0xc: {  	[dreg:$0x4] =	wrdreg s9;
	p0 =	seq.s32 s7, $0x0;
	s13 =	smul.u32 $0x27100, s7  }
0xd: {  	s7 =	smul.u32 $0x138800, s7;
	s22 =	sshrl.u32 s6, $0x1;
	s8 =	sshrl.u32 s8, $0x2  }
0xe: {  	s10 =	sadd.s32 $0x810, s10;
	s11 =	sshrl.u32 s11, $0x2;
	s12 =	ssub.s32 s6, s22  }
0xf: {  	s6 =	smul.u32 $0x81, s5;
	s8 =	sadd.s32 s8, s2;
	s13 =	sadd.s32 s14, s13  }
0x10: {  	s7 =	sshrl.u32 s7, $0x3;
	s22 =	simm.s32 $0x3;
	s25 =	sadd.s32 s0, s13  }
0x11: {  	s13 =	sadd.s32 $0x138000, s2;
	s0 =	sadd.s32 s0, s7;
	s12 =	smax.u32 s12, $0x1  }
0x12: {  	s14 =	sshrl.u32 s8, $0x3;
	s8 =	simm.s32 $0x0;
	s10 =	smov.u32 @p0 s6  }
0x13: {  	s6 =	sor.u32 $0x1C05, s23;
	[dreg:$0x7] =	wrdreg s25;
	s0 =	sadd.s32 $0x27000, s0  }
0x14: {  	s23 =	simm.s32 $0x13D00;
	s24 =	sshll.u32 s10, $0x5;
	s26 =	sshll.u32 s10, $0x8  }
0x15: {  	[dreg:$0x8] =	wrdreg s0;
	s0 =	simm.s32 $0x13F00;
	s9 =	sadd.s32 s4, s24  }
0x16: {  	s24 =	sadd.s32 s11, s2;
	[dreg:$0x5] =	wrdreg s9;
	s9 =	sadd.s32 $0x20, s9  }
0x17: {  	s10 =	sadd.s32 $0x300, s26;
	[dreg:$0x6] =	wrdreg s9;
	s9 =	simm.s32 $0x20  }
0x18: {  	s26 =	simm.s32 $0x18000;
	s9 =	simm.s32 @!p0 $0x7;
	p0 =	sne.s32 s5, $0x0  }
0x19: {  	s24 =	sshrl.u32 s24, $0x3;
	s5 =	simm.s32 $0x13F80;
	s25 =	sshrl.u32 @!p0 s13, $0x3  }
.LBB2_1:
0x1a: {  	s7 =	rddreg [dreg:$0x4]  }
0x1b: {  	[spmem:s14], [sflag:s6] =	dma.local [hbm:s7], $0x2780  }
0x1c: {  	_ =	swait.ge [sflag:s15], $0x2780  }
0x1d: {  	[sflag:s15] =	ssyncset.done $0x0  }
0x1e: {  	[sflag:s15] =	ssyncadd.s32 $0xFFFFD880  }
0x1f: {  	[bflag:$0x0] =	sbarrier.arrive $0xFFFF  }
0x20: {  	s11 =	rddreg [dreg:$0x5]  }
0x21: {  	[tilespmem:s16], [sflag:$0x5] =	stream.linear.gather [hbm4b:s11+s3], $0x100, $0x38;
	[tilespmem:$0x1C000] =	vst v63  }
0x22: {  	_ =	swait.ge [sflag:s15], $0x100  }
0x23: {  	[sflag:s15] =	ssyncset.done $0x0  }
0x24: {  	[sflag:s15] =	ssyncadd.s32 $0xFFFFFF00  }
0x25: {  	[tilespmem:s18], [sflag:$0x1] =	stream.indirect.gather [hbm4b:s1+s17], $0x80, s16, s17, $0xb8;
	[tilespmem:$0x1C000] =	vst v63  }
0x26: {  	_ =	swait.ge [sflag:s19], $0x4000  }
0x27: {  	[sflag:s19] =	ssyncset.done $0x0  }
0x28: {  	[sflag:s19] =	ssyncadd.s32 $0xFFFFC000  }
0x29: {  	[spmem:s2] =	stream.indirect.scatter.add.f32 [tilespmem:s18], [sflag:$0x5], $0x80, s20, s17, $0xb8;
	[tilespmem:$0x1C000] =	vst v63  }
0x2a: {  	_ =	swait.ge [sflag:s15], $0x4000  }
0x2b: {  	[sflag:s15] =	ssyncset.done $0x0  }
0x2c: {  	s13 =	rddreg [dreg:$0x6];
	[sflag:s15] =	ssyncadd.s32 $0xFFFFC000  }
0x2d: {  	[tilespmem:s21], [sflag:$0x3] =	stream.linear.gather [hbm4b:s13+s3], $0x200, $0x38;
	[tilespmem:$0x1C000] =	vst v63  }
0x2e: {  	_ =	swait.ge [sflag:s22], $0x200  }
0x2f: {  	[sflag:s22] =	ssyncset.done $0x0  }
0x30: {  	[sflag:s22] =	ssyncadd.s32 $0xFFFFFE00  }
0x31: {  	[tilespmem:s18], [sflag:$0x1] =	stream.indirect.gather [hbm4b:s1+s17], $0x80, s21, s17, $0xb8;
	[tilespmem:$0x1C000] =	vst v63  }
0x32: {  	s11 =	sshrl.u32 s10, $0x3  }
0x33: {  	[tilespmem:s26], [sflag:$0x2] =	stream.indirect.gather [hbm4b:s1+s17], $0x80, s23, s17, $0xb8;
	[tilespmem:$0x1C000] =	vst v63  }
0x34: {  	s7 =	sadd.s32 s4, s11  }
0x35: {  	[tilespmem:s16], [sflag:$0x4] =	stream.linear.gather [hbm4b:s7+s3], $0x200, $0x38;
	[tilespmem:$0x1C000] =	vst v63  }
0x36: {  	_ =	swait.ge [sflag:s19], $0x4000  }
0x37: {  	[sflag:s19] =	ssyncset.done $0x0  }
0x38: {  	[sflag:s19] =	ssyncadd.s32 $0xFFFFC000  }
0x39: {  	[spmem:s2] =	stream.indirect.scatter.add.f32 [tilespmem:s18], [sflag:$0x5], $0x80, s28, s17, $0xb8;
	[tilespmem:$0x1C000] =	vst v63  }
0x3a: {  	_ =	swait.ge [sflag:s15], $0x4000  }
0x3b: {  	[sflag:s15] =	ssyncset.done $0x0  }
0x3c: {  	[sflag:s15] =	ssyncadd.s32 $0xFFFFC000  }
0x3d: {  	_ =	swait.ge [sflag:s29], $0x4000  }
0x3e: {  	[sflag:s29] =	ssyncset.done $0x0  }
0x3f: {  	[sflag:s29] =	ssyncadd.s32 $0xFFFFC000  }
0x40: {  	[spmem:s2] =	stream.indirect.scatter.add.f32 [tilespmem:s26], [sflag:$0x5], $0x80, s30, s17, $0xb8;
	[tilespmem:$0x1C000] =	vst v63  }
0x41: {  	_ =	swait.ge [sflag:s15], $0x4000  }
0x42: {  	[sflag:s15] =	ssyncset.done $0x0  }
0x43: {  	[sflag:s15] =	ssyncadd.s32 $0xFFFFC000  }
0x44: {  	_ =	swait.ge [sflag:s31], $0x200  }
0x45: {  	[sflag:s31] =	ssyncset.done $0x0  }
0x46: {  	s13 =	sadd.s32 $0x200, s10;
	[sflag:s31] =	ssyncadd.s32 $0xFFFFFE00  }
0x47: {  	[tilespmem:s18], [sflag:$0x1] =	stream.indirect.gather [hbm4b:s1+s17], $0x80, s16, s17, $0xb8;
	[tilespmem:$0x1C000] =	vst v63  }
0x48: {  	s7 =	sshrl.u32 s13, $0x3  }
0x49: {  	[tilespmem:s26], [sflag:$0x2] =	stream.indirect.gather [hbm4b:s1+s17], $0x80, s0, s17, $0xb8;
	[tilespmem:$0x1C000] =	vst v63  }
0x4a: {  	s7 =	sadd.s32 s4, s7  }
0x4b: {  	[tilespmem:s21], [sflag:$0x3] =	stream.linear.gather [hbm4b:s7+s3], $0x200, $0x38;
	[tilespmem:$0x1C000] =	vst v63  }
0x4c: {  	_ =	swait.ge [sflag:s19], $0x4000  }
0x4d: {  	[sflag:s19] =	ssyncset.done $0x0  }
0x4e: {  	[sflag:s19] =	ssyncadd.s32 $0xFFFFC000  }
0x4f: {  	[spmem:s2] =	stream.indirect.scatter.add.f32 [tilespmem:s18], [sflag:$0x5], $0x80, s20, s17, $0xb8;
	[tilespmem:$0x1C000] =	vst v63  }
0x50: {  	_ =	swait.ge [sflag:s15], $0x4000  }
0x51: {  	[sflag:s15] =	ssyncset.done $0x0  }
0x52: {  	p1 =	sne.s32 s9, $0x1;
	[sflag:s15] =	ssyncadd.s32 $0xFFFFC000  }
.Ltmp0:
0x53: {  	_ =	swait.ge [sflag:s29], $0x4000;
	(pc) =	sbr.rel @!p1 .LBB2_3-.Ltmp0, $4  }
0x54: {  	[sflag:s29] =	ssyncset.done $0x0  }
0x55: {  	[sflag:s29] =	ssyncadd.s32 $0xFFFFC000  }
0x56: {  	[spmem:s2] =	stream.indirect.scatter.add.f32 [tilespmem:s26], [sflag:$0x5], $0x80, s5, s17, $0xb8;
	[tilespmem:$0x1C000] =	vst v63  }
0x57: {  	s13 =	smov.u32 s10;
	s7 =	sadd.s32 $0xFFFFFFFF, s9;
	_ =	swait.ge [sflag:s15], $0x4000  }
.LBB2_2:
0x58: {  	p1 =	sne.s32 s7, $0x1;
	[sflag:s15] =	ssyncset.done $0x0;
	s13 =	sadd.s32 $0x400, s13  }
0x59: {  	s7 =	sadd.s32 $0xFFFFFFFF, s7;
	[sflag:s15] =	ssyncadd.s32 $0xFFFFC000  }
0x5a: {  	_ =	swait.ge [sflag:s22], $0x200  }
0x5b: {  	[sflag:s22] =	ssyncset.done $0x0  }
0x5c: {  	[sflag:s22] =	ssyncadd.s32 $0xFFFFFE00  }
0x5d: {  	[tilespmem:s18], [sflag:$0x1] =	stream.indirect.gather [hbm4b:s1+s17], $0x80, s21, s17, $0xb8;
	[tilespmem:$0x1C000] =	vst v63  }
0x5e: {  	s11 =	sshrl.u32 s13, $0x3  }
0x5f: {  	[tilespmem:s26], [sflag:$0x2] =	stream.indirect.gather [hbm4b:s1+s17], $0x80, s23, s17, $0xb8;
	[tilespmem:$0x1C000] =	vst v63  }
0x60: {  	s11 =	sadd.s32 s4, s11  }
0x61: {  	[tilespmem:s16], [sflag:$0x4] =	stream.linear.gather [hbm4b:s11+s3], $0x200, $0x38;
	[tilespmem:$0x1C000] =	vst v63  }
0x62: {  	_ =	swait.ge [sflag:s19], $0x4000  }
0x63: {  	[sflag:s19] =	ssyncset.done $0x0  }
0x64: {  	[sflag:s19] =	ssyncadd.s32 $0xFFFFC000  }
0x65: {  	[spmem:s2] =	stream.indirect.scatter.add.f32 [tilespmem:s18], [sflag:$0x5], $0x80, s28, s17, $0xb8;
	[tilespmem:$0x1C000] =	vst v63  }
0x66: {  	_ =	swait.ge [sflag:s15], $0x4000  }
0x67: {  	[sflag:s15] =	ssyncset.done $0x0  }
0x68: {  	[sflag:s15] =	ssyncadd.s32 $0xFFFFC000  }
0x69: {  	_ =	swait.ge [sflag:s29], $0x4000  }
0x6a: {  	[sflag:s29] =	ssyncset.done $0x0  }
0x6b: {  	[sflag:s29] =	ssyncadd.s32 $0xFFFFC000  }
0x6c: {  	[spmem:s2] =	stream.indirect.scatter.add.f32 [tilespmem:s26], [sflag:$0x5], $0x80, s30, s17, $0xb8;
	[tilespmem:$0x1C000] =	vst v63  }
0x6d: {  	_ =	swait.ge [sflag:s15], $0x4000  }
0x6e: {  	[sflag:s15] =	ssyncset.done $0x0  }
0x6f: {  	[sflag:s15] =	ssyncadd.s32 $0xFFFFC000  }
0x70: {  	_ =	swait.ge [sflag:s31], $0x200  }
0x71: {  	[sflag:s31] =	ssyncset.done $0x0  }
0x72: {  	[sflag:s31] =	ssyncadd.s32 $0xFFFFFE00  }
0x73: {  	[tilespmem:s18], [sflag:$0x1] =	stream.indirect.gather [hbm4b:s1+s17], $0x80, s16, s17, $0xb8;
	[tilespmem:$0x1C000] =	vst v63  }
0x74: {  	s11 =	sadd.s32 $0x200, s13  }
0x75: {  	[tilespmem:s26], [sflag:$0x2] =	stream.indirect.gather [hbm4b:s1+s17], $0x80, s0, s17, $0xb8;
	[tilespmem:$0x1C000] =	vst v63  }
0x76: {  	s11 =	sshrl.u32 s11, $0x3  }
0x77: {  	s11 =	sadd.s32 s4, s11  }
0x78: {  	[tilespmem:s21], [sflag:$0x3] =	stream.linear.gather [hbm4b:s11+s3], $0x200, $0x38;
	[tilespmem:$0x1C000] =	vst v63  }
0x79: {  	_ =	swait.ge [sflag:s19], $0x4000  }
0x7a: {  	[sflag:s19] =	ssyncset.done $0x0  }
0x7b: {  	[sflag:s19] =	ssyncadd.s32 $0xFFFFC000  }
0x7c: {  	[spmem:s2] =	stream.indirect.scatter.add.f32 [tilespmem:s18], [sflag:$0x5], $0x80, s20, s17, $0xb8;
	[tilespmem:$0x1C000] =	vst v63  }
0x7d: {  	_ =	swait.ge [sflag:s15], $0x4000  }
0x7e: {  	[sflag:s15] =	ssyncset.done $0x0  }
0x7f: {  	[sflag:s15] =	ssyncadd.s32 $0xFFFFC000  }
.Ltmp1:
0x80: {  	_ =	swait.ge [sflag:s29], $0x4000;
	(pc) =	sbr.rel @p1 .LBB2_2-.Ltmp1, $4  }
0x81: {  	[sflag:s29] =	ssyncset.done $0x0  }
0x82: {  	[sflag:s29] =	ssyncadd.s32 $0xFFFFC000  }
0x83: {  	[spmem:s2] =	stream.indirect.scatter.add.f32 [tilespmem:s26], [sflag:$0x5], $0x80, s5, s17, $0xb8;
	[tilespmem:$0x1C000] =	vst v63  }
0x84: {  	_ =	swait.ge [sflag:s15], $0x4000  }
.LBB2_3:
0x85: {  	[sflag:s15] =	ssyncset.done $0x0  }
0x86: {  	[sflag:s15] =	ssyncadd.s32 $0xFFFFC000  }
0x87: {  	_ =	swait.ge [sflag:s22], $0x200  }
0x88: {  	[sflag:s22] =	ssyncset.done $0x0  }
0x89: {  	[sflag:s22] =	ssyncadd.s32 $0xFFFFFE00  }
0x8a: {  	[bflag:$0x0] =	sbarrier.arrive $0xFFFF  }
0x8b: {  	s7 =	rddreg [dreg:$0x7]  }
0x8c: {  	[hbm:s7], [sflag:s6] =	dma.local [spmem:s24], $0x2700  }
0x8d: {  	_ =	swait.ge [sflag:s15], $0x2700  }
0x8e: {  	s8 =	sadd.s32 $0x1, s8;
	[sflag:s15] =	ssyncset.done $0x0  }
0x8f: {  	p1 =	sne.s32 s8, s12;
	s7 =	rddreg [dreg:$0x8];
	[sflag:s15] =	ssyncadd.s32 $0xFFFFD900  }
0x90: {  	[hbm:s7], [sflag:s6] =	dma.local @!p0 [spmem:s25], $0x100  }
.Ltmp2:
0x91: {  	_ = 	snop;
	(pc) =	sbr.rel @p1 .LBB2_1-.Ltmp2, $4  }
0x92: {  	s7 =	simm.s32 @!p0 $0x5  }
0x93: {  	_ =	swait.ge @!p0 [sflag:s7], $0x100  }
0x94: {  	[sflag:s7] =	ssyncset.done @!p0 $0x0  }
0x95: {  	[sflag:s7] =	ssyncadd.s32 @!p0 $0xFFFFFF00  }
0x96: {  	_ =	sfence.sel $0x180000  }
0x97: {  	[bflag:$0x0] =	sbarrier.arrive $0xFFFF  }
0x98: {  	_ =	strace $0x9000004D  }
0x99: {  	[bflag:$0x2] =	sbarrier.arrive $0xFFFF  }
0x9a: {  	s0 =	rddreg [dreg:$0x3]  }
0x9b: {  	s0 =	sadd.s32 @!p0 $0x100000, s0  }
0x9c: {  	[sflag:s0] =	ssyncadd.tile.s32 @!p0 $0x1;
	_ =	shalt  }
.Lfunc_end2:
_tile_overlayer_lowered:
.L_overlay_start_2:
0x9d: {  	(tag) =	ssettag $0x2  }
0x9e: {  	s0 =	rddreg [dreg:$0x0];
	s2 =	stileid.u32  }
0x9f: {  	s1 =	rddreg [dreg:$0x1];
	p0 =	sne.s32 s2, $0x0  }
0xa0: {  	s3 =	rddreg [dreg:$0x2];
	[bflag:$0x3] =	sbarrier.arrive $0xFFFF;
	s2 =	simm.s32 @!p0 $0x1C05  }
0xa1: {  	[timem:s3], [sflag:s2] =	dma.local @!p0 [hbm:s0], s1  }
0xa2: {  	s0 =	simm.s32 @!p0 $0x5  }
0xa3: {  	_ =	swait.ge @!p0 [sflag:s0], s1  }
0xa4: {  	s1 =	ssub.s32 @!p0 $0x0, s1;
	[sflag:s0] =	ssyncset.done @!p0 $0x0  }
0xa5: {  	[sflag:s0] =	ssyncadd.s32 @!p0 s1  }
0xa6: {  	[bflag:$0x3] =	sbarrier.arrive $0xFFFF  }
0xa7: {  	_ =	shalt  }

// kernel: kernel.7.cloned.1.call-start
scs
__scs_entry_jumppad:
0x0: {  	(pc) =	sbr.rel $0x88, $3  }
0x1: {  	(tag) =	ssettag $0x0;
	lr =	simm.s32 $0x1  }
0x2: {  	[smem:$0x3F8E] =	sst lr;
	_ =	strace $0xD0000000  }
0x3: {  	_ = 	snop  }
0x4: {  	_ = 	snop  }
0x5: {  	_ = 	snop  }
0x6: {  	_ = 	snop  }
0x7: {  	_ = 	snop  }
__scs_overlays_trampoline_lowered:
0x8: {  	[smem:$0x3F9D] =	sst s0  }
0x9: {  	[smem:$0x3F9E] =	sst s1  }
0xa: {  	[smem:$0x3F9F] =	sst s2  }
0xb: {  	[smem:$0x3FA0] =	sst s3  }
0xc: {  	[smem:$0x3FA1] =	sst s4  }
0xd: {  	[smem:$0x3FA2] =	sst s5  }
0xe: {  	[smem:$0x3FA3] =	sst s6  }
0xf: {  	[smem:$0x3FA4] =	sst s7  }
0x10: {  	[smem:$0x3FA5] =	sst s8  }
0x11: {  	[smem:$0x3FA6] =	sst s9;
	s0 =	simm.s32 @!p0 $0x0  }
0x12: {  	s1 =	sld [smem:$0x3F8C];
	s0 =	simm.s32 @p0 $0x1  }
0x13: {  	[smem:$0x3FA7] =	sst s0;
	s0 =	simm.s32 @!p1 $0x0  }
0x14: {  	s2 =	sld [smem:$0x3F8B];
	s0 =	simm.s32 @p1 $0x1  }
0x15: {  	[smem:$0x3FA8] =	sst s0;
	s0 =	simm.s32 @!p2 $0x0  }
0x16: {  	s3 =	sld [smem:$0x3FDB];
	s0 =	simm.s32 @p2 $0x1  }
0x17: {  	s4 =	simm.s32 $0x1BF5;
	[smem:$0x3FAA] =	sst s0  }
0x18: {  	s0 =	sld [smem:$0x3F8D];
	_ =	swait.ge [sflag:s4], $0x0  }
0x19: {  	s7 =	sld [smem:$0x3F8E]  }
0x1a: {  	s8 =	sadd.s32 $0xFFFFE003, lr  }
0x1b: {  	s9 =	sadd.s32 $0xFFFFFEF7, lr;
	s5 =	simm.s32 $0xFFFFFFFF;
	p2 =	slt.u32 s8, $0xFFFFF086  }
0x1c: {  	p1 =	slt.u32 s9, $0xF7A;
	s5 =	simm.s32 @!p2 $0x0  }
0x1d: {  	s5 =	simm.s32 @p1 $0x1;
	p0 =	seq.s32 s7, s2  }
0x1e: {  	s7 =	smul.u32 @!p0 $0xF7A, s2;
	p2 =	seq.s32 @!p0 s5, $0x0  }
0x1f: {  	s9 =	smul.u32 $0xF7A, s1;
	s8 =	simm.s32 @!p0 $0x1BF5;
	p2 =	por !p2, p0  }
0x20: {  	[sflag:s8] =	ssyncset.s32 @!p0 $0xFFFFF086;
	s6 =	sadd.s32 @!p0 s3, s7;
	s7 =	simm.s32 @!p0 $0x108  }
0x21: {  	s3 =	sadd.s32 s3, s9;
	s6 =	sadd.s32 @!p0 $0x88, s6;
	s7 =	simm.s32 @p2 $0x1082  }
0x22: {  	[simem:s7], [sflag:s8] =	dma.local @!p0 [hbm:s6], $0xF7A  }
0x23: {  	s9 =	sor.u32 $0xD0000000, s2;
	s6 =	simm.s32 $0x108;
	_ =	swait.ge @!p0 [sflag:s8], $0x0  }
0x24: {  	s3 =	sadd.s32 $0x88, s3;
	s6 =	simm.s32 @!p1 $0x1082;
	[sflag:s4] =	ssyncset.s32 $0xFFFFF086  }
0x25: {  	[simem:s6], [sflag:s4] =	dma.local [hbm:s3], $0xF7A  }
0x26: {  	[smem:$0x3F8E] =	sst s1;
	(tag) =	ssettag s2;
	_ =	strace s9  }
0x27: {  	s1 =	sld [smem:$0x3F9E]  }
0x28: {  	s2 =	sld [smem:$0x3F9F]  }
0x29: {  	s4 =	sld [smem:$0x3FA1]  }
0x2a: {  	p0 =	seq.s32 s5, $0x0;
	s5 =	sld [smem:$0x3FA2]  }
0x2b: {  	s6 =	sld [smem:$0x3FA3]  }
0x2c: {  	s7 =	sld [smem:$0x3FA4]  }
0x2d: {  	s3 =	simm.s32 $0x108;
	s8 =	sld [smem:$0x3FA5]  }
0x2e: {  	s3 =	simm.s32 @!p0 $0x1082;
	s9 =	sld [smem:$0x3FA6]  }
0x2f: {  	lr =	sadd.s32 s0, s3;
	s0 =	sld [smem:$0x3F9D]  }
0x30: {  	s3 =	sld [smem:$0x3FA0]  }
0x31: {  	[smem:$0x3FA9] =	sst s10  }
0x32: {  	s10 =	sld [smem:$0x3FA7];
	_ =	sdelay $0x3  }
0x33: {  	p0 =	seq.s32 s10, $0x1;
	s10 =	sld [smem:$0x3FA9];
	_ =	sdelay $0x3  }
0x34: {  	[smem:$0x3FA9] =	sst s10  }
0x35: {  	s10 =	sld [smem:$0x3FA8];
	_ =	sdelay $0x3  }
0x36: {  	p1 =	seq.s32 s10, $0x1;
	s10 =	sld [smem:$0x3FA9];
	_ =	sdelay $0x3  }
0x37: {  	[smem:$0x3FA9] =	sst s10  }
0x38: {  	s10 =	sld [smem:$0x3FAA]  }
0x39: {  	_ = 	snop;
	(pc) =	sbr.ind lr, $3  }
0x3a: {  	_ = 	snop  }
0x3b: {  	_ = 	snop  }
0x3c: {  	p2 =	seq.s32 s10, $0x1;
	s10 =	sld [smem:$0x3FA9]  }
0x3d: {  	_ =	shalt  }
0x3e: {  	_ =	shalt  }
0x3f: {  	_ =	shalt  }
0x40: {  	_ =	shalt  }
0x41: {  	_ =	shalt  }
0x42: {  	_ =	shalt  }
0x43: {  	_ =	shalt  }
0x44: {  	_ =	shalt  }
0x45: {  	_ =	shalt  }
0x46: {  	_ =	shalt  }
0x47: {  	_ =	shalt  }
0x48: {  	_ =	shalt  }
0x49: {  	_ =	shalt  }
0x4a: {  	_ =	shalt  }
0x4b: {  	_ =	shalt  }
0x4c: {  	_ =	shalt  }
0x4d: {  	_ =	shalt  }
0x4e: {  	_ =	shalt  }
0x4f: {  	_ =	shalt  }
0x50: {  	_ =	shalt  }
0x51: {  	_ =	shalt  }
0x52: {  	_ =	shalt  }
0x53: {  	_ =	shalt  }
0x54: {  	_ =	shalt  }
0x55: {  	_ =	shalt  }
0x56: {  	_ =	shalt  }
0x57: {  	_ =	shalt  }
0x58: {  	_ =	shalt  }
0x59: {  	_ =	shalt  }
0x5a: {  	_ =	shalt  }
0x5b: {  	_ =	shalt  }
0x5c: {  	_ =	shalt  }
0x5d: {  	_ =	shalt  }
0x5e: {  	_ =	shalt  }
0x5f: {  	_ =	shalt  }
0x60: {  	_ =	shalt  }
0x61: {  	_ =	shalt  }
0x62: {  	_ =	shalt  }
0x63: {  	_ =	shalt  }
0x64: {  	_ =	shalt  }
0x65: {  	_ =	shalt  }
0x66: {  	_ =	shalt  }
0x67: {  	_ =	shalt  }
0x68: {  	_ =	shalt  }
0x69: {  	_ =	shalt  }
0x6a: {  	_ =	shalt  }
0x6b: {  	_ =	shalt  }
0x6c: {  	_ =	shalt  }
0x6d: {  	_ =	shalt  }
0x6e: {  	_ =	shalt  }
0x6f: {  	_ =	shalt  }
0x70: {  	_ =	shalt  }
0x71: {  	_ =	shalt  }
0x72: {  	_ =	shalt  }
0x73: {  	_ =	shalt  }
0x74: {  	_ =	shalt  }
0x75: {  	_ =	shalt  }
0x76: {  	_ =	shalt  }
0x77: {  	_ =	shalt  }
0x78: {  	_ =	shalt  }
0x79: {  	_ =	shalt  }
0x7a: {  	_ =	shalt  }
0x7b: {  	_ =	shalt  }
0x7c: {  	_ =	shalt  }
0x7d: {  	_ =	shalt  }
0x7e: {  	_ =	shalt  }
0x7f: {  	_ =	shalt  }
0x80: {  	_ =	shalt  }
0x81: {  	_ =	shalt  }
0x82: {  	_ =	shalt  }
0x83: {  	_ =	shalt  }
0x84: {  	_ =	shalt  }
0x85: {  	_ =	shalt  }
0x86: {  	_ =	shalt  }
0x87: {  	_ =	shalt  }
.Lfunc_end0:
.L_simem_size_0:
called_computation_lowered:
.L_overlay_start_0:
0x88: {  	s2 =	sld [smem:$0x3FD9]  }
0x89: {  	s3 =	sld [smem:$0x3FFE];
	_ =	sdelay $0x1  }
0x8a: {  	s1 =	srdreg.scid  }
0x8b: {  	s0 =	sand.u32 $0x1, s1  }
0x8c: {  	s16 =	sshll.u32 s0, $0xA;
	s2 =	sadd.s32 s3, s2  }
0x8d: {  	s2 =	sadd.s32 s2, s16  }
0x8e: {  	[smem:$0x3FB5] =	sst s2  }
0x8f: {  	_ = 	snop  }
0x90: {  	(tm) =	ssettm $0x1  }
0x91: {  	s17 =	sld [smem:$0x3FFB];
	_ =	sdelay $0x3  }
0x92: {  	_ =	strace s17  }
0x93: {  	s2 =	sld [smem:$0x3FFC];
	_ =	sdelay $0x3  }
0x94: {  	_ =	strace s2  }
0x95: {  	s2 =	sld [smem:$0x3FFD];
	_ =	sdelay $0x3  }
0x96: {  	_ =	strace s2  }
0x97: {  	_ =	strace $0x8FFFFFFF  }
0x98: {  	s18 =	sld [smem:$0x3FDB];
	_ =	sdelay $0x1  }
0x99: {  	s19 =	simm.s32 $_scs_section_size  }
0x9a: {  	s4 =	simm.s32 $_size__tile_overlayer_lowered;
	s5 =	simm.s32 $_tile_overlayer_lowered  }
0x9b: {  	s22 =	simm.s32 $0x1BFF;
	s21 =	sshll.u32 s5, $0x1;
	s2 =	sadd.s32 s19, s18  }
0x9c: {  	s6 =	simm.s32 $0x0;
	s20 =	sshll.u32 s4, $0x1;
	s4 =	sadd.s32 s21, s2  }
0x9d: {  	[timem:s6], [sflag:s22] =	dma.local [hbm:s4], s20  }
0x9e: {  	_ =	swait.ge [sflag:s22], s20  }
0x9f: {  	s3 =	ssub.s32 $0x0, s20;
	[sflag:s22] =	ssyncset.done $0x0  }
0xa0: {  	[sflag:s22] =	ssyncadd.s32 s3;
	_ =	sdelay $0x1  }
0xa1: {  	s23 =	simm.s32 $0x1B8B  }
0xa2: {  	_ =	swait.ge [sflag:s23], $0x1  }
0xa3: {  	[sflag:s23] =	ssyncset.done $0x0  }
0xa4: {  	s25 =	simm.s32 $0x1B8E;
	s24 =	sld [smem:$0x3FFE];
	[sflag:s23] =	ssyncadd.s32 $0xFFFFFFFF  }
0xa5: {  	s26 =	simm.s32 $execute0_lowered;
	[smem:$0x3FD2] =	sst s25  }
0xa6: {  	s4 =	sshll.u32 s26, $0x1;
	_ =	strace $0x80000046;
	[dreg:$0x1] =	wrdreg $0xFFFFFFFF  }
0xa7: {  	s28 =	simm.s32 $_size_execute0_lowered;
	s2 =	sadd.s32 s2, s4;
	[dreg:$0x0] =	wrdreg $0x0  }
0xa8: {  	s4 =	sshll.u32 s28, $0x1;
	[dreg:$0x2] =	wrdreg s2  }
0xa9: {  	[dreg:$0x3] =	wrdreg s4  }
0xaa: {  	[dreg:$0x4] =	wrdreg $0xC0  }
0xab: {  	_ =	task [dreg:s6], $0x5FFFF  }
0xac: {  	[dreg:$0x1] =	wrdreg $0xFFFFFFFF  }
0xad: {  	[dreg:$0x0] =	wrdreg $0x60  }
0xae: {  	[dreg:$0x2] =	wrdreg s24  }
0xaf: {  	[dreg:$0x3] =	wrdreg $0x0  }
0xb0: {  	[dreg:$0x4] =	wrdreg $0x9  }
0xb1: {  	_ =	task.clear_ibuf [dreg:s6], $0x5FFFF;
	_ =	strace $0x90000046  }
0xb2: {  	s29 =	simm.s32 $0x9;
	_ =	strace $0x80000048  }
0xb3: {  	_ =	swait.ge [sflag:s29], $0x1  }
0xb4: {  	[sflag:s29] =	ssyncadd.s32 $0xFFFFFFFF  }
0xb5: {  	_ =	strace $0x90000048  }
0xb6: {  	_ =	sfence  }
0xb7: {  	s30 =	sld [smem:$0x0];
	_ =	sdelay $0x2  }
0xb8: {  	s31 =	sshll.u32 s1, $0xD;
	s1 =	sshrl.u32 s1, $0x2  }
0xb9: {  	s3 =	sand.u32 $0x4000, s31;
	s1 =	sadd.s32 s1, s30  }
0xba: {  	s0 =	sor.u32 s3, s0;
	s1 =	sshll.u32 s1, $0x11  }
0xbb: {  	s0 =	sor.u32 s1, s0  }
0xbc: {  	s0 =	sadd.s32 $0x8F2B, s0  }
0xbd: {  	[sflag:s0] =	ssyncadd.remote.s32 $0x1  }
0xbe: {  	_ =	sfence.sel $0xFFFF  }
0xbf: {  	[dreg:$0x0] =	wrdreg $0xFFFFFFFF;
	(pc) =	sbr.abs _section_cstart, $3  }
0xc0: {  	[dreg:$0x1] =	wrdreg $0xFFFFFFFF  }
0xc1: {  	_ =	task.clear_ibuf [dreg:s6], $0x2FFFF;
	_ =	strace $0x9FFFFFFF  }
0xc2: {  	(tm) =	ssettm $0x7FFFFFFF  }
0xc3: {  	_ =	shalt  }
tec
execute0_lowered:
.L_overlay_start_1:
0x0: {  	(tag) =	ssettag $0x1  }
0x1: {  	s4 =	rddreg [dreg:$0x0]  }
0x2: {  	s1 =	rddreg [dreg:$0x1]  }
0x3: {  	s0 =	rddreg [dreg:$0x2];
	s2 =	simm.s32 $0x0;
	s3 =	srdreg.scid  }
0x4: {  	s23 =	stileid.u32;
	[smem:$0x7FF] =	sst s2  }
0x5: {  	s9 =	sand.u32 $0x1, s3;
	s7 =	sshll.u32 s23, $0x1;
	s10 =	smul.u32 $0x4F000, s23  }
0x6: {  	s12 =	sadd.s32 $0x9DB800, s4;
	s11 =	sadd.s32 $0x3A00, s4;
	s17 =	smul.u32 $0x2700, s23  }
0x7: {  	s3 =	sadd.s32 $0x17800, s4;
	s14 =	sadd.s32 $0x1A000, s4;
	s22 =	smul.u32 $0x9E, s23  }
0x8: {  	s19 =	sshll.u32 s23, $0x6;
	s25 =	sadd.s32 $0x138000, s1;
	s20 =	smul.u32 $0x27100, s9  }
0x9: {  	p0 =	sne.s32 s23, $0x0;
	_ =	strace $0x80000047;
	s29 =	smul.u32 $0x4F, s9  }
0xa: {  	s5 =	sor.u32 s9, s7;
	s6 =	ssub.s32 $0x2, s9;
	s30 =	smul.u32 $0x27800, s9  }
0xb: {  	s4 =	sor.u32 $0x1C03, s19;
	s19 =	simm.s32 $0x13C80;
	s7 =	smul.u32 $0x9E0, s5  }
0xc: {  	s8 =	sshrl.u32 s6, $0x1;
	s13 =	smul.u32 $0x27800, s5;
	s18 =	sshrl.u32 s10, $0x2  }
0xd: {  	s10 =	sadd.s32 s10, s12;
	s15 =	ssub.s32 s6, s8;
	s8 =	smul.u32 $0x4E000, s23  }
0xe: {  	s16 =	sadd.s32 s18, s1;
	s18 =	smul.u32 $0x138800, s9;
	s26 =	sadd.s32 s17, s20  }
0xf: {  	s17 =	simm.s32 $0x1;
	s20 =	simm.s32 $0x17E00;
	s5 =	sadd.s32 s11, s7  }
0x10: {  	s6 =	sadd.s32 s12, s13;
	s7 =	sadd.s32 s14, s26;
	s13 =	sadd.s32 s29, s22  }
0x11: {  	s9 =	smax.u32 s15, $0x1;
	s15 =	simm.s32 $0x13C00;
	s22 =	simm.s32 $0x13D80  }
0x12: {  	s21 =	sshrl.u32 s8, $0x2;
	s28 =	sshrl.u32 s18, $0x3;
	s31 =	sshll.u32 s13, $0x5  }
0x13: {  	s13 =	sshll.u32 s13, $0xB;
	s18 =	simm.s32 $0x80;
	s24 =	sadd.s32 s21, s1  }
0x14: {  	s8 =	sadd.s32 s14, s28;
	s11 =	sadd.s32 s11, s31;
	s14 =	sadd.s32 s30, s10  }
0x15: {  	s12 =	sadd.s32 s12, s13;
	s13 =	sshrl.u32 s16, $0x3;
	s16 =	simm.s32 $0x13E00  }
0x16: {  	s21 =	simm.s32 $0x2;
	s8 =	sadd.s32 $0x27000, s8;
	s10 =	sadd.s32 $0x20, s11  }
0x17: {  	s11 =	sadd.s32 $0x1000, s14;
	s12 =	sadd.s32 $0x800, s12;
	s14 =	simm.s32 $0x3  }
0x18: {  	s23 =	sshrl.u32 s24, $0x3;
	s24 =	sshrl.u32 @!p0 s25, $0x3;
	s25 =	simm.s32 $0x0  }
.LBB2_1:
0x19: {  	[spmem:s13], [sflag:s4] =	dma.local [hbm:s3], $0x2780  }
0x1a: {  	_ =	swait.ge [sflag:s14], $0x2780  }
0x1b: {  	[sflag:s14] =	ssyncset.done $0x0  }
0x1c: {  	[sflag:s14] =	ssyncadd.s32 $0xFFFFD880  }
0x1d: {  	[bflag:$0x0] =	sbarrier.arrive $0xFFFF  }
0x1e: {  	[tilespmem:s15], [sflag:$0x3] =	stream.linear.gather [hbm4b:s5+s2], $0x100, $0x38;
	[tilespmem:$0x1BE00] =	vst v63  }
0x1f: {  	_ =	swait.ge [sflag:s14], $0x100  }
0x20: {  	[sflag:s14] =	ssyncset.done $0x0  }
0x21: {  	[sflag:s14] =	ssyncadd.s32 $0xFFFFFF00  }
0x22: {  	[tilespmem:s16], [sflag:$0x1] =	stream.linear.gather [hbm4b:s6+s2], $0x4000, $0x38;
	[tilespmem:$0x1BE00] =	vst v63  }
0x23: {  	_ =	swait.ge [sflag:s17], $0x4000  }
0x24: {  	[sflag:s17] =	ssyncset.done $0x0  }
0x25: {  	[sflag:s17] =	ssyncadd.s32 $0xFFFFC000  }
0x26: {  	[spmem:s1] =	stream.indirect.scatter.add.f32 [tilespmem:s16], [sflag:$0x3], $0x80, s19, s18, $0xb8;
	[tilespmem:$0x1BE00] =	vst v63  }
0x27: {  	_ =	swait.ge [sflag:s14], $0x4000  }
0x28: {  	[sflag:s14] =	ssyncset.done $0x0  }
0x29: {  	[sflag:s14] =	ssyncadd.s32 $0xFFFFC000  }
0x2a: {  	[tilespmem:s15], [sflag:$0x3] =	stream.linear.gather [hbm4b:s10+s2], $0x200, $0x38;
	[tilespmem:$0x1BE00] =	vst v63  }
0x2b: {  	_ =	swait.ge [sflag:s14], $0x200  }
0x2c: {  	[sflag:s14] =	ssyncset.done $0x0  }
0x2d: {  	s26 =	sadd.s32 $0x0, s12;
	[sflag:s14] =	ssyncadd.s32 $0xFFFFFE00  }
0x2e: {  	[tilespmem:s16], [sflag:$0x1] =	stream.linear.gather [hbm4b:s26+s2], $0x4000, $0x38;
	[tilespmem:$0x1BE00] =	vst v63  }
0x2f: {  	s31 =	sadd.s32 $0x0, s11  }
0x30: {  	[tilespmem:s20], [sflag:$0x2] =	stream.linear.gather [hbm4b:s31+s2], $0x4000, $0x38;
	[tilespmem:$0x1BE00] =	vst v63  }
0x31: {  	_ =	swait.ge [sflag:s17], $0x4000  }
0x32: {  	[sflag:s17] =	ssyncset.done $0x0  }
0x33: {  	[sflag:s17] =	ssyncadd.s32 $0xFFFFC000  }
0x34: {  	[spmem:s1] =	stream.indirect.scatter.add.f32 [tilespmem:s16], [sflag:$0x3], $0x80, s19, s18, $0xb8;
	[tilespmem:$0x1BE00] =	vst v63  }
0x35: {  	_ =	swait.ge [sflag:s14], $0x4000  }
0x36: {  	[sflag:s14] =	ssyncset.done $0x0  }
0x37: {  	[sflag:s14] =	ssyncadd.s32 $0xFFFFC000  }
0x38: {  	_ =	swait.ge [sflag:s21], $0x4000  }
0x39: {  	[sflag:s21] =	ssyncset.done $0x0  }
0x3a: {  	[sflag:s21] =	ssyncadd.s32 $0xFFFFC000  }
0x3b: {  	[spmem:s1] =	stream.indirect.scatter.add.f32 [tilespmem:s20], [sflag:$0x3], $0x80, s22, s18, $0xb8;
	[tilespmem:$0x1BE00] =	vst v63  }
0x3c: {  	_ =	swait.ge [sflag:s14], $0x4000  }
0x3d: {  	s28 =	smov.u32 s10;
	s26 =	simm.s32 $0x1000;
	[sflag:s14] =	ssyncset.done $0x0  }
.LBB2_2:
0x3e: {  	p1 =	sne.s32 s26, $0x26000;
	[sflag:s14] =	ssyncadd.s32 $0xFFFFC000;
	s28 =	sadd.s32 $0x40, s28  }
0x3f: {  	[tilespmem:s15], [sflag:$0x3] =	stream.linear.gather [hbm4b:s28+s2], $0x200, $0x38;
	[tilespmem:$0x1BE00] =	vst v63  }
0x40: {  	s29 =	smov.u32 s26;
	s26 =	sadd.s32 $0x1000, s26;
	_ =	swait.ge [sflag:s14], $0x200  }
0x41: {  	[sflag:s14] =	ssyncset.done $0x0  }
0x42: {  	s30 =	sadd.s32 s29, s12;
	[sflag:s14] =	ssyncadd.s32 $0xFFFFFE00  }
0x43: {  	[tilespmem:s16], [sflag:$0x1] =	stream.linear.gather [hbm4b:s30+s2], $0x4000, $0x38;
	[tilespmem:$0x1BE00] =	vst v63  }
0x44: {  	s29 =	sadd.s32 s29, s11  }
0x45: {  	[tilespmem:s20], [sflag:$0x2] =	stream.linear.gather [hbm4b:s29+s2], $0x4000, $0x38;
	[tilespmem:$0x1BE00] =	vst v63  }
0x46: {  	_ =	swait.ge [sflag:s17], $0x4000  }
0x47: {  	[sflag:s17] =	ssyncset.done $0x0  }
0x48: {  	[sflag:s17] =	ssyncadd.s32 $0xFFFFC000  }
0x49: {  	[spmem:s1] =	stream.indirect.scatter.add.f32 [tilespmem:s16], [sflag:$0x3], $0x80, s19, s18, $0xb8;
	[tilespmem:$0x1BE00] =	vst v63  }
0x4a: {  	_ =	swait.ge [sflag:s14], $0x4000  }
0x4b: {  	[sflag:s14] =	ssyncset.done $0x0  }
0x4c: {  	[sflag:s14] =	ssyncadd.s32 $0xFFFFC000  }
0x4d: {  	_ =	swait.ge [sflag:s21], $0x4000  }
.Ltmp0:
0x4e: {  	[sflag:s21] =	ssyncset.done $0x0;
	(pc) =	sbr.rel @p1 .LBB2_2-.Ltmp0, $4  }
0x4f: {  	[sflag:s21] =	ssyncadd.s32 $0xFFFFC000  }
0x50: {  	[spmem:s1] =	stream.indirect.scatter.add.f32 [tilespmem:s20], [sflag:$0x3], $0x80, s22, s18, $0xb8;
	[tilespmem:$0x1BE00] =	vst v63  }
0x51: {  	_ =	swait.ge [sflag:s14], $0x4000  }
0x52: {  	[sflag:s14] =	ssyncset.done $0x0  }
0x53: {  	[sflag:s14] =	ssyncadd.s32 $0xFFFFC000  }
0x54: {  	[bflag:$0x0] =	sbarrier.arrive $0xFFFF  }
0x55: {  	[hbm:s7], [sflag:s4] =	dma.local [spmem:s23], $0x2700  }
0x56: {  	s25 =	sadd.s32 $0x1, s25;
	_ =	swait.ge [sflag:s14], $0x2700  }
0x57: {  	p1 =	sne.s32 s25, s9;
	[sflag:s14] =	ssyncset.done $0x0  }
.Ltmp1:
0x58: {  	s26 =	simm.s32 @!p0 $0x3;
	[sflag:s14] =	ssyncadd.s32 $0xFFFFD900;
	(pc) =	sbr.rel @p1 .LBB2_1-.Ltmp1, $4  }
0x59: {  	[hbm:s8], [sflag:s4] =	dma.local @!p0 [spmem:s24], $0x100  }
0x5a: {  	_ =	swait.ge @!p0 [sflag:s26], $0x100  }
0x5b: {  	[sflag:s26] =	ssyncset.done @!p0 $0x0  }
0x5c: {  	[sflag:s26] =	ssyncadd.s32 @!p0 $0xFFFFFF00  }
0x5d: {  	_ =	sfence.sel $0x180000  }
0x5e: {  	[bflag:$0x0] =	sbarrier.arrive $0xFFFF  }
0x5f: {  	_ =	strace $0x90000047  }
0x60: {  	s0 =	sadd.s32 @!p0 $0x100000, s0;
	[bflag:$0x2] =	sbarrier.arrive $0xFFFF  }
0x61: {  	[sflag:s0] =	ssyncadd.tile.s32 @!p0 $0x1;
	_ =	shalt  }
.Lfunc_end2:
_tile_overlayer_lowered:
.L_overlay_start_2:
0x62: {  	(tag) =	ssettag $0x2  }
0x63: {  	s0 =	rddreg [dreg:$0x0];
	s2 =	stileid.u32  }
0x64: {  	s1 =	rddreg [dreg:$0x1];
	p0 =	sne.s32 s2, $0x0  }
0x65: {  	s3 =	rddreg [dreg:$0x2];
	[bflag:$0x3] =	sbarrier.arrive $0xFFFF;
	s2 =	simm.s32 @!p0 $0x1C03  }
0x66: {  	[timem:s3], [sflag:s2] =	dma.local @!p0 [hbm:s0], s1  }
0x67: {  	s0 =	simm.s32 @!p0 $0x3  }
0x68: {  	_ =	swait.ge @!p0 [sflag:s0], s1  }
0x69: {  	s1 =	ssub.s32 @!p0 $0x0, s1;
	[sflag:s0] =	ssyncset.done @!p0 $0x0  }
0x6a: {  	[sflag:s0] =	ssyncadd.s32 @!p0 s1  }
0x6b: {  	[bflag:$0x3] =	sbarrier.arrive $0xFFFF  }
0x6c: {  	_ =	shalt  }

</sc_bundles>
